<compile_context>
chip_gen: v7x
topology: tpu7x:2x2x1
jax: 0.10.2.dev20260603
libtpu: 0.0.44.dev20260713+nightly
codegen_flags: <defaults>
</compile_context>

<pallas_src>
import functools
import math

import jax
import jax.numpy as jnp
from jax.experimental import pallas as pl
from jax.experimental.pallas import tpu as pltpu
from jax.experimental.pallas import tpu_sc as plsc

NH = 8
HD = 32
TK = 2
QC = 2048
SB = 256
RC = 1024
HG = 4

_F32 = jnp.float32
_BF16 = jnp.bfloat16
_FP8 = jnp.float8_e4m3fn


_C_EXP2 = math.log2(math.e) / math.sqrt(float(HD))


def _write_qkv(h_bf, wq_ref, bq_ref, wk_ref, bk_ref, wv_ref, bv_ref,
               q_ref, k_ref, v_ref):
    q = (jnp.dot(h_bf, wq_ref[...], preferred_element_type=_F32)
         + bq_ref[...]) * _C_EXP2
    k = jnp.dot(h_bf, wk_ref[...], preferred_element_type=_F32) + bk_ref[...]
    v = jnp.dot(h_bf, wv_ref[...], preferred_element_type=_F32) + bv_ref[...]
    ones = jnp.ones((v.shape[0], 1), _BF16)
    for i in range(NH):
        sl = slice(i * HD, (i + 1) * HD)
        q_ref[i] = q[:, sl].astype(_BF16)
        k_ref[i] = jnp.concatenate([k[:, sl].astype(_BF16), ones], axis=-1)
        v_ref[i] = jnp.concatenate([v[:, sl].astype(_BF16), ones], axis=-1)


def _embed_qkv_body(xs_ref, win_ref, bin_ref,
                    wq_ref, bq_ref, wk_ref, bk_ref, wv_ref, bv_ref,
                    h_ref, q_ref, k_ref, v_ref):
    h = (jnp.dot(xs_ref[0], win_ref[...], preferred_element_type=_F32)
         + bin_ref[...])
    h_ref[0] = h
    _write_qkv(h.astype(_BF16), wq_ref, bq_ref, wk_ref, bk_ref, wv_ref,
               bv_ref, q_ref, k_ref, v_ref)


def _attn_body(q_ref, k_ref, v_ref, o_ref):
    for hh in range(HG):
        k = k_ref[hh]
        kf = k[:, :HD].astype(_F32)
        nk2 = jnp.max(jnp.sum(kf * kf, axis=-1))
        for j in range(QC // SB):
            rows = slice(j * SB, (j + 1) * SB)
            q = q_ref[hh, rows, :]
            qf = q.astype(_F32)
            mhat = jnp.sqrt(jnp.sum(qf * qf, axis=-1, keepdims=True) * nk2)
            qa = jnp.concatenate([q, (-mhat).astype(_BF16)], axis=-1)
            s = jax.lax.dot_general(
                qa, k, (((1,), (1,)), ((), ())),
                preferred_element_type=_F32,
            )
            e = jnp.exp2(s.astype(_BF16))
            oa = jnp.dot(e, v_ref[hh], preferred_element_type=_F32)
            r = oa[:, HD:HD + 1]
            o_ref[hh, rows, :] = (oa[:, :HD] * (1.0 / r)).astype(_BF16)


def _layer_norm(x, g, b, eps=1e-5):
    mu = jnp.mean(x, axis=-1, keepdims=True)
    xc = x - mu
    var = jnp.mean(xc * xc, axis=-1, keepdims=True)
    return xc / jnp.sqrt(var + eps) * g + b


def _post_compute(o_ref, h_ref, wo_ref, bo_ref, g1_ref, be1_ref,
                  w1_ref, bf1_ref, w2_ref, bf2_ref, g2_ref, be2_ref):
    a = jnp.concatenate([o_ref[i] for i in range(NH)], axis=-1)
    o = jnp.dot(a, wo_ref[...], preferred_element_type=_F32) + bo_ref[...]
    h1 = _layer_norm(h_ref[0] + o, g1_ref[...], be1_ref[...])
    f1 = jax.nn.relu(
        jnp.dot(h1.astype(_BF16), w1_ref[...], preferred_element_type=_F32)
        + bf1_ref[...]
    )
    f = jnp.dot(f1.astype(_BF16), w2_ref[...], preferred_element_type=_F32
                ) + bf2_ref[...]
    return _layer_norm(h1 + f, g2_ref[...], be2_ref[...])


def _post_qkv_body(o_ref, h_ref, wo_ref, bo_ref, g1_ref, be1_ref,
                   w1_ref, bf1_ref, w2_ref, bf2_ref, g2_ref, be2_ref,
                   wq_ref, bq_ref, wk_ref, bk_ref, wv_ref, bv_ref,
                   out_ref, q_ref, k_ref, v_ref):
    h2 = _post_compute(o_ref, h_ref, wo_ref, bo_ref, g1_ref, be1_ref,
                       w1_ref, bf1_ref, w2_ref, bf2_ref, g2_ref, be2_ref)
    out_ref[0] = h2
    _write_qkv(h2.astype(_BF16), wq_ref, bq_ref, wk_ref, bk_ref, wv_ref,
               bv_ref, q_ref, k_ref, v_ref)


def _post_head_body(o_ref, h_ref, wo_ref, bo_ref, g1_ref, be1_ref,
                    w1_ref, bf1_ref, w2_ref, bf2_ref, g2_ref, be2_ref,
                    wfc_ref, bfc_ref, lg_ref, acc_ref):
    h2 = _post_compute(o_ref, h_ref, wo_ref, bo_ref, g1_ref, be1_ref,
                       w1_ref, bf1_ref, w2_ref, bf2_ref, g2_ref, be2_ref)
    fm = jnp.max(h2, axis=0, keepdims=True)
    r = pl.program_id(1)
    nr = pl.num_programs(1)

    @pl.when(r == 0)
    def _():
        acc_ref[...] = fm

    @pl.when(r > 0)
    def _():
        acc_ref[...] = jnp.maximum(acc_ref[...], fm)

    @pl.when(r == nr - 1)
    def _():
        lg_ref[0] = (
            jnp.dot(acc_ref[...], wfc_ref[...], preferred_element_type=_F32)
            + bfc_ref[...]
        )


def _router_sc(logits):
    B, E = logits.shape
    mesh = plsc.VectorSubcoreMesh(core_axis_name="c", subcore_axis_name="s")

    @functools.partial(
        pl.kernel,
        out_type=[
            jax.ShapeDtypeStruct((B, E), jnp.float32),
            jax.ShapeDtypeStruct((B, E), jnp.int32),
        ],
        mesh=mesh,
        scratch_types=[
            pltpu.VMEM((E,), jnp.float32),
            pltpu.VMEM((E,), jnp.float32),
            pltpu.VMEM((E,), jnp.int32),
        ],
        compiler_params=pltpu.CompilerParams(needs_layout_passes=False),
    )
    def krn(lg_hbm, rw_hbm, idx_hbm, lg_v, rw_v, idx_v):
        wid = jax.lax.axis_index("s") * 2 + jax.lax.axis_index("c")

        @pl.when(wid < B)
        def _():
            pltpu.sync_copy(lg_hbm.at[wid], lg_v)
            v = lg_v[...]
            io = jax.lax.iota(jnp.int32, E)
            sent = jnp.int32(E)
            l1 = jnp.max(v)
            i1 = jnp.min(jnp.where(v == l1, io, sent))
            m1 = io == i1
            v2 = jnp.where(m1, -jnp.inf, v)
            l2 = jnp.max(v2)
            i2 = jnp.min(jnp.where(v2 == l2, io, sent))
            e = jnp.exp(jnp.full((E,), l2 - l1, jnp.float32))
            denom = 1.0 + e
            w1 = 1.0 / denom
            w2 = e / denom
            zero = jnp.zeros_like(v)
            rw_v[...] = jnp.where(m1, w1, jnp.where(io == i2, w2, zero))
            idx_v[...] = jnp.where(io == 0, i1, jnp.where(io == 1, i2, 0))
            pltpu.sync_copy(rw_v, rw_hbm.at[wid])
            pltpu.sync_copy(idx_v, idx_hbm.at[wid])

    rw, idx = krn(logits)
    return rw, idx[:, :TK]


def _c0(n):
    return lambda b, r: (0,) * n


def _pipeline(x, W_in, b_in, Wq, bq, Wk, bk, Wv, bv, Wo, bo, g1, be1,
              W1, bf1, W2, bf2, g2, be2, Wfc, bfc):
    B, C, Ht, W = x.shape
    D = W_in.shape[1]
    L = Wq.shape[0]
    S = W
    E = Wfc.shape[1]
    dff = W1.shape[2]
    BH = B * NH

    xs = jnp.transpose(x[:, :, 0, :], (0, 2, 1))
    Wq_b, Wk_b, Wv_b = (w.astype(_BF16) for w in (Wq, Wk, Wv))
    Wo_b, W1_b, W2_b = (w.astype(_BF16) for w in (Wo, W1, W2))

    row = lambda shape: pl.BlockSpec(shape, lambda b, r: (b, r, 0))
    headrow = lambda shape: pl.BlockSpec(shape, lambda b, r: (b, r, 0))
    wspec = lambda shape: pl.BlockSpec(shape, _c0(len(shape)))

    qkv_in = [
        wspec((D, D)), wspec((1, D)),
        wspec((D, D)), wspec((1, D)),
        wspec((D, D)), wspec((1, D)),
    ]
    qkv_out_specs = [
        headrow((NH, RC, HD)),
        headrow((NH, RC, HD + 1)),
        headrow((NH, RC, HD + 1)),
    ]
    qkv_out_shape = [
        jax.ShapeDtypeStruct((BH, S, HD), _BF16),
        jax.ShapeDtypeStruct((BH, S, HD + 1), _BF16),
        jax.ShapeDtypeStruct((BH, S, HD + 1), _BF16),
    ]
    post_in = [
        headrow((NH, RC, HD)),
        row((1, RC, D)),
        wspec((D, D)), wspec((1, D)),
        wspec((1, D)), wspec((1, D)),
        wspec((D, dff)), wspec((1, dff)),
        wspec((dff, D)), wspec((1, D)),
        wspec((1, D)), wspec((1, D)),
    ]

    embed_qkv = pl.pallas_call(
        _embed_qkv_body,
        grid=(B, S // RC),
        in_specs=[row((1, RC, C)), wspec((C, D)), wspec((1, D))] + qkv_in,
        out_specs=[row((1, RC, D))] + qkv_out_specs,
        out_shape=[jax.ShapeDtypeStruct((B, S, D), _F32)] + qkv_out_shape,
    )

    attn = pl.pallas_call(
        _attn_body,
        grid=(BH // HG, S // QC),
        in_specs=[
            pl.BlockSpec((HG, QC, HD), lambda bh, c: (bh, c, 0)),
            pl.BlockSpec((HG, S, HD + 1), lambda bh, c: (bh, 0, 0)),
            pl.BlockSpec((HG, S, HD + 1), lambda bh, c: (bh, 0, 0)),
        ],
        out_specs=pl.BlockSpec((HG, QC, HD), lambda bh, c: (bh, c, 0)),
        out_shape=jax.ShapeDtypeStruct((BH, S, HD), _BF16),
    )

    post_qkv = pl.pallas_call(
        _post_qkv_body,
        grid=(B, S // RC),
        in_specs=post_in + qkv_in,
        out_specs=[row((1, RC, D))] + qkv_out_specs,
        out_shape=[jax.ShapeDtypeStruct((B, S, D), _F32)] + qkv_out_shape,
    )

    post_head = pl.pallas_call(
        _post_head_body,
        grid=(B, S // RC),
        in_specs=post_in + [wspec((D, E)), wspec((1, E))],
        out_specs=pl.BlockSpec((1, 1, E), lambda b, r: (b, 0, 0)),
        out_shape=jax.ShapeDtypeStruct((B, 1, E), _F32),
        scratch_shapes=[pltpu.VMEM((1, D), _F32)],
    )

    def layer_weights(i):
        return (Wo_b[i], bo[i].reshape(1, D),
                g1[i].reshape(1, D), be1[i].reshape(1, D),
                W1_b[i], bf1[i].reshape(1, dff),
                W2_b[i], bf2[i].reshape(1, D),
                g2[i].reshape(1, D), be2[i].reshape(1, D))

    def qkv_weights(i):
        return (Wq_b[i], bq[i].reshape(1, D), Wk_b[i], bk[i].reshape(1, D),
                Wv_b[i], bv[i].reshape(1, D))

    h, q, k, v = embed_qkv(xs, W_in, b_in.reshape(1, D), *qkv_weights(0))
    for i in range(L - 1):
        o = attn(q, k, v)
        h, q, k, v = post_qkv(o, h, *layer_weights(i), *qkv_weights(i + 1))
    o = attn(q, k, v)
    logits3 = post_head(o, h, *layer_weights(L - 1), Wfc, bfc.reshape(1, E))
    router_logits = logits3.reshape(B, E)

    routing_weights, top_k_indices = _router_sc(router_logits)
    return (routing_weights, top_k_indices, router_logits)


def kernel(x, W_in, b_in, Wq, bq, Wk, bk, Wv, bv, Wo, bo, g1, be1,
           W1, bf1, W2, bf2, g2, be2, Wfc, bfc):
    return _pipeline(x, W_in, b_in, Wq, bq, Wk, bk, Wv, bv, Wo, bo, g1, be1,
                     W1, bf1, W2, bf2, g2, be2, Wfc, bfc)

# --- scband reference (transcript-rebuilt; emitter-appended) ---
"""Pipeline reference for scband-router-46626164965529 (READ-ONLY COPY).

The authoritative reference and input builder live on the scoring server;
editing this copy changes nothing except your own understanding.
"""

import jax, jax.numpy as jnp
import numpy as np

NUM_HEADS = 8
TOP_K = 2


def layer_norm(x, g, b, eps=1e-5):
    mu = jnp.mean(x, axis=-1, keepdims=True)
    var = jnp.var(x, axis=-1, keepdims=True)
    return (x - mu) / jnp.sqrt(var + eps) * g + b


def setup_inputs(seed: int = 0) -> dict:
    key = jax.random.key(seed)
    ks = jax.random.split(key, 16)
    B, C, Ht, W = 4, 64, 16, 2048
    hdim, L, E, dff = 256, 2, 16, 1024

    def s(k, shape, scale=0.05):
        return jax.random.normal(k, shape, dtype=jnp.float32) * scale

    return {
        "x": jax.random.normal(ks[0], (B, C, Ht, W), dtype=jnp.float32),
        "W_in": s(ks[1], (C, hdim)), "b_in": jnp.zeros((hdim,), jnp.float32),
        "Wq": s(ks[2], (L, hdim, hdim)), "bq": jnp.zeros((L, hdim), jnp.float32),
        "Wk": s(ks[3], (L, hdim, hdim)), "bk": jnp.zeros((L, hdim), jnp.float32),
        "Wv": s(ks[4], (L, hdim, hdim)), "bv": jnp.zeros((L, hdim), jnp.float32),
        "Wo": s(ks[5], (L, hdim, hdim)), "bo": jnp.zeros((L, hdim), jnp.float32),
        "g1": jnp.ones((L, hdim), jnp.float32), "be1": jnp.zeros((L, hdim), jnp.float32),
        "W1": s(ks[6], (L, hdim, dff)), "bf1": jnp.zeros((L, dff), jnp.float32),
        "W2": s(ks[7], (L, dff, hdim)), "bf2": jnp.zeros((L, hdim), jnp.float32),
        "g2": jnp.ones((L, hdim), jnp.float32), "be2": jnp.zeros((L, hdim), jnp.float32),
        "Wfc": s(ks[8], (hdim, E)), "bfc": jnp.zeros((E,), jnp.float32),
    }


def _encoder(xs, W_in, b_in, Wq, bq, Wk, bk, Wv, bv, Wo, bo, g1, be1, W1, bf1, W2, bf2, g2, be2):
    B, S, _ = xs.shape
    h = xs @ W_in + b_in
    L = Wq.shape[0]
    nh = NUM_HEADS
    hd = h.shape[-1] // nh
    for i in range(L):
        q = (h @ Wq[i] + bq[i]).reshape(B, S, nh, hd).transpose(0, 2, 1, 3)
        k = (h @ Wk[i] + bk[i]).reshape(B, S, nh, hd).transpose(0, 2, 1, 3)
        v = (h @ Wv[i] + bv[i]).reshape(B, S, nh, hd).transpose(0, 2, 1, 3)
        a = jax.nn.softmax(jnp.einsum("bhqd,bhkd->bhqk", q, k) / jnp.sqrt(float(hd)), axis=-1)
        o = jnp.einsum("bhqk,bhkd->bhqd", a, v).transpose(0, 2, 1, 3).reshape(B, S, nh * hd)
        o = o @ Wo[i] + bo[i]
        h = layer_norm(h + o, g1[i], be1[i])
        f = jax.nn.relu(h @ W1[i] + bf1[i]) @ W2[i] + bf2[i]
        h = layer_norm(h + f, g2[i], be2[i])
    return h


def reference(x, W_in, b_in, Wq, bq, Wk, bk, Wv, bv, Wo, bo, g1, be1, W1, bf1, W2, bf2, g2, be2, Wfc, bfc):
    B, C, Ht, W = x.shape
    ic = x[:, :, 0, :]                     # (B, C, W)
    xs = jnp.transpose(ic, (0, 2, 1))      # (B, W, C)
    h = _encoder(xs, W_in, b_in, Wq, bq, Wk, bk, Wv, bv, Wo, bo, g1, be1, W1, bf1, W2, bf2, g2, be2)
    feats = jnp.max(h, axis=1)             # (B, hdim)
    router_logits = feats @ Wfc + bfc      # (B, E)
    top_k_logits, top_k_indices = jax.lax.top_k(router_logits, TOP_K)
    top_k_weights = jax.nn.softmax(top_k_logits / 1.0, axis=-1)
    routing_weights = jnp.zeros_like(router_logits).at[
        jnp.arange(B)[:, None], top_k_indices
    ].set(top_k_weights)
    return (routing_weights, top_k_indices, router_logits)

if __name__ == "__main__":
    import jax
    _d = setup_inputs()
    print(jax.jit(kernel)(*tuple(_d.values())))

</pallas_src>

<mosaic_0001>
#map = affine_map<(d0, d1) -> (0, 0)>
module attributes {stable_mosaic.version = 14 : i64} {
  func.func @krn(%arg0: i32, %arg1: i32, %arg2: memref<4x16xf32, #tpu.memory_space<hbm>>, %arg3: memref<4x16xf32, #tpu.memory_space<hbm>>, %arg4: memref<4x16xi32, #tpu.memory_space<hbm>>, %arg5: memref<16xf32, #tpu.memory_space<vmem>>, %arg6: memref<16xf32, #tpu.memory_space<vmem>>, %arg7: memref<16xi32, #tpu.memory_space<vmem>>) attributes {dimension_semantics = [#tpu.dimension_semantics<core_parallel>, #tpu.dimension_semantics<subcore_parallel>], iteration_bounds = array<i64: 2, 16>, scalar_prefetch = 0 : i64, scratch_operands = 3 : i64, tpu.core_type = #tpu.core_type<sc_vector_subcore>, window_params = [{transform_indices = #map}, {transform_indices = #map}, {transform_indices = #map}]} {
    %mul3A = arith.constant 2 : i32
    %mul3A_0 = arith.muli %arg1, %mul3A : i32
    %add3A = arith.addi %mul3A_0, %arg0 : i32
    %lt3A = arith.constant 4 : i32
    %lt3A_1 = arith.cmpi slt, %add3A, %lt3A : i32
    %convert_element_type3A = arith.extui %lt3A_1 : i1 to i32
    %cond3A = arith.constant 0 : i32
    %cond3A_2 = arith.cmpi ne, %convert_element_type3A, %cond3A : i32
    scf.if %cond3A_2 {
      "tpu.region"() ({
        %run_scoped3A = tpu.sem_alloc : memref<!tpu.dma_semaphore, #tpu.memory_space<semaphore_mem>>
        %dma_start3A = arith.constant 0 : i32
        %dma_start3A_65 = tpu.memref_slice %arg2[%add3A, %dma_start3A] : memref<4x16xf32, #tpu.memory_space<hbm>> -> memref<1x16xf32, #tpu.memory_space<hbm>>
        %dma_start3A_66 = tpu.memref_squeeze %dma_start3A_65 : memref<1x16xf32, #tpu.memory_space<hbm>> -> memref<16xf32, #tpu.memory_space<hbm>>
        %dma_start3A_67 = arith.constant 0 : i32
        %dma_start3A_68 = tpu.memref_slice %arg2[%add3A, %dma_start3A_67] : memref<4x16xf32, #tpu.memory_space<hbm>> -> memref<1x16xf32, #tpu.memory_space<hbm>>
        %dma_start3A_69 = tpu.memref_squeeze %dma_start3A_68 : memref<1x16xf32, #tpu.memory_space<hbm>> -> memref<16xf32, #tpu.memory_space<hbm>>
        tpu.enqueue_dma source(%dma_start3A_69 : memref<16xf32, #tpu.memory_space<hbm>>) target(%arg5 : memref<16xf32, #tpu.memory_space<vmem>>) target_semaphore(%run_scoped3A : memref<!tpu.dma_semaphore, #tpu.memory_space<semaphore_mem>>)
        %dma_wait3A = arith.constant 0 : i32
        %dma_wait3A_70 = tpu.memref_slice %arg2[%add3A, %dma_wait3A] : memref<4x16xf32, #tpu.memory_space<hbm>> -> memref<1x16xf32, #tpu.memory_space<hbm>>
        %dma_wait3A_71 = tpu.memref_squeeze %dma_wait3A_70 : memref<1x16xf32, #tpu.memory_space<hbm>> -> memref<16xf32, #tpu.memory_space<hbm>>
        %dma_wait3A_72 = arith.constant 0 : i32
        %dma_wait3A_73 = tpu.memref_slice %arg2[%add3A, %dma_wait3A_72] : memref<4x16xf32, #tpu.memory_space<hbm>> -> memref<1x16xf32, #tpu.memory_space<hbm>>
        %dma_wait3A_74 = tpu.memref_squeeze %dma_wait3A_73 : memref<1x16xf32, #tpu.memory_space<hbm>> -> memref<16xf32, #tpu.memory_space<hbm>>
        tpu.wait_dma2 semaphore(%run_scoped3A : memref<!tpu.dma_semaphore, #tpu.memory_space<semaphore_mem>>) src(%dma_wait3A_74 : memref<16xf32, #tpu.memory_space<hbm>>) dst(%arg5 : memref<16xf32, #tpu.memory_space<vmem>>)
        tpu.yield
      }) : () -> ()
      %get3A = arith.constant 0 : index
      %get3A_3 = tpu.vector_load %arg5[%get3A] {strides = array<i32>} : memref<16xf32, #tpu.memory_space<vmem>>, vector<16xf32>,
      %iota3A = tpu.iota {dimensions = array<i32: 0>} : vector<16xi32>
      %reduce_max3A = arith.constant true
      %reduce_max3A_4 = vector.broadcast %reduce_max3A : i1 to vector<16xi1>
      %reduce_max3A_5 = tpu.scan <max>, %get3A_3 masked %reduce_max3A_4 : vector<16xf32>, vector<16xi1> -> vector<16xf32>
      %reduce_max3A_6 = vector.extract %reduce_max3A_5[15] : f32 from vector<16xf32>
      %eq3A = vector.broadcast %reduce_max3A_6 : f32 to vector<16xf32>
      %eq3A_7 = arith.cmpf oeq, %get3A_3, %eq3A : vector<16xf32>
      %jit3A = arith.constant 16 : i32
      %broadcast_in_dim3A = vector.broadcast %jit3A : i32 to vector<16xi32>
      %select_n3A = arith.select %eq3A_7, %iota3A, %broadcast_in_dim3A : vector<16xi1>, vector<16xi32>
      %reduce_min3A = arith.constant true
      %reduce_min3A_8 = vector.broadcast %reduce_min3A : i1 to vector<16xi1>
      %reduce_min3A_9 = arith.constant -2147483648 : i32
      %reduce_min3A_10 = vector.broadcast %reduce_min3A_9 : i32 to vector<16xi32>
      %reduce_min3A_11 = arith.xori %select_n3A, %reduce_min3A_10 : vector<16xi32>
      %reduce_min3A_12 = tpu.scan <min>, %reduce_min3A_11 masked %reduce_min3A_8 : vector<16xi32>, vector<16xi1> -> vector<16xi32>
      %reduce_min3A_13 = arith.xori %reduce_min3A_12, %reduce_min3A_10 : vector<16xi32>
      %reduce_min3A_14 = vector.extract %reduce_min3A_13[15] : i32 from vector<16xi32>
      %eq3A_15 = vector.broadcast %reduce_min3A_14 : i32 to vector<16xi32>
      %eq3A_16 = arith.cmpi eq, %iota3A, %eq3A_15 : vector<16xi32>
      %jit3A_17 = arith.constant 0xFF800000 : f32
      %broadcast_in_dim3A_18 = vector.broadcast %jit3A_17 : f32 to vector<16xf32>
      %select_n3A_19 = arith.select %eq3A_16, %broadcast_in_dim3A_18, %get3A_3 : vector<16xi1>, vector<16xf32>
      %reduce_max3A_20 = arith.constant true
      %reduce_max3A_21 = vector.broadcast %reduce_max3A_20 : i1 to vector<16xi1>
      %reduce_max3A_22 = tpu.scan <max>, %select_n3A_19 masked %reduce_max3A_21 : vector<16xf32>, vector<16xi1> -> vector<16xf32>
      %reduce_max3A_23 = vector.extract %reduce_max3A_22[15] : f32 from vector<16xf32>
      %eq3A_24 = vector.broadcast %reduce_max3A_23 : f32 to vector<16xf32>
      %eq3A_25 = arith.cmpf oeq, %select_n3A_19, %eq3A_24 : vector<16xf32>
      %jit3A_26 = arith.constant 16 : i32
      %broadcast_in_dim3A_27 = vector.broadcast %jit3A_26 : i32 to vector<16xi32>
      %select_n3A_28 = arith.select %eq3A_25, %iota3A, %broadcast_in_dim3A_27 : vector<16xi1>, vector<16xi32>
      %reduce_min3A_29 = arith.constant true
      %reduce_min3A_30 = vector.broadcast %reduce_min3A_29 : i1 to vector<16xi1>
      %reduce_min3A_31 = arith.constant -2147483648 : i32
      %reduce_min3A_32 = vector.broadcast %reduce_min3A_31 : i32 to vector<16xi32>
      %reduce_min3A_33 = arith.xori %select_n3A_28, %reduce_min3A_32 : vector<16xi32>
      %reduce_min3A_34 = tpu.scan <min>, %reduce_min3A_33 masked %reduce_min3A_30 : vector<16xi32>, vector<16xi1> -> vector<16xi32>
      %reduce_min3A_35 = arith.xori %reduce_min3A_34, %reduce_min3A_32 : vector<16xi32>
      %reduce_min3A_36 = vector.extract %reduce_min3A_35[15] : i32 from vector<16xi32>
      %sub3A = arith.subf %reduce_max3A_23, %reduce_max3A_6 : f32
      %broadcast_in_dim3A_37 = vector.broadcast %sub3A : f32 to vector<16xf32>
      %exp3A = math.exp %broadcast_in_dim3A_37 : vector<16xf32>
      %add3A_38 = arith.constant 1.000000e+00 : f32
      %add3A_39 = vector.broadcast %add3A_38 : f32 to vector<16xf32>
      %add3A_40 = arith.addf %add3A_39, %exp3A : vector<16xf32>
      %div3A = arith.constant 1.000000e+00 : f32
      %div3A_41 = vector.broadcast %div3A : f32 to vector<16xf32>
      %div3A_42 = arith.divf %div3A_41, %add3A_40 : vector<16xf32>
      %div3A_43 = arith.divf %exp3A, %add3A_40 : vector<16xf32>
      %broadcast_in_dim3A_44 = arith.constant 0.000000e+00 : f32
      %broadcast_in_dim3A_45 = vector.broadcast %broadcast_in_dim3A_44 : f32 to vector<16xf32>
      %eq3A_46 = vector.broadcast %reduce_min3A_36 : i32 to vector<16xi32>
      %eq3A_47 = arith.cmpi eq, %iota3A, %eq3A_46 : vector<16xi32>
      %select_n3A_48 = arith.select %eq3A_47, %div3A_43, %broadcast_in_dim3A_45 : vector<16xi1>, vector<16xf32>
      %select_n3A_49 = arith.select %eq3A_16, %div3A_42, %select_n3A_48 : vector<16xi1>, vector<16xf32>
      %swap3A = arith.constant 0 : index
      %swap3A_50 = tpu.vector_load %arg6[%swap3A] {strides = array<i32>} : memref<16xf32, #tpu.memory_space<vmem>>, vector<16xf32>,
      tpu.vector_store %arg6[%swap3A], %select_n3A_49 {strides = array<i32>} : memref<16xf32, #tpu.memory_space<vmem>>, vector<16xf32>,
      %eq3A_51 = arith.constant 0 : i32
      %eq3A_52 = vector.broadcast %eq3A_51 : i32 to vector<16xi32>
      %eq3A_53 = arith.cmpi eq, %iota3A, %eq3A_52 : vector<16xi32>
      %eq3A_54 = arith.constant 1 : i32
      %eq3A_55 = vector.broadcast %eq3A_54 : i32 to vector<16xi32>
      %eq3A_56 = arith.cmpi eq, %iota3A, %eq3A_55 : vector<16xi32>
      %jit3A_57 = arith.constant 0 : i32
      %broadcast_in_dim3A_58 = vector.broadcast %reduce_min3A_36 : i32 to vector<16xi32>
      %broadcast_in_dim3A_59 = vector.broadcast %jit3A_57 : i32 to vector<16xi32>
      %select_n3A_60 = arith.select %eq3A_56, %broadcast_in_dim3A_58, %broadcast_in_dim3A_59 : vector<16xi1>, vector<16xi32>
      %broadcast_in_dim3A_61 = vector.broadcast %reduce_min3A_14 : i32 to vector<16xi32>
      %select_n3A_62 = arith.select %eq3A_53, %broadcast_in_dim3A_61, %select_n3A_60 : vector<16xi1>, vector<16xi32>
      %swap3A_63 = arith.constant 0 : index
      %swap3A_64 = tpu.vector_load %arg7[%swap3A_63] {strides = array<i32>} : memref<16xi32, #tpu.memory_space<vmem>>, vector<16xi32>,
      tpu.vector_store %arg7[%swap3A_63], %select_n3A_62 {strides = array<i32>} : memref<16xi32, #tpu.memory_space<vmem>>, vector<16xi32>,
      "tpu.region"() ({
        %run_scoped3A = tpu.sem_alloc : memref<!tpu.dma_semaphore, #tpu.memory_space<semaphore_mem>>
        %dma_start3A = arith.constant 0 : i32
        %dma_start3A_65 = tpu.memref_slice %arg3[%add3A, %dma_start3A] : memref<4x16xf32, #tpu.memory_space<hbm>> -> memref<1x16xf32, #tpu.memory_space<hbm>>
        %dma_start3A_66 = tpu.memref_squeeze %dma_start3A_65 : memref<1x16xf32, #tpu.memory_space<hbm>> -> memref<16xf32, #tpu.memory_space<hbm>>
        %dma_start3A_67 = arith.constant 0 : i32
        %dma_start3A_68 = tpu.memref_slice %arg3[%add3A, %dma_start3A_67] : memref<4x16xf32, #tpu.memory_space<hbm>> -> memref<1x16xf32, #tpu.memory_space<hbm>>
        %dma_start3A_69 = tpu.memref_squeeze %dma_start3A_68 : memref<1x16xf32, #tpu.memory_space<hbm>> -> memref<16xf32, #tpu.memory_space<hbm>>
        tpu.enqueue_dma source(%arg6 : memref<16xf32, #tpu.memory_space<vmem>>) target(%dma_start3A_69 : memref<16xf32, #tpu.memory_space<hbm>>) target_semaphore(%run_scoped3A : memref<!tpu.dma_semaphore, #tpu.memory_space<semaphore_mem>>)
        %dma_wait3A = arith.constant 0 : i32
        %dma_wait3A_70 = tpu.memref_slice %arg3[%add3A, %dma_wait3A] : memref<4x16xf32, #tpu.memory_space<hbm>> -> memref<1x16xf32, #tpu.memory_space<hbm>>
        %dma_wait3A_71 = tpu.memref_squeeze %dma_wait3A_70 : memref<1x16xf32, #tpu.memory_space<hbm>> -> memref<16xf32, #tpu.memory_space<hbm>>
        %dma_wait3A_72 = arith.constant 0 : i32
        %dma_wait3A_73 = tpu.memref_slice %arg3[%add3A, %dma_wait3A_72] : memref<4x16xf32, #tpu.memory_space<hbm>> -> memref<1x16xf32, #tpu.memory_space<hbm>>
        %dma_wait3A_74 = tpu.memref_squeeze %dma_wait3A_73 : memref<1x16xf32, #tpu.memory_space<hbm>> -> memref<16xf32, #tpu.memory_space<hbm>>
        tpu.wait_dma2 semaphore(%run_scoped3A : memref<!tpu.dma_semaphore, #tpu.memory_space<semaphore_mem>>) src(%arg6 : memref<16xf32, #tpu.memory_space<vmem>>) dst(%dma_wait3A_74 : memref<16xf32, #tpu.memory_space<hbm>>)
        tpu.yield
      }) : () -> ()
      "tpu.region"() ({
        %run_scoped3A = tpu.sem_alloc : memref<!tpu.dma_semaphore, #tpu.memory_space<semaphore_mem>>
        %dma_start3A = arith.constant 0 : i32
        %dma_start3A_65 = tpu.memref_slice %arg4[%add3A, %dma_start3A] : memref<4x16xi32, #tpu.memory_space<hbm>> -> memref<1x16xi32, #tpu.memory_space<hbm>>
        %dma_start3A_66 = tpu.memref_squeeze %dma_start3A_65 : memref<1x16xi32, #tpu.memory_space<hbm>> -> memref<16xi32, #tpu.memory_space<hbm>>
        %dma_start3A_67 = arith.constant 0 : i32
        %dma_start3A_68 = tpu.memref_slice %arg4[%add3A, %dma_start3A_67] : memref<4x16xi32, #tpu.memory_space<hbm>> -> memref<1x16xi32, #tpu.memory_space<hbm>>
        %dma_start3A_69 = tpu.memref_squeeze %dma_start3A_68 : memref<1x16xi32, #tpu.memory_space<hbm>> -> memref<16xi32, #tpu.memory_space<hbm>>
        tpu.enqueue_dma source(%arg7 : memref<16xi32, #tpu.memory_space<vmem>>) target(%dma_start3A_69 : memref<16xi32, #tpu.memory_space<hbm>>) target_semaphore(%run_scoped3A : memref<!tpu.dma_semaphore, #tpu.memory_space<semaphore_mem>>)
        %dma_wait3A = arith.constant 0 : i32
        %dma_wait3A_70 = tpu.memref_slice %arg4[%add3A, %dma_wait3A] : memref<4x16xi32, #tpu.memory_space<hbm>> -> memref<1x16xi32, #tpu.memory_space<hbm>>
        %dma_wait3A_71 = tpu.memref_squeeze %dma_wait3A_70 : memref<1x16xi32, #tpu.memory_space<hbm>> -> memref<16xi32, #tpu.memory_space<hbm>>
        %dma_wait3A_72 = arith.constant 0 : i32
        %dma_wait3A_73 = tpu.memref_slice %arg4[%add3A, %dma_wait3A_72] : memref<4x16xi32, #tpu.memory_space<hbm>> -> memref<1x16xi32, #tpu.memory_space<hbm>>
        %dma_wait3A_74 = tpu.memref_squeeze %dma_wait3A_73 : memref<1x16xi32, #tpu.memory_space<hbm>> -> memref<16xi32, #tpu.memory_space<hbm>>
        tpu.wait_dma2 semaphore(%run_scoped3A : memref<!tpu.dma_semaphore, #tpu.memory_space<semaphore_mem>>) src(%arg7 : memref<16xi32, #tpu.memory_space<vmem>>) dst(%dma_wait3A_74 : memref<16xi32, #tpu.memory_space<hbm>>)
        tpu.yield
      }) : () -> ()
    } else {
    }
    return
  }
}

module attributes {stable_mosaic.version = 14 : i64} {
  func.func @_embed_qkv_body(%arg0: i32, %arg1: i32, %arg2: memref<1x1024x64xf32, #tpu.memory_space<vmem>>, %arg3: memref<64x256xf32, #tpu.memory_space<vmem>>, %arg4: memref<1x256xf32, #tpu.memory_space<vmem>>, %arg5: memref<256x256xbf16, #tpu.memory_space<vmem>>, %arg6: memref<1x256xf32, #tpu.memory_space<vmem>>, %arg7: memref<256x256xbf16, #tpu.memory_space<vmem>>, %arg8: memref<1x256xf32, #tpu.memory_space<vmem>>, %arg9: memref<256x256xbf16, #tpu.memory_space<vmem>>, %arg10: memref<1x256xf32, #tpu.memory_space<vmem>>, %arg11: memref<1x1024x256xf32, #tpu.memory_space<vmem>>, %arg12: memref<8x1024x32xbf16, #tpu.memory_space<vmem>>, %arg13: memref<8x1024x33xbf16, #tpu.memory_space<vmem>>, %arg14: memref<8x1024x33xbf16, #tpu.memory_space<vmem>>) attributes {dimension_semantics = [#tpu.dimension_semantics<arbitrary>, #tpu.dimension_semantics<arbitrary>], iteration_bounds = array<i64: 4, 2>, scalar_prefetch = 0 : i64, scratch_operands = 0 : i64, tpu.core_type = #tpu.core_type<tc>, window_params = [{transform_indices = @transform_0, window_bounds = array<i64: 1, 1024, 64>}, {pipeline_mode = #tpu.pipeline_mode<synchronous>, transform_indices = @transform_1, window_bounds = array<i64: 64, 256>}, {pipeline_mode = #tpu.pipeline_mode<synchronous>, transform_indices = @transform_2, window_bounds = array<i64: 1, 256>}, {pipeline_mode = #tpu.pipeline_mode<synchronous>, transform_indices = @transform_3, window_bounds = array<i64: 256, 256>}, {pipeline_mode = #tpu.pipeline_mode<synchronous>, transform_indices = @transform_4, window_bounds = array<i64: 1, 256>}, {pipeline_mode = #tpu.pipeline_mode<synchronous>, transform_indices = @transform_5, window_bounds = array<i64: 256, 256>}, {pipeline_mode = #tpu.pipeline_mode<synchronous>, transform_indices = @transform_6, window_bounds = array<i64: 1, 256>}, {pipeline_mode = #tpu.pipeline_mode<synchronous>, transform_indices = @transform_7, window_bounds = array<i64: 256, 256>}, {pipeline_mode = #tpu.pipeline_mode<synchronous>, transform_indices = @transform_8, window_bounds = array<i64: 1, 256>}, {transform_indices = @transform_9, window_bounds = array<i64: 1, 1024, 256>}, {transform_indices = @transform_10, window_bounds = array<i64: 8, 1024, 32>}, {transform_indices = @transform_11, window_bounds = array<i64: 8, 1024, 33>}, {transform_indices = @transform_12, window_bounds = array<i64: 8, 1024, 33>}]} {
    %get3A = arith.constant 0 : index
    %get3A_0 = arith.constant 0 : index
    %get3A_1 = arith.constant 0 : index
    %get3A_2 = vector.load %arg2[%get3A, %get3A_0, %get3A_1] : memref<1x1024x64xf32, #tpu.memory_space<vmem>>, vector<1x1024x64xf32>
    %get3A_3 = vector.shape_cast %get3A_2 : vector<1x1024x64xf32> to vector<1024x64xf32>
    %get3A_4 = arith.constant 0 : index
    %get3A_5 = arith.constant 0 : index
    %get3A_6 = vector.load %arg3[%get3A_4, %get3A_5] : memref<64x256xf32, #tpu.memory_space<vmem>>, vector<64x256xf32>
    %dot_general3A = arith.constant dense<0.000000e+00> : vector<1024x256xf32>
    %dot_general3A_7 = tpu.matmul %get3A_3, %get3A_6, %dot_general3A {dimension_numbers = #tpu.dot_dimension_numbers<[1], [0], [0], [1], [0, 0, 1, 1], [], []>, transpose_lhs_hint = false} : vector<1024x64xf32>, vector<64x256xf32>, vector<1024x256xf32> -> vector<1024x256xf32>
    %get3A_8 = arith.constant 0 : index
    %get3A_9 = arith.constant 0 : index
    %get3A_10 = vector.load %arg4[%get3A_8, %get3A_9] : memref<1x256xf32, #tpu.memory_space<vmem>>, vector<1x256xf32>
    %add3A = vector.broadcast %get3A_10 : vector<1x256xf32> to vector<1024x256xf32>
    %add3A_11 = arith.addf %dot_general3A_7, %add3A : vector<1024x256xf32>
    %swap3A = arith.constant 0 : index
    %swap3A_12 = arith.constant 0 : index
    %swap3A_13 = arith.constant 0 : index
    %swap3A_14 = vector.load %arg11[%swap3A, %swap3A_12, %swap3A_13] : memref<1x1024x256xf32, #tpu.memory_space<vmem>>, vector<1x1024x256xf32>
    %swap3A_15 = vector.shape_cast %swap3A_14 : vector<1x1024x256xf32> to vector<1024x256xf32>
    %swap3A_16 = vector.shape_cast %add3A_11 : vector<1024x256xf32> to vector<1x1024x256xf32>
    tpu.vector_store %arg11[%swap3A, %swap3A_12, %swap3A_13], %swap3A_16 {strides = array<i32>} : memref<1x1024x256xf32, #tpu.memory_space<vmem>>, vector<1x1024x256xf32>,
    %convert_element_type3A = arith.truncf %add3A_11 : vector<1024x256xf32> to vector<1024x256xbf16>
    %get3A_17 = arith.constant 0 : index
    %get3A_18 = arith.constant 0 : index
    %get3A_19 = vector.load %arg5[%get3A_17, %get3A_18] : memref<256x256xbf16, #tpu.memory_space<vmem>>, vector<256x256xbf16>
    %dot_general3A_20 = arith.constant dense<0.000000e+00> : vector<1024x256xf32>
    %dot_general3A_21 = tpu.matmul %convert_element_type3A, %get3A_19, %dot_general3A_20 {dimension_numbers = #tpu.dot_dimension_numbers<[1], [0], [0], [1], [0, 0, 1, 1], [], []>, transpose_lhs_hint = false} : vector<1024x256xbf16>, vector<256x256xbf16>, vector<1024x256xf32> -> vector<1024x256xf32>
    %get3A_22 = arith.constant 0 : index
    %get3A_23 = arith.constant 0 : index
    %get3A_24 = vector.load %arg6[%get3A_22, %get3A_23] : memref<1x256xf32, #tpu.memory_space<vmem>>, vector<1x256xf32>
    %add3A_25 = vector.broadcast %get3A_24 : vector<1x256xf32> to vector<1024x256xf32>
    %add3A_26 = arith.addf %dot_general3A_21, %add3A_25 : vector<1024x256xf32>
    %mul3A = arith.constant 0.255034864 : f32
    %mul3A_27 = vector.broadcast %mul3A : f32 to vector<1024x256xf32>
    %mul3A_28 = arith.mulf %add3A_26, %mul3A_27 : vector<1024x256xf32>
    %get3A_29 = arith.constant 0 : index
    %get3A_30 = arith.constant 0 : index
    %get3A_31 = vector.load %arg7[%get3A_29, %get3A_30] : memref<256x256xbf16, #tpu.memory_space<vmem>>, vector<256x256xbf16>
    %dot_general3A_32 = arith.constant dense<0.000000e+00> : vector<1024x256xf32>
    %dot_general3A_33 = tpu.matmul %convert_element_type3A, %get3A_31, %dot_general3A_32 {dimension_numbers = #tpu.dot_dimension_numbers<[1], [0], [0], [1], [0, 0, 1, 1], [], []>, transpose_lhs_hint = false} : vector<1024x256xbf16>, vector<256x256xbf16>, vector<1024x256xf32> -> vector<1024x256xf32>
    %get3A_34 = arith.constant 0 : index
    %get3A_35 = arith.constant 0 : index
    %get3A_36 = vector.load %arg8[%get3A_34, %get3A_35] : memref<1x256xf32, #tpu.memory_space<vmem>>, vector<1x256xf32>
    %add3A_37 = vector.broadcast %get3A_36 : vector<1x256xf32> to vector<1024x256xf32>
    %add3A_38 = arith.addf %dot_general3A_33, %add3A_37 : vector<1024x256xf32>
    %get3A_39 = arith.constant 0 : index
    %get3A_40 = arith.constant 0 : index
    %get3A_41 = vector.load %arg9[%get3A_39, %get3A_40] : memref<256x256xbf16, #tpu.memory_space<vmem>>, vector<256x256xbf16>
    %dot_general3A_42 = arith.constant dense<0.000000e+00> : vector<1024x256xf32>
    %dot_general3A_43 = tpu.matmul %convert_element_type3A, %get3A_41, %dot_general3A_42 {dimension_numbers = #tpu.dot_dimension_numbers<[1], [0], [0], [1], [0, 0, 1, 1], [], []>, transpose_lhs_hint = false} : vector<1024x256xbf16>, vector<256x256xbf16>, vector<1024x256xf32> -> vector<1024x256xf32>
    %get3A_44 = arith.constant 0 : index
    %get3A_45 = arith.constant 0 : index
    %get3A_46 = vector.load %arg10[%get3A_44, %get3A_45] : memref<1x256xf32, #tpu.memory_space<vmem>>, vector<1x256xf32>
    %add3A_47 = vector.broadcast %get3A_46 : vector<1x256xf32> to vector<1024x256xf32>
    %add3A_48 = arith.addf %dot_general3A_43, %add3A_47 : vector<1024x256xf32>
    %broadcast_in_dim3A = arith.constant 1.000000e+00 : bf16
    %broadcast_in_dim3A_49 = vector.broadcast %broadcast_in_dim3A : bf16 to vector<1024x1xbf16>
    %slice3A = vector.extract_strided_slice %mul3A_28 {offsets = [0, 0], sizes = [1024, 32], strides = [1, 1]} : vector<1024x256xf32> to vector<1024x32xf32>
    %convert_element_type3A_50 = arith.truncf %slice3A : vector<1024x32xf32> to vector<1024x32xbf16>
    %swap3A_51 = arith.constant 0 : index
    %swap3A_52 = arith.constant 0 : index
    %swap3A_53 = arith.constant 0 : index
    %swap3A_54 = vector.load %arg12[%swap3A_51, %swap3A_52, %swap3A_53] : memref<8x1024x32xbf16, #tpu.memory_space<vmem>>, vector<1x1024x32xbf16>
    %swap3A_55 = vector.shape_cast %swap3A_54 : vector<1x1024x32xbf16> to vector<1024x32xbf16>
    %swap3A_56 = vector.shape_cast %convert_element_type3A_50 : vector<1024x32xbf16> to vector<1x1024x32xbf16>
    tpu.vector_store %arg12[%swap3A_51, %swap3A_52, %swap3A_53], %swap3A_56 {strides = array<i32>} : memref<8x1024x32xbf16, #tpu.memory_space<vmem>>, vector<1x1024x32xbf16>,
    %slice3A_57 = vector.extract_strided_slice %add3A_38 {offsets = [0, 0], sizes = [1024, 32], strides = [1, 1]} : vector<1024x256xf32> to vector<1024x32xf32>
    %convert_element_type3A_58 = arith.truncf %slice3A_57 : vector<1024x32xf32> to vector<1024x32xbf16>
    %concatenate3A = tpu.concatenate %convert_element_type3A_58, %broadcast_in_dim3A_49 in 1 : vector<1024x32xbf16>, vector<1024x1xbf16> -> vector<1024x33xbf16>
    %swap3A_59 = arith.constant 0 : index
    %swap3A_60 = arith.constant 0 : index
    %swap3A_61 = arith.constant 0 : index
    %swap3A_62 = vector.load %arg13[%swap3A_59, %swap3A_60, %swap3A_61] : memref<8x1024x33xbf16, #tpu.memory_space<vmem>>, vector<1x1024x33xbf16>
    %swap3A_63 = vector.shape_cast %swap3A_62 : vector<1x1024x33xbf16> to vector<1024x33xbf16>
    %swap3A_64 = vector.shape_cast %concatenate3A : vector<1024x33xbf16> to vector<1x1024x33xbf16>
    tpu.vector_store %arg13[%swap3A_59, %swap3A_60, %swap3A_61], %swap3A_64 {strides = array<i32>} : memref<8x1024x33xbf16, #tpu.memory_space<vmem>>, vector<1x1024x33xbf16>,
    %slice3A_65 = vector.extract_strided_slice %add3A_48 {offsets = [0, 0], sizes = [1024, 32], strides = [1, 1]} : vector<1024x256xf32> to vector<1024x32xf32>
    %convert_element_type3A_66 = arith.truncf %slice3A_65 : vector<1024x32xf32> to vector<1024x32xbf16>
    %concatenate3A_67 = tpu.concatenate %convert_element_type3A_66, %broadcast_in_dim3A_49 in 1 : vector<1024x32xbf16>, vector<1024x1xbf16> -> vector<1024x33xbf16>
    %swap3A_68 = arith.constant 0 : index
    %swap3A_69 = arith.constant 0 : index
    %swap3A_70 = arith.constant 0 : index
    %swap3A_71 = vector.load %arg14[%swap3A_68, %swap3A_69, %swap3A_70] : memref<8x1024x33xbf16, #tpu.memory_space<vmem>>, vector<1x1024x33xbf16>
    %swap3A_72 = vector.shape_cast %swap3A_71 : vector<1x1024x33xbf16> to vector<1024x33xbf16>
    %swap3A_73 = vector.shape_cast %concatenate3A_67 : vector<1024x33xbf16> to vector<1x1024x33xbf16>
    tpu.vector_store %arg14[%swap3A_68, %swap3A_69, %swap3A_70], %swap3A_73 {strides = array<i32>} : memref<8x1024x33xbf16, #tpu.memory_space<vmem>>, vector<1x1024x33xbf16>,
    %slice3A_74 = vector.extract_strided_slice %mul3A_28 {offsets = [0, 32], sizes = [1024, 32], strides = [1, 1]} : vector<1024x256xf32> to vector<1024x32xf32>
    %convert_element_type3A_75 = arith.truncf %slice3A_74 : vector<1024x32xf32> to vector<1024x32xbf16>
    %swap3A_76 = arith.constant 1 : index
    %swap3A_77 = arith.constant 0 : index
    %swap3A_78 = arith.constant 0 : index
    %swap3A_79 = vector.load %arg12[%swap3A_76, %swap3A_77, %swap3A_78] : memref<8x1024x32xbf16, #tpu.memory_space<vmem>>, vector<1x1024x32xbf16>
    %swap3A_80 = vector.shape_cast %swap3A_79 : vector<1x1024x32xbf16> to vector<1024x32xbf16>
    %swap3A_81 = vector.shape_cast %convert_element_type3A_75 : vector<1024x32xbf16> to vector<1x1024x32xbf16>
    tpu.vector_store %arg12[%swap3A_76, %swap3A_77, %swap3A_78], %swap3A_81 {strides = array<i32>} : memref<8x1024x32xbf16, #tpu.memory_space<vmem>>, vector<1x1024x32xbf16>,
    %slice3A_82 = vector.extract_strided_slice %add3A_38 {offsets = [0, 32], sizes = [1024, 32], strides = [1, 1]} : vector<1024x256xf32> to vector<1024x32xf32>
    %convert_element_type3A_83 = arith.truncf %slice3A_82 : vector<1024x32xf32> to vector<1024x32xbf16>
    %concatenate3A_84 = tpu.concatenate %convert_element_type3A_83, %broadcast_in_dim3A_49 in 1 : vector<1024x32xbf16>, vector<1024x1xbf16> -> vector<1024x33xbf16>
    %swap3A_85 = arith.constant 1 : index
    %swap3A_86 = arith.constant 0 : index
    %swap3A_87 = arith.constant 0 : index
    %swap3A_88 = vector.load %arg13[%swap3A_85, %swap3A_86, %swap3A_87] : memref<8x1024x33xbf16, #tpu.memory_space<vmem>>, vector<1x1024x33xbf16>
    %swap3A_89 = vector.shape_cast %swap3A_88 : vector<1x1024x33xbf16> to vector<1024x33xbf16>
    %swap3A_90 = vector.shape_cast %concatenate3A_84 : vector<1024x33xbf16> to vector<1x1024x33xbf16>
    tpu.vector_store %arg13[%swap3A_85, %swap3A_86, %swap3A_87], %swap3A_90 {strides = array<i32>} : memref<8x1024x33xbf16, #tpu.memory_space<vmem>>, vector<1x1024x33xbf16>,
    %slice3A_91 = vector.extract_strided_slice %add3A_48 {offsets = [0, 32], sizes = [1024, 32], strides = [1, 1]} : vector<1024x256xf32> to vector<1024x32xf32>
    %convert_element_type3A_92 = arith.truncf %slice3A_91 : vector<1024x32xf32> to vector<1024x32xbf16>
    %concatenate3A_93 = tpu.concatenate %convert_element_type3A_92, %broadcast_in_dim3A_49 in 1 : vector<1024x32xbf16>, vector<1024x1xbf16> -> vector<1024x33xbf16>
    %swap3A_94 = arith.constant 1 : index
    %swap3A_95 = arith.constant 0 : index
    %swap3A_96 = arith.constant 0 : index
    %swap3A_97 = vector.load %arg14[%swap3A_94, %swap3A_95, %swap3A_96] : memref<8x1024x33xbf16, #tpu.memory_space<vmem>>, vector<1x1024x33xbf16>
    %swap3A_98 = vector.shape_cast %swap3A_97 : vector<1x1024x33xbf16> to vector<1024x33xbf16>
    %swap3A_99 = vector.shape_cast %concatenate3A_93 : vector<1024x33xbf16> to vector<1x1024x33xbf16>
    tpu.vector_store %arg14[%swap3A_94, %swap3A_95, %swap3A_96], %swap3A_99 {strides = array<i32>} : memref<8x1024x33xbf16, #tpu.memory_space<vmem>>, vector<1x1024x33xbf16>,
    %slice3A_100 = vector.extract_strided_slice %mul3A_28 {offsets = [0, 64], sizes = [1024, 32], strides = [1, 1]} : vector<1024x256xf32> to vector<1024x32xf32>
    %convert_element_type3A_101 = arith.truncf %slice3A_100 : vector<1024x32xf32> to vector<1024x32xbf16>
    %swap3A_102 = arith.constant 2 : index
    %swap3A_103 = arith.constant 0 : index
    %swap3A_104 = arith.constant 0 : index
    %swap3A_105 = vector.load %arg12[%swap3A_102, %swap3A_103, %swap3A_104] : memref<8x1024x32xbf16, #tpu.memory_space<vmem>>, vector<1x1024x32xbf16>
    %swap3A_106 = vector.shape_cast %swap3A_105 : vector<1x1024x32xbf16> to vector<1024x32xbf16>
    %swap3A_107 = vector.shape_cast %convert_element_type3A_101 : vector<1024x32xbf16> to vector<1x1024x32xbf16>
    tpu.vector_store %arg12[%swap3A_102, %swap3A_103, %swap3A_104], %swap3A_107 {strides = array<i32>} : memref<8x1024x32xbf16, #tpu.memory_space<vmem>>, vector<1x1024x32xbf16>,
    %slice3A_108 = vector.extract_strided_slice %add3A_38 {offsets = [0, 64], sizes = [1024, 32], strides = [1, 1]} : vector<1024x256xf32> to vector<1024x32xf32>
    %convert_element_type3A_109 = arith.truncf %slice3A_108 : vector<1024x32xf32> to vector<1024x32xbf16>
    %concatenate3A_110 = tpu.concatenate %convert_element_type3A_109, %broadcast_in_dim3A_49 in 1 : vector<1024x32xbf16>, vector<1024x1xbf16> -> vector<1024x33xbf16>
    %swap3A_111 = arith.constant 2 : index
    %swap3A_112 = arith.constant 0 : index
    %swap3A_113 = arith.constant 0 : index
    %swap3A_114 = vector.load %arg13[%swap3A_111, %swap3A_112, %swap3A_113] : memref<8x1024x33xbf16, #tpu.memory_space<vmem>>, vector<1x1024x33xbf16>
    %swap3A_115 = vector.shape_cast %swap3A_114 : vector<1x1024x33xbf16> to vector<1024x33xbf16>
    %swap3A_116 = vector.shape_cast %concatenate3A_110 : vector<1024x33xbf16> to vector<1x1024x33xbf16>
    tpu.vector_store %arg13[%swap3A_111, %swap3A_112, %swap3A_113], %swap3A_116 {strides = array<i32>} : memref<8x1024x33xbf16, #tpu.memory_space<vmem>>, vector<1x1024x33xbf16>,
    %slice3A_117 = vector.extract_strided_slice %add3A_48 {offsets = [0, 64], sizes = [1024, 32], strides = [1, 1]} : vector<1024x256xf32> to vector<1024x32xf32>
    %convert_element_type3A_118 = arith.truncf %slice3A_117 : vector<1024x32xf32> to vector<1024x32xbf16>
    %concatenate3A_119 = tpu.concatenate %convert_element_type3A_118, %broadcast_in_dim3A_49 in 1 : vector<1024x32xbf16>, vector<1024x1xbf16> -> vector<1024x33xbf16>
    %swap3A_120 = arith.constant 2 : index
    %swap3A_121 = arith.constant 0 : index
    %swap3A_122 = arith.constant 0 : index
    %swap3A_123 = vector.load %arg14[%swap3A_120, %swap3A_121, %swap3A_122] : memref<8x1024x33xbf16, #tpu.memory_space<vmem>>, vector<1x1024x33xbf16>
    %swap3A_124 = vector.shape_cast %swap3A_123 : vector<1x1024x33xbf16> to vector<1024x33xbf16>
    %swap3A_125 = vector.shape_cast %concatenate3A_119 : vector<1024x33xbf16> to vector<1x1024x33xbf16>
    tpu.vector_store %arg14[%swap3A_120, %swap3A_121, %swap3A_122], %swap3A_125 {strides = array<i32>} : memref<8x1024x33xbf16, #tpu.memory_space<vmem>>, vector<1x1024x33xbf16>,
    %slice3A_126 = vector.extract_strided_slice %mul3A_28 {offsets = [0, 96], sizes = [1024, 32], strides = [1, 1]} : vector<1024x256xf32> to vector<1024x32xf32>
    %convert_element_type3A_127 = arith.truncf %slice3A_126 : vector<1024x32xf32> to vector<1024x32xbf16>
    %swap3A_128 = arith.constant 3 : index
    %swap3A_129 = arith.constant 0 : index
    %swap3A_130 = arith.constant 0 : index
    %swap3A_131 = vector.load %arg12[%swap3A_128, %swap3A_129, %swap3A_130] : memref<8x1024x32xbf16, #tpu.memory_space<vmem>>, vector<1x1024x32xbf16>
    %swap3A_132 = vector.shape_cast %swap3A_131 : vector<1x1024x32xbf16> to vector<1024x32xbf16>
    %swap3A_133 = vector.shape_cast %convert_element_type3A_127 : vector<1024x32xbf16> to vector<1x1024x32xbf16>
    tpu.vector_store %arg12[%swap3A_128, %swap3A_129, %swap3A_130], %swap3A_133 {strides = array<i32>} : memref<8x1024x32xbf16, #tpu.memory_space<vmem>>, vector<1x1024x32xbf16>,
    %slice3A_134 = vector.extract_strided_slice %add3A_38 {offsets = [0, 96], sizes = [1024, 32], strides = [1, 1]} : vector<1024x256xf32> to vector<1024x32xf32>
    %convert_element_type3A_135 = arith.truncf %slice3A_134 : vector<1024x32xf32> to vector<1024x32xbf16>
    %concatenate3A_136 = tpu.concatenate %convert_element_type3A_135, %broadcast_in_dim3A_49 in 1 : vector<1024x32xbf16>, vector<1024x1xbf16> -> vector<1024x33xbf16>
    %swap3A_137 = arith.constant 3 : index
    %swap3A_138 = arith.constant 0 : index
    %swap3A_139 = arith.constant 0 : index
    %swap3A_140 = vector.load %arg13[%swap3A_137, %swap3A_138, %swap3A_139] : memref<8x1024x33xbf16, #tpu.memory_space<vmem>>, vector<1x1024x33xbf16>
    %swap3A_141 = vector.shape_cast %swap3A_140 : vector<1x1024x33xbf16> to vector<1024x33xbf16>
    %swap3A_142 = vector.shape_cast %concatenate3A_136 : vector<1024x33xbf16> to vector<1x1024x33xbf16>
    tpu.vector_store %arg13[%swap3A_137, %swap3A_138, %swap3A_139], %swap3A_142 {strides = array<i32>} : memref<8x1024x33xbf16, #tpu.memory_space<vmem>>, vector<1x1024x33xbf16>,
    %slice3A_143 = vector.extract_strided_slice %add3A_48 {offsets = [0, 96], sizes = [1024, 32], strides = [1, 1]} : vector<1024x256xf32> to vector<1024x32xf32>
    %convert_element_type3A_144 = arith.truncf %slice3A_143 : vector<1024x32xf32> to vector<1024x32xbf16>
    %concatenate3A_145 = tpu.concatenate %convert_element_type3A_144, %broadcast_in_dim3A_49 in 1 : vector<1024x32xbf16>, vector<1024x1xbf16> -> vector<1024x33xbf16>
    %swap3A_146 = arith.constant 3 : index
    %swap3A_147 = arith.constant 0 : index
    %swap3A_148 = arith.constant 0 : index
    %swap3A_149 = vector.load %arg14[%swap3A_146, %swap3A_147, %swap3A_148] : memref<8x1024x33xbf16, #tpu.memory_space<vmem>>, vector<1x1024x33xbf16>
    %swap3A_150 = vector.shape_cast %swap3A_149 : vector<1x1024x33xbf16> to vector<1024x33xbf16>
    %swap3A_151 = vector.shape_cast %concatenate3A_145 : vector<1024x33xbf16> to vector<1x1024x33xbf16>
    tpu.vector_store %arg14[%swap3A_146, %swap3A_147, %swap3A_148], %swap3A_151 {strides = array<i32>} : memref<8x1024x33xbf16, #tpu.memory_space<vmem>>, vector<1x1024x33xbf16>,
    %slice3A_152 = vector.extract_strided_slice %mul3A_28 {offsets = [0, 128], sizes = [1024, 32], strides = [1, 1]} : vector<1024x256xf32> to vector<1024x32xf32>
    %convert_element_type3A_153 = arith.truncf %slice3A_152 : vector<1024x32xf32> to vector<1024x32xbf16>
    %swap3A_154 = arith.constant 4 : index
    %swap3A_155 = arith.constant 0 : index
    %swap3A_156 = arith.constant 0 : index
    %swap3A_157 = vector.load %arg12[%swap3A_154, %swap3A_155, %swap3A_156] : memref<8x1024x32xbf16, #tpu.memory_space<vmem>>, vector<1x1024x32xbf16>
    %swap3A_158 = vector.shape_cast %swap3A_157 : vector<1x1024x32xbf16> to vector<1024x32xbf16>
    %swap3A_159 = vector.shape_cast %convert_element_type3A_153 : vector<1024x32xbf16> to vector<1x1024x32xbf16>
    tpu.vector_store %arg12[%swap3A_154, %swap3A_155, %swap3A_156], %swap3A_159 {strides = array<i32>} : memref<8x1024x32xbf16, #tpu.memory_space<vmem>>, vector<1x1024x32xbf16>,
    %slice3A_160 = vector.extract_strided_slice %add3A_38 {offsets = [0, 128], sizes = [1024, 32], strides = [1, 1]} : vector<1024x256xf32> to vector<1024x32xf32>
    %convert_element_type3A_161 = arith.truncf %slice3A_160 : vector<1024x32xf32> to vector<1024x32xbf16>
    %concatenate3A_162 = tpu.concatenate %convert_element_type3A_161, %broadcast_in_dim3A_49 in 1 : vector<1024x32xbf16>, vector<1024x1xbf16> -> vector<1024x33xbf16>
    %swap3A_163 = arith.constant 4 : index
    %swap3A_164 = arith.constant 0 : index
    %swap3A_165 = arith.constant 0 : index
    %swap3A_166 = vector.load %arg13[%swap3A_163, %swap3A_164, %swap3A_165] : memref<8x1024x33xbf16, #tpu.memory_space<vmem>>, vector<1x1024x33xbf16>
    %swap3A_167 = vector.shape_cast %swap3A_166 : vector<1x1024x33xbf16> to vector<1024x33xbf16>
    %swap3A_168 = vector.shape_cast %concatenate3A_162 : vector<1024x33xbf16> to vector<1x1024x33xbf16>
    tpu.vector_store %arg13[%swap3A_163, %swap3A_164, %swap3A_165], %swap3A_168 {strides = array<i32>} : memref<8x1024x33xbf16, #tpu.memory_space<vmem>>, vector<1x1024x33xbf16>,
    %slice3A_169 = vector.extract_strided_slice %add3A_48 {offsets = [0, 128], sizes = [1024, 32], strides = [1, 1]} : vector<1024x256xf32> to vector<1024x32xf32>
    %convert_element_type3A_170 = arith.truncf %slice3A_169 : vector<1024x32xf32> to vector<1024x32xbf16>
    %concatenate3A_171 = tpu.concatenate %convert_element_type3A_170, %broadcast_in_dim3A_49 in 1 : vector<1024x32xbf16>, vector<1024x1xbf16> -> vector<1024x33xbf16>
    %swap3A_172 = arith.constant 4 : index
    %swap3A_173 = arith.constant 0 : index
    %swap3A_174 = arith.constant 0 : index
    %swap3A_175 = vector.load %arg14[%swap3A_172, %swap3A_173, %swap3A_174] : memref<8x1024x33xbf16, #tpu.memory_space<vmem>>, vector<1x1024x33xbf16>
    %swap3A_176 = vector.shape_cast %swap3A_175 : vector<1x1024x33xbf16> to vector<1024x33xbf16>
    %swap3A_177 = vector.shape_cast %concatenate3A_171 : vector<1024x33xbf16> to vector<1x1024x33xbf16>
    tpu.vector_store %arg14[%swap3A_172, %swap3A_173, %swap3A_174], %swap3A_177 {strides = array<i32>} : memref<8x1024x33xbf16, #tpu.memory_space<vmem>>, vector<1x1024x33xbf16>,
    %slice3A_178 = vector.extract_strided_slice %mul3A_28 {offsets = [0, 160], sizes = [1024, 32], strides = [1, 1]} : vector<1024x256xf32> to vector<1024x32xf32>
    %convert_element_type3A_179 = arith.truncf %slice3A_178 : vector<1024x32xf32> to vector<1024x32xbf16>
    %swap3A_180 = arith.constant 5 : index
    %swap3A_181 = arith.constant 0 : index
    %swap3A_182 = arith.constant 0 : index
    %swap3A_183 = vector.load %arg12[%swap3A_180, %swap3A_181, %swap3A_182] : memref<8x1024x32xbf16, #tpu.memory_space<vmem>>, vector<1x1024x32xbf16>
    %swap3A_184 = vector.shape_cast %swap3A_183 : vector<1x1024x32xbf16> to vector<1024x32xbf16>
    %swap3A_185 = vector.shape_cast %convert_element_type3A_179 : vector<1024x32xbf16> to vector<1x1024x32xbf16>
    tpu.vector_store %arg12[%swap3A_180, %swap3A_181, %swap3A_182], %swap3A_185 {strides = array<i32>} : memref<8x1024x32xbf16, #tpu.memory_space<vmem>>, vector<1x1024x32xbf16>,
    %slice3A_186 = vector.extract_strided_slice %add3A_38 {offsets = [0, 160], sizes = [1024, 32], strides = [1, 1]} : vector<1024x256xf32> to vector<1024x32xf32>
    %convert_element_type3A_187 = arith.truncf %slice3A_186 : vector<1024x32xf32> to vector<1024x32xbf16>
    %concatenate3A_188 = tpu.concatenate %convert_element_type3A_187, %broadcast_in_dim3A_49 in 1 : vector<1024x32xbf16>, vector<1024x1xbf16> -> vector<1024x33xbf16>
    %swap3A_189 = arith.constant 5 : index
    %swap3A_190 = arith.constant 0 : index
    %swap3A_191 = arith.constant 0 : index
    %swap3A_192 = vector.load %arg13[%swap3A_189, %swap3A_190, %swap3A_191] : memref<8x1024x33xbf16, #tpu.memory_space<vmem>>, vector<1x1024x33xbf16>
    %swap3A_193 = vector.shape_cast %swap3A_192 : vector<1x1024x33xbf16> to vector<1024x33xbf16>
    %swap3A_194 = vector.shape_cast %concatenate3A_188 : vector<1024x33xbf16> to vector<1x1024x33xbf16>
    tpu.vector_store %arg13[%swap3A_189, %swap3A_190, %swap3A_191], %swap3A_194 {strides = array<i32>} : memref<8x1024x33xbf16, #tpu.memory_space<vmem>>, vector<1x1024x33xbf16>,
    %slice3A_195 = vector.extract_strided_slice %add3A_48 {offsets = [0, 160], sizes = [1024, 32], strides = [1, 1]} : vector<1024x256xf32> to vector<1024x32xf32>
    %convert_element_type3A_196 = arith.truncf %slice3A_195 : vector<1024x32xf32> to vector<1024x32xbf16>
    %concatenate3A_197 = tpu.concatenate %convert_element_type3A_196, %broadcast_in_dim3A_49 in 1 : vector<1024x32xbf16>, vector<1024x1xbf16> -> vector<1024x33xbf16>
    %swap3A_198 = arith.constant 5 : index
    %swap3A_199 = arith.constant 0 : index
    %swap3A_200 = arith.constant 0 : index
    %swap3A_201 = vector.load %arg14[%swap3A_198, %swap3A_199, %swap3A_200] : memref<8x1024x33xbf16, #tpu.memory_space<vmem>>, vector<1x1024x33xbf16>
    %swap3A_202 = vector.shape_cast %swap3A_201 : vector<1x1024x33xbf16> to vector<1024x33xbf16>
    %swap3A_203 = vector.shape_cast %concatenate3A_197 : vector<1024x33xbf16> to vector<1x1024x33xbf16>
    tpu.vector_store %arg14[%swap3A_198, %swap3A_199, %swap3A_200], %swap3A_203 {strides = array<i32>} : memref<8x1024x33xbf16, #tpu.memory_space<vmem>>, vector<1x1024x33xbf16>,
    %slice3A_204 = vector.extract_strided_slice %mul3A_28 {offsets = [0, 192], sizes = [1024, 32], strides = [1, 1]} : vector<1024x256xf32> to vector<1024x32xf32>
    %convert_element_type3A_205 = arith.truncf %slice3A_204 : vector<1024x32xf32> to vector<1024x32xbf16>
    %swap3A_206 = arith.constant 6 : index
    %swap3A_207 = arith.constant 0 : index
    %swap3A_208 = arith.constant 0 : index
    %swap3A_209 = vector.load %arg12[%swap3A_206, %swap3A_207, %swap3A_208] : memref<8x1024x32xbf16, #tpu.memory_space<vmem>>, vector<1x1024x32xbf16>
    %swap3A_210 = vector.shape_cast %swap3A_209 : vector<1x1024x32xbf16> to vector<1024x32xbf16>
    %swap3A_211 = vector.shape_cast %convert_element_type3A_205 : vector<1024x32xbf16> to vector<1x1024x32xbf16>
    tpu.vector_store %arg12[%swap3A_206, %swap3A_207, %swap3A_208], %swap3A_211 {strides = array<i32>} : memref<8x1024x32xbf16, #tpu.memory_space<vmem>>, vector<1x1024x32xbf16>,
    %slice3A_212 = vector.extract_strided_slice %add3A_38 {offsets = [0, 192], sizes = [1024, 32], strides = [1, 1]} : vector<1024x256xf32> to vector<1024x32xf32>
    %convert_element_type3A_213 = arith.truncf %slice3A_212 : vector<1024x32xf32> to vector<1024x32xbf16>
    %concatenate3A_214 = tpu.concatenate %convert_element_type3A_213, %broadcast_in_dim3A_49 in 1 : vector<1024x32xbf16>, vector<1024x1xbf16> -> vector<1024x33xbf16>
    %swap3A_215 = arith.constant 6 : index
    %swap3A_216 = arith.constant 0 : index
    %swap3A_217 = arith.constant 0 : index
    %swap3A_218 = vector.load %arg13[%swap3A_215, %swap3A_216, %swap3A_217] : memref<8x1024x33xbf16, #tpu.memory_space<vmem>>, vector<1x1024x33xbf16>
    %swap3A_219 = vector.shape_cast %swap3A_218 : vector<1x1024x33xbf16> to vector<1024x33xbf16>
    %swap3A_220 = vector.shape_cast %concatenate3A_214 : vector<1024x33xbf16> to vector<1x1024x33xbf16>
    tpu.vector_store %arg13[%swap3A_215, %swap3A_216, %swap3A_217], %swap3A_220 {strides = array<i32>} : memref<8x1024x33xbf16, #tpu.memory_space<vmem>>, vector<1x1024x33xbf16>,
    %slice3A_221 = vector.extract_strided_slice %add3A_48 {offsets = [0, 192], sizes = [1024, 32], strides = [1, 1]} : vector<1024x256xf32> to vector<1024x32xf32>
    %convert_element_type3A_222 = arith.truncf %slice3A_221 : vector<1024x32xf32> to vector<1024x32xbf16>
    %concatenate3A_223 = tpu.concatenate %convert_element_type3A_222, %broadcast_in_dim3A_49 in 1 : vector<1024x32xbf16>, vector<1024x1xbf16> -> vector<1024x33xbf16>
    %swap3A_224 = arith.constant 6 : index
    %swap3A_225 = arith.constant 0 : index
    %swap3A_226 = arith.constant 0 : index
    %swap3A_227 = vector.load %arg14[%swap3A_224, %swap3A_225, %swap3A_226] : memref<8x1024x33xbf16, #tpu.memory_space<vmem>>, vector<1x1024x33xbf16>
    %swap3A_228 = vector.shape_cast %swap3A_227 : vector<1x1024x33xbf16> to vector<1024x33xbf16>
    %swap3A_229 = vector.shape_cast %concatenate3A_223 : vector<1024x33xbf16> to vector<1x1024x33xbf16>
    tpu.vector_store %arg14[%swap3A_224, %swap3A_225, %swap3A_226], %swap3A_229 {strides = array<i32>} : memref<8x1024x33xbf16, #tpu.memory_space<vmem>>, vector<1x1024x33xbf16>,
    %slice3A_230 = vector.extract_strided_slice %mul3A_28 {offsets = [0, 224], sizes = [1024, 32], strides = [1, 1]} : vector<1024x256xf32> to vector<1024x32xf32>
    %convert_element_type3A_231 = arith.truncf %slice3A_230 : vector<1024x32xf32> to vector<1024x32xbf16>
    %swap3A_232 = arith.constant 7 : index
    %swap3A_233 = arith.constant 0 : index
    %swap3A_234 = arith.constant 0 : index
    %swap3A_235 = vector.load %arg12[%swap3A_232, %swap3A_233, %swap3A_234] : memref<8x1024x32xbf16, #tpu.memory_space<vmem>>, vector<1x1024x32xbf16>
    %swap3A_236 = vector.shape_cast %swap3A_235 : vector<1x1024x32xbf16> to vector<1024x32xbf16>
    %swap3A_237 = vector.shape_cast %convert_element_type3A_231 : vector<1024x32xbf16> to vector<1x1024x32xbf16>
    tpu.vector_store %arg12[%swap3A_232, %swap3A_233, %swap3A_234], %swap3A_237 {strides = array<i32>} : memref<8x1024x32xbf16, #tpu.memory_space<vmem>>, vector<1x1024x32xbf16>,
    %slice3A_238 = vector.extract_strided_slice %add3A_38 {offsets = [0, 224], sizes = [1024, 32], strides = [1, 1]} : vector<1024x256xf32> to vector<1024x32xf32>
    %convert_element_type3A_239 = arith.truncf %slice3A_238 : vector<1024x32xf32> to vector<1024x32xbf16>
    %concatenate3A_240 = tpu.concatenate %convert_element_type3A_239, %broadcast_in_dim3A_49 in 1 : vector<1024x32xbf16>, vector<1024x1xbf16> -> vector<1024x33xbf16>
    %swap3A_241 = arith.constant 7 : index
    %swap3A_242 = arith.constant 0 : index
    %swap3A_243 = arith.constant 0 : index
    %swap3A_244 = vector.load %arg13[%swap3A_241, %swap3A_242, %swap3A_243] : memref<8x1024x33xbf16, #tpu.memory_space<vmem>>, vector<1x1024x33xbf16>
    %swap3A_245 = vector.shape_cast %swap3A_244 : vector<1x1024x33xbf16> to vector<1024x33xbf16>
    %swap3A_246 = vector.shape_cast %concatenate3A_240 : vector<1024x33xbf16> to vector<1x1024x33xbf16>
    tpu.vector_store %arg13[%swap3A_241, %swap3A_242, %swap3A_243], %swap3A_246 {strides = array<i32>} : memref<8x1024x33xbf16, #tpu.memory_space<vmem>>, vector<1x1024x33xbf16>,
    %slice3A_247 = vector.extract_strided_slice %add3A_48 {offsets = [0, 224], sizes = [1024, 32], strides = [1, 1]} : vector<1024x256xf32> to vector<1024x32xf32>
    %convert_element_type3A_248 = arith.truncf %slice3A_247 : vector<1024x32xf32> to vector<1024x32xbf16>
    %concatenate3A_249 = tpu.concatenate %convert_element_type3A_248, %broadcast_in_dim3A_49 in 1 : vector<1024x32xbf16>, vector<1024x1xbf16> -> vector<1024x33xbf16>
    %swap3A_250 = arith.constant 7 : index
    %swap3A_251 = arith.constant 0 : index
    %swap3A_252 = arith.constant 0 : index
    %swap3A_253 = vector.load %arg14[%swap3A_250, %swap3A_251, %swap3A_252] : memref<8x1024x33xbf16, #tpu.memory_space<vmem>>, vector<1x1024x33xbf16>
    %swap3A_254 = vector.shape_cast %swap3A_253 : vector<1x1024x33xbf16> to vector<1024x33xbf16>
    %swap3A_255 = vector.shape_cast %concatenate3A_249 : vector<1024x33xbf16> to vector<1x1024x33xbf16>
    tpu.vector_store %arg14[%swap3A_250, %swap3A_251, %swap3A_252], %swap3A_255 {strides = array<i32>} : memref<8x1024x33xbf16, #tpu.memory_space<vmem>>, vector<1x1024x33xbf16>,
    return
  }
  func.func @transform_0(%arg0: i32, %arg1: i32) -> (i32, i32, i32) {
    %c0_i32 = arith.constant 0 : i32
    %c0_i32_0 = arith.constant 0 : i32
    return %arg0, %arg1, %c0_i32 : i32, i32, i32
  }
  func.func @transform_1(%arg0: i32, %arg1: i32) -> (i32, i32) {
    %c0_i32 = arith.constant 0 : i32
    %c0_i32_0 = arith.constant 0 : i32
    %c0_i32_1 = arith.constant 0 : i32
    return %c0_i32, %c0_i32_0 : i32, i32
  }
  func.func @transform_2(%arg0: i32, %arg1: i32) -> (i32, i32) {
    %c0_i32 = arith.constant 0 : i32
    %c0_i32_0 = arith.constant 0 : i32
    %c0_i32_1 = arith.constant 0 : i32
    return %c0_i32, %c0_i32_0 : i32, i32
  }
  func.func @transform_3(%arg0: i32, %arg1: i32) -> (i32, i32) {
    %c0_i32 = arith.constant 0 : i32
    %c0_i32_0 = arith.constant 0 : i32
    %c0_i32_1 = arith.constant 0 : i32
    return %c0_i32, %c0_i32_0 : i32, i32
  }
  func.func @transform_4(%arg0: i32, %arg1: i32) -> (i32, i32) {
    %c0_i32 = arith.constant 0 : i32
    %c0_i32_0 = arith.constant 0 : i32
    %c0_i32_1 = arith.constant 0 : i32
    return %c0_i32, %c0_i32_0 : i32, i32
  }
  func.func @transform_5(%arg0: i32, %arg1: i32) -> (i32, i32) {
    %c0_i32 = arith.constant 0 : i32
    %c0_i32_0 = arith.constant 0 : i32
    %c0_i32_1 = arith.constant 0 : i32
    return %c0_i32, %c0_i32_0 : i32, i32
  }
  func.func @transform_6(%arg0: i32, %arg1: i32) -> (i32, i32) {
    %c0_i32 = arith.constant 0 : i32
    %c0_i32_0 = arith.constant 0 : i32
    %c0_i32_1 = arith.constant 0 : i32
    return %c0_i32, %c0_i32_0 : i32, i32
  }
  func.func @transform_7(%arg0: i32, %arg1: i32) -> (i32, i32) {
    %c0_i32 = arith.constant 0 : i32
    %c0_i32_0 = arith.constant 0 : i32
    %c0_i32_1 = arith.constant 0 : i32
    return %c0_i32, %c0_i32_0 : i32, i32
  }
  func.func @transform_8(%arg0: i32, %arg1: i32) -> (i32, i32) {
    %c0_i32 = arith.constant 0 : i32
    %c0_i32_0 = arith.constant 0 : i32
    %c0_i32_1 = arith.constant 0 : i32
    return %c0_i32, %c0_i32_0 : i32, i32
  }
  func.func @transform_9(%arg0: i32, %arg1: i32) -> (i32, i32, i32) {
    %c0_i32 = arith.constant 0 : i32
    %c0_i32_0 = arith.constant 0 : i32
    return %arg0, %arg1, %c0_i32 : i32, i32, i32
  }
  func.func @transform_10(%arg0: i32, %arg1: i32) -> (i32, i32, i32) {
    %c0_i32 = arith.constant 0 : i32
    %c0_i32_0 = arith.constant 0 : i32
    return %arg0, %arg1, %c0_i32 : i32, i32, i32
  }
  func.func @transform_11(%arg0: i32, %arg1: i32) -> (i32, i32, i32) {
    %c0_i32 = arith.constant 0 : i32
    %c0_i32_0 = arith.constant 0 : i32
    return %arg0, %arg1, %c0_i32 : i32, i32, i32
  }
  func.func @transform_12(%arg0: i32, %arg1: i32) -> (i32, i32, i32) {
    %c0_i32 = arith.constant 0 : i32
    %c0_i32_0 = arith.constant 0 : i32
    return %arg0, %arg1, %c0_i32 : i32, i32, i32
  }
}

module attributes {stable_mosaic.version = 14 : i64} {
  func.func @_attn_body(%arg0: i32, %arg1: i32, %arg2: memref<4x2048x32xbf16, #tpu.memory_space<vmem>>, %arg3: memref<4x2048x33xbf16, #tpu.memory_space<vmem>>, %arg4: memref<4x2048x33xbf16, #tpu.memory_space<vmem>>, %arg5: memref<4x2048x32xbf16, #tpu.memory_space<vmem>>) attributes {dimension_semantics = [#tpu.dimension_semantics<arbitrary>, #tpu.dimension_semantics<arbitrary>], iteration_bounds = array<i64: 8, 1>, scalar_prefetch = 0 : i64, scratch_operands = 0 : i64, tpu.core_type = #tpu.core_type<tc>, window_params = [{transform_indices = @transform_0, window_bounds = array<i64: 4, 2048, 32>}, {transform_indices = @transform_1, window_bounds = array<i64: 4, 2048, 33>}, {transform_indices = @transform_2, window_bounds = array<i64: 4, 2048, 33>}, {transform_indices = @transform_3, window_bounds = array<i64: 4, 2048, 32>}]} {
    %get3A = arith.constant 0 : index
    %get3A_0 = arith.constant 0 : index
    %get3A_1 = arith.constant 0 : index
    %get3A_2 = vector.load %arg3[%get3A, %get3A_0, %get3A_1] : memref<4x2048x33xbf16, #tpu.memory_space<vmem>>, vector<1x2048x33xbf16>
    %get3A_3 = vector.shape_cast %get3A_2 : vector<1x2048x33xbf16> to vector<2048x33xbf16>
    %slice3A = vector.extract_strided_slice %get3A_3 {offsets = [0, 0], sizes = [2048, 32], strides = [1, 1]} : vector<2048x33xbf16> to vector<2048x32xbf16>
    %convert_element_type3A = arith.extf %slice3A : vector<2048x32xbf16> to vector<2048x32xf32>
    %mul3A = arith.mulf %convert_element_type3A, %convert_element_type3A : vector<2048x32xf32>
    %reduce_sum3A = arith.constant dense<0.000000e+00> : vector<2048xf32>
    %reduce_sum3A_4 = vector.multi_reduction <add>, %mul3A, %reduce_sum3A [1] : vector<2048x32xf32> to vector<2048xf32>
    %reduce_max3A = vector.shape_cast %reduce_sum3A_4 : vector<2048xf32> to vector<1x2048xf32>
    %reduce_max3A_5 = arith.constant dense<0xFF800000> : vector<1xf32>
    %reduce_max3A_6 = vector.multi_reduction <maximumf>, %reduce_max3A, %reduce_max3A_5 [1] : vector<1x2048xf32> to vector<1xf32>
    %reduce_max3A_7 = vector.shape_cast %reduce_max3A_6 : vector<1xf32> to vector<1x1xf32>
    %reduce_max3A_8 = vector.extract %reduce_max3A_7[0, 0] : f32 from vector<1x1xf32>
    %get3A_9 = arith.constant 0 : index
    %get3A_10 = arith.constant 0 : index
    %get3A_11 = arith.constant 0 : index
    %get3A_12 = vector.load %arg2[%get3A_9, %get3A_10, %get3A_11] : memref<4x2048x32xbf16, #tpu.memory_space<vmem>>, vector<1x256x32xbf16>
    %get3A_13 = vector.shape_cast %get3A_12 : vector<1x256x32xbf16> to vector<256x32xbf16>
    %convert_element_type3A_14 = arith.extf %get3A_13 : vector<256x32xbf16> to vector<256x32xf32>
    %mul3A_15 = arith.mulf %convert_element_type3A_14, %convert_element_type3A_14 : vector<256x32xf32>
    %reduce_sum3A_16 = arith.constant dense<0.000000e+00> : vector<256xf32>
    %reduce_sum3A_17 = vector.multi_reduction <add>, %mul3A_15, %reduce_sum3A_16 [1] : vector<256x32xf32> to vector<256xf32>
    %broadcast_in_dim3A = vector.shape_cast %reduce_sum3A_17 : vector<256xf32> to vector<256x1xf32>
    %mul3A_18 = vector.broadcast %reduce_max3A_8 : f32 to vector<256x1xf32>
    %mul3A_19 = arith.mulf %broadcast_in_dim3A, %mul3A_18 : vector<256x1xf32>
    %sqrt3A = math.sqrt %mul3A_19 : vector<256x1xf32>
    %neg3A = arith.constant 0.000000e+00 : f32
    %neg3A_20 = vector.broadcast %neg3A : f32 to vector<256x1xf32>
    %neg3A_21 = arith.subf %neg3A_20, %sqrt3A : vector<256x1xf32>
    %convert_element_type3A_22 = arith.truncf %neg3A_21 : vector<256x1xf32> to vector<256x1xbf16>
    %concatenate3A = tpu.concatenate %get3A_13, %convert_element_type3A_22 in 1 : vector<256x32xbf16>, vector<256x1xbf16> -> vector<256x33xbf16>
    %dot_general3A = arith.constant dense<0.000000e+00> : vector<256x2048xf32>
    %dot_general3A_23 = tpu.matmul %concatenate3A, %get3A_3, %dot_general3A {dimension_numbers = #tpu.dot_dimension_numbers<[1], [1], [0], [0], [0, 0, 1, 0], [], []>, transpose_lhs_hint = false} : vector<256x33xbf16>, vector<2048x33xbf16>, vector<256x2048xf32> -> vector<256x2048xf32>
    %convert_element_type3A_24 = arith.truncf %dot_general3A_23 : vector<256x2048xf32> to vector<256x2048xbf16>
    %exp23A = math.exp2 %convert_element_type3A_24 : vector<256x2048xbf16>
    %get3A_25 = arith.constant 0 : index
    %get3A_26 = arith.constant 0 : index
    %get3A_27 = arith.constant 0 : index
    %get3A_28 = vector.load %arg4[%get3A_25, %get3A_26, %get3A_27] : memref<4x2048x33xbf16, #tpu.memory_space<vmem>>, vector<1x2048x33xbf16>
    %get3A_29 = vector.shape_cast %get3A_28 : vector<1x2048x33xbf16> to vector<2048x33xbf16>
    %dot_general3A_30 = arith.constant dense<0.000000e+00> : vector<256x33xf32>
    %dot_general3A_31 = tpu.matmul %exp23A, %get3A_29, %dot_general3A_30 {dimension_numbers = #tpu.dot_dimension_numbers<[1], [0], [0], [1], [0, 0, 1, 1], [], []>, transpose_lhs_hint = false} : vector<256x2048xbf16>, vector<2048x33xbf16>, vector<256x33xf32> -> vector<256x33xf32>
    %slice3A_32 = vector.extract_strided_slice %dot_general3A_31 {offsets = [0, 32], sizes = [256, 1], strides = [1, 1]} : vector<256x33xf32> to vector<256x1xf32>
    %slice3A_33 = vector.extract_strided_slice %dot_general3A_31 {offsets = [0, 0], sizes = [256, 32], strides = [1, 1]} : vector<256x33xf32> to vector<256x32xf32>
    %div3A = arith.constant 1.000000e+00 : f32
    %div3A_34 = vector.broadcast %div3A : f32 to vector<256x1xf32>
    %div3A_35 = arith.divf %div3A_34, %slice3A_32 : vector<256x1xf32>
    %mul3A_36 = vector.broadcast %div3A_35 : vector<256x1xf32> to vector<256x32xf32>
    %mul3A_37 = arith.mulf %slice3A_33, %mul3A_36 : vector<256x32xf32>
    %convert_element_type3A_38 = arith.truncf %mul3A_37 : vector<256x32xf32> to vector<256x32xbf16>
    %swap3A = arith.constant 0 : index
    %swap3A_39 = arith.constant 0 : index
    %swap3A_40 = arith.constant 0 : index
    %swap3A_41 = vector.load %arg5[%swap3A, %swap3A_39, %swap3A_40] : memref<4x2048x32xbf16, #tpu.memory_space<vmem>>, vector<1x256x32xbf16>
    %swap3A_42 = vector.shape_cast %swap3A_41 : vector<1x256x32xbf16> to vector<256x32xbf16>
    %swap3A_43 = vector.shape_cast %convert_element_type3A_38 : vector<256x32xbf16> to vector<1x256x32xbf16>
    tpu.vector_store %arg5[%swap3A, %swap3A_39, %swap3A_40], %swap3A_43 {strides = array<i32>} : memref<4x2048x32xbf16, #tpu.memory_space<vmem>>, vector<1x256x32xbf16>,
    %get3A_44 = arith.constant 0 : index
    %get3A_45 = arith.constant 256 : index
    %get3A_46 = arith.constant 0 : index
    %get3A_47 = vector.load %arg2[%get3A_44, %get3A_45, %get3A_46] : memref<4x2048x32xbf16, #tpu.memory_space<vmem>>, vector<1x256x32xbf16>
    %get3A_48 = vector.shape_cast %get3A_47 : vector<1x256x32xbf16> to vector<256x32xbf16>
    %convert_element_type3A_49 = arith.extf %get3A_48 : vector<256x32xbf16> to vector<256x32xf32>
    %mul3A_50 = arith.mulf %convert_element_type3A_49, %convert_element_type3A_49 : vector<256x32xf32>
    %reduce_sum3A_51 = arith.constant dense<0.000000e+00> : vector<256xf32>
    %reduce_sum3A_52 = vector.multi_reduction <add>, %mul3A_50, %reduce_sum3A_51 [1] : vector<256x32xf32> to vector<256xf32>
    %broadcast_in_dim3A_53 = vector.shape_cast %reduce_sum3A_52 : vector<256xf32> to vector<256x1xf32>
    %mul3A_54 = vector.broadcast %reduce_max3A_8 : f32 to vector<256x1xf32>
    %mul3A_55 = arith.mulf %broadcast_in_dim3A_53, %mul3A_54 : vector<256x1xf32>
    %sqrt3A_56 = math.sqrt %mul3A_55 : vector<256x1xf32>
    %neg3A_57 = arith.constant 0.000000e+00 : f32
    %neg3A_58 = vector.broadcast %neg3A_57 : f32 to vector<256x1xf32>
    %neg3A_59 = arith.subf %neg3A_58, %sqrt3A_56 : vector<256x1xf32>
    %convert_element_type3A_60 = arith.truncf %neg3A_59 : vector<256x1xf32> to vector<256x1xbf16>
    %concatenate3A_61 = tpu.concatenate %get3A_48, %convert_element_type3A_60 in 1 : vector<256x32xbf16>, vector<256x1xbf16> -> vector<256x33xbf16>
    %dot_general3A_62 = arith.constant dense<0.000000e+00> : vector<256x2048xf32>
    %dot_general3A_63 = tpu.matmul %concatenate3A_61, %get3A_3, %dot_general3A_62 {dimension_numbers = #tpu.dot_dimension_numbers<[1], [1], [0], [0], [0, 0, 1, 0], [], []>, transpose_lhs_hint = false} : vector<256x33xbf16>, vector<2048x33xbf16>, vector<256x2048xf32> -> vector<256x2048xf32>
    %convert_element_type3A_64 = arith.truncf %dot_general3A_63 : vector<256x2048xf32> to vector<256x2048xbf16>
    %exp23A_65 = math.exp2 %convert_element_type3A_64 : vector<256x2048xbf16>
    %get3A_66 = arith.constant 0 : index
    %get3A_67 = arith.constant 0 : index
    %get3A_68 = arith.constant 0 : index
    %get3A_69 = vector.load %arg4[%get3A_66, %get3A_67, %get3A_68] : memref<4x2048x33xbf16, #tpu.memory_space<vmem>>, vector<1x2048x33xbf16>
    %get3A_70 = vector.shape_cast %get3A_69 : vector<1x2048x33xbf16> to vector<2048x33xbf16>
    %dot_general3A_71 = arith.constant dense<0.000000e+00> : vector<256x33xf32>
    %dot_general3A_72 = tpu.matmul %exp23A_65, %get3A_70, %dot_general3A_71 {dimension_numbers = #tpu.dot_dimension_numbers<[1], [0], [0], [1], [0, 0, 1, 1], [], []>, transpose_lhs_hint = false} : vector<256x2048xbf16>, vector<2048x33xbf16>, vector<256x33xf32> -> vector<256x33xf32>
    %slice3A_73 = vector.extract_strided_slice %dot_general3A_72 {offsets = [0, 32], sizes = [256, 1], strides = [1, 1]} : vector<256x33xf32> to vector<256x1xf32>
    %slice3A_74 = vector.extract_strided_slice %dot_general3A_72 {offsets = [0, 0], sizes = [256, 32], strides = [1, 1]} : vector<256x33xf32> to vector<256x32xf32>
    %div3A_75 = arith.constant 1.000000e+00 : f32
    %div3A_76 = vector.broadcast %div3A_75 : f32 to vector<256x1xf32>
    %div3A_77 = arith.divf %div3A_76, %slice3A_73 : vector<256x1xf32>
    %mul3A_78 = vector.broadcast %div3A_77 : vector<256x1xf32> to vector<256x32xf32>
    %mul3A_79 = arith.mulf %slice3A_74, %mul3A_78 : vector<256x32xf32>
    %convert_element_type3A_80 = arith.truncf %mul3A_79 : vector<256x32xf32> to vector<256x32xbf16>
    %swap3A_81 = arith.constant 0 : index
    %swap3A_82 = arith.constant 256 : index
    %swap3A_83 = arith.constant 0 : index
    %swap3A_84 = vector.load %arg5[%swap3A_81, %swap3A_82, %swap3A_83] : memref<4x2048x32xbf16, #tpu.memory_space<vmem>>, vector<1x256x32xbf16>
    %swap3A_85 = vector.shape_cast %swap3A_84 : vector<1x256x32xbf16> to vector<256x32xbf16>
    %swap3A_86 = vector.shape_cast %convert_element_type3A_80 : vector<256x32xbf16> to vector<1x256x32xbf16>
    tpu.vector_store %arg5[%swap3A_81, %swap3A_82, %swap3A_83], %swap3A_86 {strides = array<i32>} : memref<4x2048x32xbf16, #tpu.memory_space<vmem>>, vector<1x256x32xbf16>,
    %get3A_87 = arith.constant 0 : index
    %get3A_88 = arith.constant 512 : index
    %get3A_89 = arith.constant 0 : index
    %get3A_90 = vector.load %arg2[%get3A_87, %get3A_88, %get3A_89] : memref<4x2048x32xbf16, #tpu.memory_space<vmem>>, vector<1x256x32xbf16>
    %get3A_91 = vector.shape_cast %get3A_90 : vector<1x256x32xbf16> to vector<256x32xbf16>
    %convert_element_type3A_92 = arith.extf %get3A_91 : vector<256x32xbf16> to vector<256x32xf32>
    %mul3A_93 = arith.mulf %convert_element_type3A_92, %convert_element_type3A_92 : vector<256x32xf32>
    %reduce_sum3A_94 = arith.constant dense<0.000000e+00> : vector<256xf32>
    %reduce_sum3A_95 = vector.multi_reduction <add>, %mul3A_93, %reduce_sum3A_94 [1] : vector<256x32xf32> to vector<256xf32>
    %broadcast_in_dim3A_96 = vector.shape_cast %reduce_sum3A_95 : vector<256xf32> to vector<256x1xf32>
    %mul3A_97 = vector.broadcast %reduce_max3A_8 : f32 to vector<256x1xf32>
    %mul3A_98 = arith.mulf %broadcast_in_dim3A_96, %mul3A_97 : vector<256x1xf32>
    %sqrt3A_99 = math.sqrt %mul3A_98 : vector<256x1xf32>
    %neg3A_100 = arith.constant 0.000000e+00 : f32
    %neg3A_101 = vector.broadcast %neg3A_100 : f32 to vector<256x1xf32>
    %neg3A_102 = arith.subf %neg3A_101, %sqrt3A_99 : vector<256x1xf32>
    %convert_element_type3A_103 = arith.truncf %neg3A_102 : vector<256x1xf32> to vector<256x1xbf16>
    %concatenate3A_104 = tpu.concatenate %get3A_91, %convert_element_type3A_103 in 1 : vector<256x32xbf16>, vector<256x1xbf16> -> vector<256x33xbf16>
    %dot_general3A_105 = arith.constant dense<0.000000e+00> : vector<256x2048xf32>
    %dot_general3A_106 = tpu.matmul %concatenate3A_104, %get3A_3, %dot_general3A_105 {dimension_numbers = #tpu.dot_dimension_numbers<[1], [1], [0], [0], [0, 0, 1, 0], [], []>, transpose_lhs_hint = false} : vector<256x33xbf16>, vector<2048x33xbf16>, vector<256x2048xf32> -> vector<256x2048xf32>
    %convert_element_type3A_107 = arith.truncf %dot_general3A_106 : vector<256x2048xf32> to vector<256x2048xbf16>
    %exp23A_108 = math.exp2 %convert_element_type3A_107 : vector<256x2048xbf16>
    %get3A_109 = arith.constant 0 : index
    %get3A_110 = arith.constant 0 : index
    %get3A_111 = arith.constant 0 : index
    %get3A_112 = vector.load %arg4[%get3A_109, %get3A_110, %get3A_111] : memref<4x2048x33xbf16, #tpu.memory_space<vmem>>, vector<1x2048x33xbf16>
    %get3A_113 = vector.shape_cast %get3A_112 : vector<1x2048x33xbf16> to vector<2048x33xbf16>
    %dot_general3A_114 = arith.constant dense<0.000000e+00> : vector<256x33xf32>
    %dot_general3A_115 = tpu.matmul %exp23A_108, %get3A_113, %dot_general3A_114 {dimension_numbers = #tpu.dot_dimension_numbers<[1], [0], [0], [1], [0, 0, 1, 1], [], []>, transpose_lhs_hint = false} : vector<256x2048xbf16>, vector<2048x33xbf16>, vector<256x33xf32> -> vector<256x33xf32>
    %slice3A_116 = vector.extract_strided_slice %dot_general3A_115 {offsets = [0, 32], sizes = [256, 1], strides = [1, 1]} : vector<256x33xf32> to vector<256x1xf32>
    %slice3A_117 = vector.extract_strided_slice %dot_general3A_115 {offsets = [0, 0], sizes = [256, 32], strides = [1, 1]} : vector<256x33xf32> to vector<256x32xf32>
    %div3A_118 = arith.constant 1.000000e+00 : f32
    %div3A_119 = vector.broadcast %div3A_118 : f32 to vector<256x1xf32>
    %div3A_120 = arith.divf %div3A_119, %slice3A_116 : vector<256x1xf32>
    %mul3A_121 = vector.broadcast %div3A_120 : vector<256x1xf32> to vector<256x32xf32>
    %mul3A_122 = arith.mulf %slice3A_117, %mul3A_121 : vector<256x32xf32>
    %convert_element_type3A_123 = arith.truncf %mul3A_122 : vector<256x32xf32> to vector<256x32xbf16>
    %swap3A_124 = arith.constant 0 : index
    %swap3A_125 = arith.constant 512 : index
    %swap3A_126 = arith.constant 0 : index
    %swap3A_127 = vector.load %arg5[%swap3A_124, %swap3A_125, %swap3A_126] : memref<4x2048x32xbf16, #tpu.memory_space<vmem>>, vector<1x256x32xbf16>
    %swap3A_128 = vector.shape_cast %swap3A_127 : vector<1x256x32xbf16> to vector<256x32xbf16>
    %swap3A_129 = vector.shape_cast %convert_element_type3A_123 : vector<256x32xbf16> to vector<1x256x32xbf16>
    tpu.vector_store %arg5[%swap3A_124, %swap3A_125, %swap3A_126], %swap3A_129 {strides = array<i32>} : memref<4x2048x32xbf16, #tpu.memory_space<vmem>>, vector<1x256x32xbf16>,
    %get3A_130 = arith.constant 0 : index
    %get3A_131 = arith.constant 768 : index
    %get3A_132 = arith.constant 0 : index
    %get3A_133 = vector.load %arg2[%get3A_130, %get3A_131, %get3A_132] : memref<4x2048x32xbf16, #tpu.memory_space<vmem>>, vector<1x256x32xbf16>
    %get3A_134 = vector.shape_cast %get3A_133 : vector<1x256x32xbf16> to vector<256x32xbf16>
    %convert_element_type3A_135 = arith.extf %get3A_134 : vector<256x32xbf16> to vector<256x32xf32>
    %mul3A_136 = arith.mulf %convert_element_type3A_135, %convert_element_type3A_135 : vector<256x32xf32>
    %reduce_sum3A_137 = arith.constant dense<0.000000e+00> : vector<256xf32>
    %reduce_sum3A_138 = vector.multi_reduction <add>, %mul3A_136, %reduce_sum3A_137 [1] : vector<256x32xf32> to vector<256xf32>
    %broadcast_in_dim3A_139 = vector.shape_cast %reduce_sum3A_138 : vector<256xf32> to vector<256x1xf32>
    %mul3A_140 = vector.broadcast %reduce_max3A_8 : f32 to vector<256x1xf32>
    %mul3A_141 = arith.mulf %broadcast_in_dim3A_139, %mul3A_140 : vector<256x1xf32>
    %sqrt3A_142 = math.sqrt %mul3A_141 : vector<256x1xf32>
    %neg3A_143 = arith.constant 0.000000e+00 : f32
    %neg3A_144 = vector.broadcast %neg3A_143 : f32 to vector<256x1xf32>
    %neg3A_145 = arith.subf %neg3A_144, %sqrt3A_142 : vector<256x1xf32>
    %convert_element_type3A_146 = arith.truncf %neg3A_145 : vector<256x1xf32> to vector<256x1xbf16>
    %concatenate3A_147 = tpu.concatenate %get3A_134, %convert_element_type3A_146 in 1 : vector<256x32xbf16>, vector<256x1xbf16> -> vector<256x33xbf16>
    %dot_general3A_148 = arith.constant dense<0.000000e+00> : vector<256x2048xf32>
    %dot_general3A_149 = tpu.matmul %concatenate3A_147, %get3A_3, %dot_general3A_148 {dimension_numbers = #tpu.dot_dimension_numbers<[1], [1], [0], [0], [0, 0, 1, 0], [], []>, transpose_lhs_hint = false} : vector<256x33xbf16>, vector<2048x33xbf16>, vector<256x2048xf32> -> vector<256x2048xf32>
    %convert_element_type3A_150 = arith.truncf %dot_general3A_149 : vector<256x2048xf32> to vector<256x2048xbf16>
    %exp23A_151 = math.exp2 %convert_element_type3A_150 : vector<256x2048xbf16>
    %get3A_152 = arith.constant 0 : index
    %get3A_153 = arith.constant 0 : index
    %get3A_154 = arith.constant 0 : index
    %get3A_155 = vector.load %arg4[%get3A_152, %get3A_153, %get3A_154] : memref<4x2048x33xbf16, #tpu.memory_space<vmem>>, vector<1x2048x33xbf16>
    %get3A_156 = vector.shape_cast %get3A_155 : vector<1x2048x33xbf16> to vector<2048x33xbf16>
    %dot_general3A_157 = arith.constant dense<0.000000e+00> : vector<256x33xf32>
    %dot_general3A_158 = tpu.matmul %exp23A_151, %get3A_156, %dot_general3A_157 {dimension_numbers = #tpu.dot_dimension_numbers<[1], [0], [0], [1], [0, 0, 1, 1], [], []>, transpose_lhs_hint = false} : vector<256x2048xbf16>, vector<2048x33xbf16>, vector<256x33xf32> -> vector<256x33xf32>
    %slice3A_159 = vector.extract_strided_slice %dot_general3A_158 {offsets = [0, 32], sizes = [256, 1], strides = [1, 1]} : vector<256x33xf32> to vector<256x1xf32>
    %slice3A_160 = vector.extract_strided_slice %dot_general3A_158 {offsets = [0, 0], sizes = [256, 32], strides = [1, 1]} : vector<256x33xf32> to vector<256x32xf32>
    %div3A_161 = arith.constant 1.000000e+00 : f32
    %div3A_162 = vector.broadcast %div3A_161 : f32 to vector<256x1xf32>
    %div3A_163 = arith.divf %div3A_162, %slice3A_159 : vector<256x1xf32>
    %mul3A_164 = vector.broadcast %div3A_163 : vector<256x1xf32> to vector<256x32xf32>
    %mul3A_165 = arith.mulf %slice3A_160, %mul3A_164 : vector<256x32xf32>
    %convert_element_type3A_166 = arith.truncf %mul3A_165 : vector<256x32xf32> to vector<256x32xbf16>
    %swap3A_167 = arith.constant 0 : index
    %swap3A_168 = arith.constant 768 : index
    %swap3A_169 = arith.constant 0 : index
    %swap3A_170 = vector.load %arg5[%swap3A_167, %swap3A_168, %swap3A_169] : memref<4x2048x32xbf16, #tpu.memory_space<vmem>>, vector<1x256x32xbf16>
    %swap3A_171 = vector.shape_cast %swap3A_170 : vector<1x256x32xbf16> to vector<256x32xbf16>
    %swap3A_172 = vector.shape_cast %convert_element_type3A_166 : vector<256x32xbf16> to vector<1x256x32xbf16>
    tpu.vector_store %arg5[%swap3A_167, %swap3A_168, %swap3A_169], %swap3A_172 {strides = array<i32>} : memref<4x2048x32xbf16, #tpu.memory_space<vmem>>, vector<1x256x32xbf16>,
    %get3A_173 = arith.constant 0 : index
    %get3A_174 = arith.constant 1024 : index
    %get3A_175 = arith.constant 0 : index
    %get3A_176 = vector.load %arg2[%get3A_173, %get3A_174, %get3A_175] : memref<4x2048x32xbf16, #tpu.memory_space<vmem>>, vector<1x256x32xbf16>
    %get3A_177 = vector.shape_cast %get3A_176 : vector<1x256x32xbf16> to vector<256x32xbf16>
    %convert_element_type3A_178 = arith.extf %get3A_177 : vector<256x32xbf16> to vector<256x32xf32>
    %mul3A_179 = arith.mulf %convert_element_type3A_178, %convert_element_type3A_178 : vector<256x32xf32>
    %reduce_sum3A_180 = arith.constant dense<0.000000e+00> : vector<256xf32>
    %reduce_sum3A_181 = vector.multi_reduction <add>, %mul3A_179, %reduce_sum3A_180 [1] : vector<256x32xf32> to vector<256xf32>
    %broadcast_in_dim3A_182 = vector.shape_cast %reduce_sum3A_181 : vector<256xf32> to vector<256x1xf32>
    %mul3A_183 = vector.broadcast %reduce_max3A_8 : f32 to vector<256x1xf32>
    %mul3A_184 = arith.mulf %broadcast_in_dim3A_182, %mul3A_183 : vector<256x1xf32>
    %sqrt3A_185 = math.sqrt %mul3A_184 : vector<256x1xf32>
    %neg3A_186 = arith.constant 0.000000e+00 : f32
    %neg3A_187 = vector.broadcast %neg3A_186 : f32 to vector<256x1xf32>
    %neg3A_188 = arith.subf %neg3A_187, %sqrt3A_185 : vector<256x1xf32>
    %convert_element_type3A_189 = arith.truncf %neg3A_188 : vector<256x1xf32> to vector<256x1xbf16>
    %concatenate3A_190 = tpu.concatenate %get3A_177, %convert_element_type3A_189 in 1 : vector<256x32xbf16>, vector<256x1xbf16> -> vector<256x33xbf16>
    %dot_general3A_191 = arith.constant dense<0.000000e+00> : vector<256x2048xf32>
    %dot_general3A_192 = tpu.matmul %concatenate3A_190, %get3A_3, %dot_general3A_191 {dimension_numbers = #tpu.dot_dimension_numbers<[1], [1], [0], [0], [0, 0, 1, 0], [], []>, transpose_lhs_hint = false} : vector<256x33xbf16>, vector<2048x33xbf16>, vector<256x2048xf32> -> vector<256x2048xf32>
    %convert_element_type3A_193 = arith.truncf %dot_general3A_192 : vector<256x2048xf32> to vector<256x2048xbf16>
    %exp23A_194 = math.exp2 %convert_element_type3A_193 : vector<256x2048xbf16>
    %get3A_195 = arith.constant 0 : index
    %get3A_196 = arith.constant 0 : index
    %get3A_197 = arith.constant 0 : index
    %get3A_198 = vector.load %arg4[%get3A_195, %get3A_196, %get3A_197] : memref<4x2048x33xbf16, #tpu.memory_space<vmem>>, vector<1x2048x33xbf16>
    %get3A_199 = vector.shape_cast %get3A_198 : vector<1x2048x33xbf16> to vector<2048x33xbf16>
    %dot_general3A_200 = arith.constant dense<0.000000e+00> : vector<256x33xf32>
    %dot_general3A_201 = tpu.matmul %exp23A_194, %get3A_199, %dot_general3A_200 {dimension_numbers = #tpu.dot_dimension_numbers<[1], [0], [0], [1], [0, 0, 1, 1], [], []>, transpose_lhs_hint = false} : vector<256x2048xbf16>, vector<2048x33xbf16>, vector<256x33xf32> -> vector<256x33xf32>
    %slice3A_202 = vector.extract_strided_slice %dot_general3A_201 {offsets = [0, 32], sizes = [256, 1], strides = [1, 1]} : vector<256x33xf32> to vector<256x1xf32>
    %slice3A_203 = vector.extract_strided_slice %dot_general3A_201 {offsets = [0, 0], sizes = [256, 32], strides = [1, 1]} : vector<256x33xf32> to vector<256x32xf32>
    %div3A_204 = arith.constant 1.000000e+00 : f32
    %div3A_205 = vector.broadcast %div3A_204 : f32 to vector<256x1xf32>
    %div3A_206 = arith.divf %div3A_205, %slice3A_202 : vector<256x1xf32>
    %mul3A_207 = vector.broadcast %div3A_206 : vector<256x1xf32> to vector<256x32xf32>
    %mul3A_208 = arith.mulf %slice3A_203, %mul3A_207 : vector<256x32xf32>
    %convert_element_type3A_209 = arith.truncf %mul3A_208 : vector<256x32xf32> to vector<256x32xbf16>
    %swap3A_210 = arith.constant 0 : index
    %swap3A_211 = arith.constant 1024 : index
    %swap3A_212 = arith.constant 0 : index
    %swap3A_213 = vector.load %arg5[%swap3A_210, %swap3A_211, %swap3A_212] : memref<4x2048x32xbf16, #tpu.memory_space<vmem>>, vector<1x256x32xbf16>
    %swap3A_214 = vector.shape_cast %swap3A_213 : vector<1x256x32xbf16> to vector<256x32xbf16>
    %swap3A_215 = vector.shape_cast %convert_element_type3A_209 : vector<256x32xbf16> to vector<1x256x32xbf16>
    tpu.vector_store %arg5[%swap3A_210, %swap3A_211, %swap3A_212], %swap3A_215 {strides = array<i32>} : memref<4x2048x32xbf16, #tpu.memory_space<vmem>>, vector<1x256x32xbf16>,
    %get3A_216 = arith.constant 0 : index
    %get3A_217 = arith.constant 1280 : index
    %get3A_218 = arith.constant 0 : index
    %get3A_219 = vector.load %arg2[%get3A_216, %get3A_217, %get3A_218] : memref<4x2048x32xbf16, #tpu.memory_space<vmem>>, vector<1x256x32xbf16>
    %get3A_220 = vector.shape_cast %get3A_219 : vector<1x256x32xbf16> to vector<256x32xbf16>
    %convert_element_type3A_221 = arith.extf %get3A_220 : vector<256x32xbf16> to vector<256x32xf32>
    %mul3A_222 = arith.mulf %convert_element_type3A_221, %convert_element_type3A_221 : vector<256x32xf32>
    %reduce_sum3A_223 = arith.constant dense<0.000000e+00> : vector<256xf32>
    %reduce_sum3A_224 = vector.multi_reduction <add>, %mul3A_222, %reduce_sum3A_223 [1] : vector<256x32xf32> to vector<256xf32>
    %broadcast_in_dim3A_225 = vector.shape_cast %reduce_sum3A_224 : vector<256xf32> to vector<256x1xf32>
    %mul3A_226 = vector.broadcast %reduce_max3A_8 : f32 to vector<256x1xf32>
    %mul3A_227 = arith.mulf %broadcast_in_dim3A_225, %mul3A_226 : vector<256x1xf32>
    %sqrt3A_228 = math.sqrt %mul3A_227 : vector<256x1xf32>
    %neg3A_229 = arith.constant 0.000000e+00 : f32
    %neg3A_230 = vector.broadcast %neg3A_229 : f32 to vector<256x1xf32>
    %neg3A_231 = arith.subf %neg3A_230, %sqrt3A_228 : vector<256x1xf32>
    %convert_element_type3A_232 = arith.truncf %neg3A_231 : vector<256x1xf32> to vector<256x1xbf16>
    %concatenate3A_233 = tpu.concatenate %get3A_220, %convert_element_type3A_232 in 1 : vector<256x32xbf16>, vector<256x1xbf16> -> vector<256x33xbf16>
    %dot_general3A_234 = arith.constant dense<0.000000e+00> : vector<256x2048xf32>
    %dot_general3A_235 = tpu.matmul %concatenate3A_233, %get3A_3, %dot_general3A_234 {dimension_numbers = #tpu.dot_dimension_numbers<[1], [1], [0], [0], [0, 0, 1, 0], [], []>, transpose_lhs_hint = false} : vector<256x33xbf16>, vector<2048x33xbf16>, vector<256x2048xf32> -> vector<256x2048xf32>
    %convert_element_type3A_236 = arith.truncf %dot_general3A_235 : vector<256x2048xf32> to vector<256x2048xbf16>
    %exp23A_237 = math.exp2 %convert_element_type3A_236 : vector<256x2048xbf16>
    %get3A_238 = arith.constant 0 : index
    %get3A_239 = arith.constant 0 : index
    %get3A_240 = arith.constant 0 : index
    %get3A_241 = vector.load %arg4[%get3A_238, %get3A_239, %get3A_240] : memref<4x2048x33xbf16, #tpu.memory_space<vmem>>, vector<1x2048x33xbf16>
    %get3A_242 = vector.shape_cast %get3A_241 : vector<1x2048x33xbf16> to vector<2048x33xbf16>
    %dot_general3A_243 = arith.constant dense<0.000000e+00> : vector<256x33xf32>
    %dot_general3A_244 = tpu.matmul %exp23A_237, %get3A_242, %dot_general3A_243 {dimension_numbers = #tpu.dot_dimension_numbers<[1], [0], [0], [1], [0, 0, 1, 1], [], []>, transpose_lhs_hint = false} : vector<256x2048xbf16>, vector<2048x33xbf16>, vector<256x33xf32> -> vector<256x33xf32>
    %slice3A_245 = vector.extract_strided_slice %dot_general3A_244 {offsets = [0, 32], sizes = [256, 1], strides = [1, 1]} : vector<256x33xf32> to vector<256x1xf32>
    %slice3A_246 = vector.extract_strided_slice %dot_general3A_244 {offsets = [0, 0], sizes = [256, 32], strides = [1, 1]} : vector<256x33xf32> to vector<256x32xf32>
    %div3A_247 = arith.constant 1.000000e+00 : f32
    %div3A_248 = vector.broadcast %div3A_247 : f32 to vector<256x1xf32>
    %div3A_249 = arith.divf %div3A_248, %slice3A_245 : vector<256x1xf32>
    %mul3A_250 = vector.broadcast %div3A_249 : vector<256x1xf32> to vector<256x32xf32>
    %mul3A_251 = arith.mulf %slice3A_246, %mul3A_250 : vector<256x32xf32>
    %convert_element_type3A_252 = arith.truncf %mul3A_251 : vector<256x32xf32> to vector<256x32xbf16>
    %swap3A_253 = arith.constant 0 : index
    %swap3A_254 = arith.constant 1280 : index
    %swap3A_255 = arith.constant 0 : index
    %swap3A_256 = vector.load %arg5[%swap3A_253, %swap3A_254, %swap3A_255] : memref<4x2048x32xbf16, #tpu.memory_space<vmem>>, vector<1x256x32xbf16>
    %swap3A_257 = vector.shape_cast %swap3A_256 : vector<1x256x32xbf16> to vector<256x32xbf16>
    %swap3A_258 = vector.shape_cast %convert_element_type3A_252 : vector<256x32xbf16> to vector<1x256x32xbf16>
    tpu.vector_store %arg5[%swap3A_253, %swap3A_254, %swap3A_255], %swap3A_258 {strides = array<i32>} : memref<4x2048x32xbf16, #tpu.memory_space<vmem>>, vector<1x256x32xbf16>,
    %get3A_259 = arith.constant 0 : index
    %get3A_260 = arith.constant 1536 : index
    %get3A_261 = arith.constant 0 : index
    %get3A_262 = vector.load %arg2[%get3A_259, %get3A_260, %get3A_261] : memref<4x2048x32xbf16, #tpu.memory_space<vmem>>, vector<1x256x32xbf16>
    %get3A_263 = vector.shape_cast %get3A_262 : vector<1x256x32xbf16> to vector<256x32xbf16>
    %convert_element_type3A_264 = arith.extf %get3A_263 : vector<256x32xbf16> to vector<256x32xf32>
    %mul3A_265 = arith.mulf %convert_element_type3A_264, %convert_element_type3A_264 : vector<256x32xf32>
    %reduce_sum3A_266 = arith.constant dense<0.000000e+00> : vector<256xf32>
    %reduce_sum3A_267 = vector.multi_reduction <add>, %mul3A_265, %reduce_sum3A_266 [1] : vector<256x32xf32> to vector<256xf32>
    %broadcast_in_dim3A_268 = vector.shape_cast %reduce_sum3A_267 : vector<256xf32> to vector<256x1xf32>
    %mul3A_269 = vector.broadcast %reduce_max3A_8 : f32 to vector<256x1xf32>
    %mul3A_270 = arith.mulf %broadcast_in_dim3A_268, %mul3A_269 : vector<256x1xf32>
    %sqrt3A_271 = math.sqrt %mul3A_270 : vector<256x1xf32>
    %neg3A_272 = arith.constant 0.000000e+00 : f32
    %neg3A_273 = vector.broadcast %neg3A_272 : f32 to vector<256x1xf32>
    %neg3A_274 = arith.subf %neg3A_273, %sqrt3A_271 : vector<256x1xf32>
    %convert_element_type3A_275 = arith.truncf %neg3A_274 : vector<256x1xf32> to vector<256x1xbf16>
    %concatenate3A_276 = tpu.concatenate %get3A_263, %convert_element_type3A_275 in 1 : vector<256x32xbf16>, vector<256x1xbf16> -> vector<256x33xbf16>
    %dot_general3A_277 = arith.constant dense<0.000000e+00> : vector<256x2048xf32>
    %dot_general3A_278 = tpu.matmul %concatenate3A_276, %get3A_3, %dot_general3A_277 {dimension_numbers = #tpu.dot_dimension_numbers<[1], [1], [0], [0], [0, 0, 1, 0], [], []>, transpose_lhs_hint = false} : vector<256x33xbf16>, vector<2048x33xbf16>, vector<256x2048xf32> -> vector<256x2048xf32>
    %convert_element_type3A_279 = arith.truncf %dot_general3A_278 : vector<256x2048xf32> to vector<256x2048xbf16>
    %exp23A_280 = math.exp2 %convert_element_type3A_279 : vector<256x2048xbf16>
    %get3A_281 = arith.constant 0 : index
    %get3A_282 = arith.constant 0 : index
    %get3A_283 = arith.constant 0 : index
    %get3A_284 = vector.load %arg4[%get3A_281, %get3A_282, %get3A_283] : memref<4x2048x33xbf16, #tpu.memory_space<vmem>>, vector<1x2048x33xbf16>
    %get3A_285 = vector.shape_cast %get3A_284 : vector<1x2048x33xbf16> to vector<2048x33xbf16>
    %dot_general3A_286 = arith.constant dense<0.000000e+00> : vector<256x33xf32>
    %dot_general3A_287 = tpu.matmul %exp23A_280, %get3A_285, %dot_general3A_286 {dimension_numbers = #tpu.dot_dimension_numbers<[1], [0], [0], [1], [0, 0, 1, 1], [], []>, transpose_lhs_hint = false} : vector<256x2048xbf16>, vector<2048x33xbf16>, vector<256x33xf32> -> vector<256x33xf32>
    %slice3A_288 = vector.extract_strided_slice %dot_general3A_287 {offsets = [0, 32], sizes = [256, 1], strides = [1, 1]} : vector<256x33xf32> to vector<256x1xf32>
    %slice3A_289 = vector.extract_strided_slice %dot_general3A_287 {offsets = [0, 0], sizes = [256, 32], strides = [1, 1]} : vector<256x33xf32> to vector<256x32xf32>
    %div3A_290 = arith.constant 1.000000e+00 : f32
    %div3A_291 = vector.broadcast %div3A_290 : f32 to vector<256x1xf32>
    %div3A_292 = arith.divf %div3A_291, %slice3A_288 : vector<256x1xf32>
    %mul3A_293 = vector.broadcast %div3A_292 : vector<256x1xf32> to vector<256x32xf32>
    %mul3A_294 = arith.mulf %slice3A_289, %mul3A_293 : vector<256x32xf32>
    %convert_element_type3A_295 = arith.truncf %mul3A_294 : vector<256x32xf32> to vector<256x32xbf16>
    %swap3A_296 = arith.constant 0 : index
    %swap3A_297 = arith.constant 1536 : index
    %swap3A_298 = arith.constant 0 : index
    %swap3A_299 = vector.load %arg5[%swap3A_296, %swap3A_297, %swap3A_298] : memref<4x2048x32xbf16, #tpu.memory_space<vmem>>, vector<1x256x32xbf16>
    %swap3A_300 = vector.shape_cast %swap3A_299 : vector<1x256x32xbf16> to vector<256x32xbf16>
    %swap3A_301 = vector.shape_cast %convert_element_type3A_295 : vector<256x32xbf16> to vector<1x256x32xbf16>
    tpu.vector_store %arg5[%swap3A_296, %swap3A_297, %swap3A_298], %swap3A_301 {strides = array<i32>} : memref<4x2048x32xbf16, #tpu.memory_space<vmem>>, vector<1x256x32xbf16>,
    %get3A_302 = arith.constant 0 : index
    %get3A_303 = arith.constant 1792 : index
    %get3A_304 = arith.constant 0 : index
    %get3A_305 = vector.load %arg2[%get3A_302, %get3A_303, %get3A_304] : memref<4x2048x32xbf16, #tpu.memory_space<vmem>>, vector<1x256x32xbf16>
    %get3A_306 = vector.shape_cast %get3A_305 : vector<1x256x32xbf16> to vector<256x32xbf16>
    %convert_element_type3A_307 = arith.extf %get3A_306 : vector<256x32xbf16> to vector<256x32xf32>
    %mul3A_308 = arith.mulf %convert_element_type3A_307, %convert_element_type3A_307 : vector<256x32xf32>
    %reduce_sum3A_309 = arith.constant dense<0.000000e+00> : vector<256xf32>
    %reduce_sum3A_310 = vector.multi_reduction <add>, %mul3A_308, %reduce_sum3A_309 [1] : vector<256x32xf32> to vector<256xf32>
    %broadcast_in_dim3A_311 = vector.shape_cast %reduce_sum3A_310 : vector<256xf32> to vector<256x1xf32>
    %mul3A_312 = vector.broadcast %reduce_max3A_8 : f32 to vector<256x1xf32>
    %mul3A_313 = arith.mulf %broadcast_in_dim3A_311, %mul3A_312 : vector<256x1xf32>
    %sqrt3A_314 = math.sqrt %mul3A_313 : vector<256x1xf32>
    %neg3A_315 = arith.constant 0.000000e+00 : f32
    %neg3A_316 = vector.broadcast %neg3A_315 : f32 to vector<256x1xf32>
    %neg3A_317 = arith.subf %neg3A_316, %sqrt3A_314 : vector<256x1xf32>
    %convert_element_type3A_318 = arith.truncf %neg3A_317 : vector<256x1xf32> to vector<256x1xbf16>
    %concatenate3A_319 = tpu.concatenate %get3A_306, %convert_element_type3A_318 in 1 : vector<256x32xbf16>, vector<256x1xbf16> -> vector<256x33xbf16>
    %dot_general3A_320 = arith.constant dense<0.000000e+00> : vector<256x2048xf32>
    %dot_general3A_321 = tpu.matmul %concatenate3A_319, %get3A_3, %dot_general3A_320 {dimension_numbers = #tpu.dot_dimension_numbers<[1], [1], [0], [0], [0, 0, 1, 0], [], []>, transpose_lhs_hint = false} : vector<256x33xbf16>, vector<2048x33xbf16>, vector<256x2048xf32> -> vector<256x2048xf32>
    %convert_element_type3A_322 = arith.truncf %dot_general3A_321 : vector<256x2048xf32> to vector<256x2048xbf16>
    %exp23A_323 = math.exp2 %convert_element_type3A_322 : vector<256x2048xbf16>
    %get3A_324 = arith.constant 0 : index
    %get3A_325 = arith.constant 0 : index
    %get3A_326 = arith.constant 0 : index
    %get3A_327 = vector.load %arg4[%get3A_324, %get3A_325, %get3A_326] : memref<4x2048x33xbf16, #tpu.memory_space<vmem>>, vector<1x2048x33xbf16>
    %get3A_328 = vector.shape_cast %get3A_327 : vector<1x2048x33xbf16> to vector<2048x33xbf16>
    %dot_general3A_329 = arith.constant dense<0.000000e+00> : vector<256x33xf32>
    %dot_general3A_330 = tpu.matmul %exp23A_323, %get3A_328, %dot_general3A_329 {dimension_numbers = #tpu.dot_dimension_numbers<[1], [0], [0], [1], [0, 0, 1, 1], [], []>, transpose_lhs_hint = false} : vector<256x2048xbf16>, vector<2048x33xbf16>, vector<256x33xf32> -> vector<256x33xf32>
    %slice3A_331 = vector.extract_strided_slice %dot_general3A_330 {offsets = [0, 32], sizes = [256, 1], strides = [1, 1]} : vector<256x33xf32> to vector<256x1xf32>
    %slice3A_332 = vector.extract_strided_slice %dot_general3A_330 {offsets = [0, 0], sizes = [256, 32], strides = [1, 1]} : vector<256x33xf32> to vector<256x32xf32>
    %div3A_333 = arith.constant 1.000000e+00 : f32
    %div3A_334 = vector.broadcast %div3A_333 : f32 to vector<256x1xf32>
    %div3A_335 = arith.divf %div3A_334, %slice3A_331 : vector<256x1xf32>
    %mul3A_336 = vector.broadcast %div3A_335 : vector<256x1xf32> to vector<256x32xf32>
    %mul3A_337 = arith.mulf %slice3A_332, %mul3A_336 : vector<256x32xf32>
    %convert_element_type3A_338 = arith.truncf %mul3A_337 : vector<256x32xf32> to vector<256x32xbf16>
    %swap3A_339 = arith.constant 0 : index
    %swap3A_340 = arith.constant 1792 : index
    %swap3A_341 = arith.constant 0 : index
    %swap3A_342 = vector.load %arg5[%swap3A_339, %swap3A_340, %swap3A_341] : memref<4x2048x32xbf16, #tpu.memory_space<vmem>>, vector<1x256x32xbf16>
    %swap3A_343 = vector.shape_cast %swap3A_342 : vector<1x256x32xbf16> to vector<256x32xbf16>
    %swap3A_344 = vector.shape_cast %convert_element_type3A_338 : vector<256x32xbf16> to vector<1x256x32xbf16>
    tpu.vector_store %arg5[%swap3A_339, %swap3A_340, %swap3A_341], %swap3A_344 {strides = array<i32>} : memref<4x2048x32xbf16, #tpu.memory_space<vmem>>, vector<1x256x32xbf16>,
    %get3A_345 = arith.constant 1 : index
    %get3A_346 = arith.constant 0 : index
    %get3A_347 = arith.constant 0 : index
    %get3A_348 = vector.load %arg3[%get3A_345, %get3A_346, %get3A_347] : memref<4x2048x33xbf16, #tpu.memory_space<vmem>>, vector<1x2048x33xbf16>
    %get3A_349 = vector.shape_cast %get3A_348 : vector<1x2048x33xbf16> to vector<2048x33xbf16>
    %slice3A_350 = vector.extract_strided_slice %get3A_349 {offsets = [0, 0], sizes = [2048, 32], strides = [1, 1]} : vector<2048x33xbf16> to vector<2048x32xbf16>
    %convert_element_type3A_351 = arith.extf %slice3A_350 : vector<2048x32xbf16> to vector<2048x32xf32>
    %mul3A_352 = arith.mulf %convert_element_type3A_351, %convert_element_type3A_351 : vector<2048x32xf32>
    %reduce_sum3A_353 = arith.constant dense<0.000000e+00> : vector<2048xf32>
    %reduce_sum3A_354 = vector.multi_reduction <add>, %mul3A_352, %reduce_sum3A_353 [1] : vector<2048x32xf32> to vector<2048xf32>
    %reduce_max3A_355 = vector.shape_cast %reduce_sum3A_354 : vector<2048xf32> to vector<1x2048xf32>
    %reduce_max3A_356 = arith.constant dense<0xFF800000> : vector<1xf32>
    %reduce_max3A_357 = vector.multi_reduction <maximumf>, %reduce_max3A_355, %reduce_max3A_356 [1] : vector<1x2048xf32> to vector<1xf32>
    %reduce_max3A_358 = vector.shape_cast %reduce_max3A_357 : vector<1xf32> to vector<1x1xf32>
    %reduce_max3A_359 = vector.extract %reduce_max3A_358[0, 0] : f32 from vector<1x1xf32>
    %get3A_360 = arith.constant 1 : index
    %get3A_361 = arith.constant 0 : index
    %get3A_362 = arith.constant 0 : index
    %get3A_363 = vector.load %arg2[%get3A_360, %get3A_361, %get3A_362] : memref<4x2048x32xbf16, #tpu.memory_space<vmem>>, vector<1x256x32xbf16>
    %get3A_364 = vector.shape_cast %get3A_363 : vector<1x256x32xbf16> to vector<256x32xbf16>
    %convert_element_type3A_365 = arith.extf %get3A_364 : vector<256x32xbf16> to vector<256x32xf32>
    %mul3A_366 = arith.mulf %convert_element_type3A_365, %convert_element_type3A_365 : vector<256x32xf32>
    %reduce_sum3A_367 = arith.constant dense<0.000000e+00> : vector<256xf32>
    %reduce_sum3A_368 = vector.multi_reduction <add>, %mul3A_366, %reduce_sum3A_367 [1] : vector<256x32xf32> to vector<256xf32>
    %broadcast_in_dim3A_369 = vector.shape_cast %reduce_sum3A_368 : vector<256xf32> to vector<256x1xf32>
    %mul3A_370 = vector.broadcast %reduce_max3A_359 : f32 to vector<256x1xf32>
    %mul3A_371 = arith.mulf %broadcast_in_dim3A_369, %mul3A_370 : vector<256x1xf32>
    %sqrt3A_372 = math.sqrt %mul3A_371 : vector<256x1xf32>
    %neg3A_373 = arith.constant 0.000000e+00 : f32
    %neg3A_374 = vector.broadcast %neg3A_373 : f32 to vector<256x1xf32>
    %neg3A_375 = arith.subf %neg3A_374, %sqrt3A_372 : vector<256x1xf32>
    %convert_element_type3A_376 = arith.truncf %neg3A_375 : vector<256x1xf32> to vector<256x1xbf16>
    %concatenate3A_377 = tpu.concatenate %get3A_364, %convert_element_type3A_376 in 1 : vector<256x32xbf16>, vector<256x1xbf16> -> vector<256x33xbf16>
    %dot_general3A_378 = arith.constant dense<0.000000e+00> : vector<256x2048xf32>
    %dot_general3A_379 = tpu.matmul %concatenate3A_377, %get3A_349, %dot_general3A_378 {dimension_numbers = #tpu.dot_dimension_numbers<[1], [1], [0], [0], [0, 0, 1, 0], [], []>, transpose_lhs_hint = false} : vector<256x33xbf16>, vector<2048x33xbf16>, vector<256x2048xf32> -> vector<256x2048xf32>
    %convert_element_type3A_380 = arith.truncf %dot_general3A_379 : vector<256x2048xf32> to vector<256x2048xbf16>
    %exp23A_381 = math.exp2 %convert_element_type3A_380 : vector<256x2048xbf16>
    %get3A_382 = arith.constant 1 : index
    %get3A_383 = arith.constant 0 : index
    %get3A_384 = arith.constant 0 : index
    %get3A_385 = vector.load %arg4[%get3A_382, %get3A_383, %get3A_384] : memref<4x2048x33xbf16, #tpu.memory_space<vmem>>, vector<1x2048x33xbf16>
    %get3A_386 = vector.shape_cast %get3A_385 : vector<1x2048x33xbf16> to vector<2048x33xbf16>
    %dot_general3A_387 = arith.constant dense<0.000000e+00> : vector<256x33xf32>
    %dot_general3A_388 = tpu.matmul %exp23A_381, %get3A_386, %dot_general3A_387 {dimension_numbers = #tpu.dot_dimension_numbers<[1], [0], [0], [1], [0, 0, 1, 1], [], []>, transpose_lhs_hint = false} : vector<256x2048xbf16>, vector<2048x33xbf16>, vector<256x33xf32> -> vector<256x33xf32>
    %slice3A_389 = vector.extract_strided_slice %dot_general3A_388 {offsets = [0, 32], sizes = [256, 1], strides = [1, 1]} : vector<256x33xf32> to vector<256x1xf32>
    %slice3A_390 = vector.extract_strided_slice %dot_general3A_388 {offsets = [0, 0], sizes = [256, 32], strides = [1, 1]} : vector<256x33xf32> to vector<256x32xf32>
    %div3A_391 = arith.constant 1.000000e+00 : f32
    %div3A_392 = vector.broadcast %div3A_391 : f32 to vector<256x1xf32>
    %div3A_393 = arith.divf %div3A_392, %slice3A_389 : vector<256x1xf32>
    %mul3A_394 = vector.broadcast %div3A_393 : vector<256x1xf32> to vector<256x32xf32>
    %mul3A_395 = arith.mulf %slice3A_390, %mul3A_394 : vector<256x32xf32>
    %convert_element_type3A_396 = arith.truncf %mul3A_395 : vector<256x32xf32> to vector<256x32xbf16>
    %swap3A_397 = arith.constant 1 : index
    %swap3A_398 = arith.constant 0 : index
    %swap3A_399 = arith.constant 0 : index
    %swap3A_400 = vector.load %arg5[%swap3A_397, %swap3A_398, %swap3A_399] : memref<4x2048x32xbf16, #tpu.memory_space<vmem>>, vector<1x256x32xbf16>
    %swap3A_401 = vector.shape_cast %swap3A_400 : vector<1x256x32xbf16> to vector<256x32xbf16>
    %swap3A_402 = vector.shape_cast %convert_element_type3A_396 : vector<256x32xbf16> to vector<1x256x32xbf16>
    tpu.vector_store %arg5[%swap3A_397, %swap3A_398, %swap3A_399], %swap3A_402 {strides = array<i32>} : memref<4x2048x32xbf16, #tpu.memory_space<vmem>>, vector<1x256x32xbf16>,
    %get3A_403 = arith.constant 1 : index
    %get3A_404 = arith.constant 256 : index
    %get3A_405 = arith.constant 0 : index
    %get3A_406 = vector.load %arg2[%get3A_403, %get3A_404, %get3A_405] : memref<4x2048x32xbf16, #tpu.memory_space<vmem>>, vector<1x256x32xbf16>
    %get3A_407 = vector.shape_cast %get3A_406 : vector<1x256x32xbf16> to vector<256x32xbf16>
    %convert_element_type3A_408 = arith.extf %get3A_407 : vector<256x32xbf16> to vector<256x32xf32>
    %mul3A_409 = arith.mulf %convert_element_type3A_408, %convert_element_type3A_408 : vector<256x32xf32>
    %reduce_sum3A_410 = arith.constant dense<0.000000e+00> : vector<256xf32>
    %reduce_sum3A_411 = vector.multi_reduction <add>, %mul3A_409, %reduce_sum3A_410 [1] : vector<256x32xf32> to vector<256xf32>
    %broadcast_in_dim3A_412 = vector.shape_cast %reduce_sum3A_411 : vector<256xf32> to vector<256x1xf32>
    %mul3A_413 = vector.broadcast %reduce_max3A_359 : f32 to vector<256x1xf32>
    %mul3A_414 = arith.mulf %broadcast_in_dim3A_412, %mul3A_413 : vector<256x1xf32>
    %sqrt3A_415 = math.sqrt %mul3A_414 : vector<256x1xf32>
    %neg3A_416 = arith.constant 0.000000e+00 : f32
    %neg3A_417 = vector.broadcast %neg3A_416 : f32 to vector<256x1xf32>
    %neg3A_418 = arith.subf %neg3A_417, %sqrt3A_415 : vector<256x1xf32>
    %convert_element_type3A_419 = arith.truncf %neg3A_418 : vector<256x1xf32> to vector<256x1xbf16>
    %concatenate3A_420 = tpu.concatenate %get3A_407, %convert_element_type3A_419 in 1 : vector<256x32xbf16>, vector<256x1xbf16> -> vector<256x33xbf16>
    %dot_general3A_421 = arith.constant dense<0.000000e+00> : vector<256x2048xf32>
    %dot_general3A_422 = tpu.matmul %concatenate3A_420, %get3A_349, %dot_general3A_421 {dimension_numbers = #tpu.dot_dimension_numbers<[1], [1], [0], [0], [0, 0, 1, 0], [], []>, transpose_lhs_hint = false} : vector<256x33xbf16>, vector<2048x33xbf16>, vector<256x2048xf32> -> vector<256x2048xf32>
    %convert_element_type3A_423 = arith.truncf %dot_general3A_422 : vector<256x2048xf32> to vector<256x2048xbf16>
    %exp23A_424 = math.exp2 %convert_element_type3A_423 : vector<256x2048xbf16>
    %get3A_425 = arith.constant 1 : index
    %get3A_426 = arith.constant 0 : index
    %get3A_427 = arith.constant 0 : index
    %get3A_428 = vector.load %arg4[%get3A_425, %get3A_426, %get3A_427] : memref<4x2048x33xbf16, #tpu.memory_space<vmem>>, vector<1x2048x33xbf16>
    %get3A_429 = vector.shape_cast %get3A_428 : vector<1x2048x33xbf16> to vector<2048x33xbf16>
    %dot_general3A_430 = arith.constant dense<0.000000e+00> : vector<256x33xf32>
    %dot_general3A_431 = tpu.matmul %exp23A_424, %get3A_429, %dot_general3A_430 {dimension_numbers = #tpu.dot_dimension_numbers<[1], [0], [0], [1], [0, 0, 1, 1], [], []>, transpose_lhs_hint = false} : vector<256x2048xbf16>, vector<2048x33xbf16>, vector<256x33xf32> -> vector<256x33xf32>
    %slice3A_432 = vector.extract_strided_slice %dot_general3A_431 {offsets = [0, 32], sizes = [256, 1], strides = [1, 1]} : vector<256x33xf32> to vector<256x1xf32>
    %slice3A_433 = vector.extract_strided_slice %dot_general3A_431 {offsets = [0, 0], sizes = [256, 32], strides = [1, 1]} : vector<256x33xf32> to vector<256x32xf32>
    %div3A_434 = arith.constant 1.000000e+00 : f32
    %div3A_435 = vector.broadcast %div3A_434 : f32 to vector<256x1xf32>
    %div3A_436 = arith.divf %div3A_435, %slice3A_432 : vector<256x1xf32>
    %mul3A_437 = vector.broadcast %div3A_436 : vector<256x1xf32> to vector<256x32xf32>
    %mul3A_438 = arith.mulf %slice3A_433, %mul3A_437 : vector<256x32xf32>
    %convert_element_type3A_439 = arith.truncf %mul3A_438 : vector<256x32xf32> to vector<256x32xbf16>
    %swap3A_440 = arith.constant 1 : index
    %swap3A_441 = arith.constant 256 : index
    %swap3A_442 = arith.constant 0 : index
    %swap3A_443 = vector.load %arg5[%swap3A_440, %swap3A_441, %swap3A_442] : memref<4x2048x32xbf16, #tpu.memory_space<vmem>>, vector<1x256x32xbf16>
    %swap3A_444 = vector.shape_cast %swap3A_443 : vector<1x256x32xbf16> to vector<256x32xbf16>
    %swap3A_445 = vector.shape_cast %convert_element_type3A_439 : vector<256x32xbf16> to vector<1x256x32xbf16>
    tpu.vector_store %arg5[%swap3A_440, %swap3A_441, %swap3A_442], %swap3A_445 {strides = array<i32>} : memref<4x2048x32xbf16, #tpu.memory_space<vmem>>, vector<1x256x32xbf16>,
    %get3A_446 = arith.constant 1 : index
    %get3A_447 = arith.constant 512 : index
    %get3A_448 = arith.constant 0 : index
    %get3A_449 = vector.load %arg2[%get3A_446, %get3A_447, %get3A_448] : memref<4x2048x32xbf16, #tpu.memory_space<vmem>>, vector<1x256x32xbf16>
    %get3A_450 = vector.shape_cast %get3A_449 : vector<1x256x32xbf16> to vector<256x32xbf16>
    %convert_element_type3A_451 = arith.extf %get3A_450 : vector<256x32xbf16> to vector<256x32xf32>
    %mul3A_452 = arith.mulf %convert_element_type3A_451, %convert_element_type3A_451 : vector<256x32xf32>
    %reduce_sum3A_453 = arith.constant dense<0.000000e+00> : vector<256xf32>
    %reduce_sum3A_454 = vector.multi_reduction <add>, %mul3A_452, %reduce_sum3A_453 [1] : vector<256x32xf32> to vector<256xf32>
    %broadcast_in_dim3A_455 = vector.shape_cast %reduce_sum3A_454 : vector<256xf32> to vector<256x1xf32>
    %mul3A_456 = vector.broadcast %reduce_max3A_359 : f32 to vector<256x1xf32>
    %mul3A_457 = arith.mulf %broadcast_in_dim3A_455, %mul3A_456 : vector<256x1xf32>
    %sqrt3A_458 = math.sqrt %mul3A_457 : vector<256x1xf32>
    %neg3A_459 = arith.constant 0.000000e+00 : f32
    %neg3A_460 = vector.broadcast %neg3A_459 : f32 to vector<256x1xf32>
    %neg3A_461 = arith.subf %neg3A_460, %sqrt3A_458 : vector<256x1xf32>
    %convert_element_type3A_462 = arith.truncf %neg3A_461 : vector<256x1xf32> to vector<256x1xbf16>
    %concatenate3A_463 = tpu.concatenate %get3A_450, %convert_element_type3A_462 in 1 : vector<256x32xbf16>, vector<256x1xbf16> -> vector<256x33xbf16>
    %dot_general3A_464 = arith.constant dense<0.000000e+00> : vector<256x2048xf32>
    %dot_general3A_465 = tpu.matmul %concatenate3A_463, %get3A_349, %dot_general3A_464 {dimension_numbers = #tpu.dot_dimension_numbers<[1], [1], [0], [0], [0, 0, 1, 0], [], []>, transpose_lhs_hint = false} : vector<256x33xbf16>, vector<2048x33xbf16>, vector<256x2048xf32> -> vector<256x2048xf32>
    %convert_element_type3A_466 = arith.truncf %dot_general3A_465 : vector<256x2048xf32> to vector<256x2048xbf16>
    %exp23A_467 = math.exp2 %convert_element_type3A_466 : vector<256x2048xbf16>
    %get3A_468 = arith.constant 1 : index
    %get3A_469 = arith.constant 0 : index
    %get3A_470 = arith.constant 0 : index
    %get3A_471 = vector.load %arg4[%get3A_468, %get3A_469, %get3A_470] : memref<4x2048x33xbf16, #tpu.memory_space<vmem>>, vector<1x2048x33xbf16>
    %get3A_472 = vector.shape_cast %get3A_471 : vector<1x2048x33xbf16> to vector<2048x33xbf16>
    %dot_general3A_473 = arith.constant dense<0.000000e+00> : vector<256x33xf32>
    %dot_general3A_474 = tpu.matmul %exp23A_467, %get3A_472, %dot_general3A_473 {dimension_numbers = #tpu.dot_dimension_numbers<[1], [0], [0], [1], [0, 0, 1, 1], [], []>, transpose_lhs_hint = false} : vector<256x2048xbf16>, vector<2048x33xbf16>, vector<256x33xf32> -> vector<256x33xf32>
    %slice3A_475 = vector.extract_strided_slice %dot_general3A_474 {offsets = [0, 32], sizes = [256, 1], strides = [1, 1]} : vector<256x33xf32> to vector<256x1xf32>
    %slice3A_476 = vector.extract_strided_slice %dot_general3A_474 {offsets = [0, 0], sizes = [256, 32], strides = [1, 1]} : vector<256x33xf32> to vector<256x32xf32>
    %div3A_477 = arith.constant 1.000000e+00 : f32
    %div3A_478 = vector.broadcast %div3A_477 : f32 to vector<256x1xf32>
    %div3A_479 = arith.divf %div3A_478, %slice3A_475 : vector<256x1xf32>
    %mul3A_480 = vector.broadcast %div3A_479 : vector<256x1xf32> to vector<256x32xf32>
    %mul3A_481 = arith.mulf %slice3A_476, %mul3A_480 : vector<256x32xf32>
    %convert_element_type3A_482 = arith.truncf %mul3A_481 : vector<256x32xf32> to vector<256x32xbf16>
    %swap3A_483 = arith.constant 1 : index
    %swap3A_484 = arith.constant 512 : index
    %swap3A_485 = arith.constant 0 : index
    %swap3A_486 = vector.load %arg5[%swap3A_483, %swap3A_484, %swap3A_485] : memref<4x2048x32xbf16, #tpu.memory_space<vmem>>, vector<1x256x32xbf16>
    %swap3A_487 = vector.shape_cast %swap3A_486 : vector<1x256x32xbf16> to vector<256x32xbf16>
    %swap3A_488 = vector.shape_cast %convert_element_type3A_482 : vector<256x32xbf16> to vector<1x256x32xbf16>
    tpu.vector_store %arg5[%swap3A_483, %swap3A_484, %swap3A_485], %swap3A_488 {strides = array<i32>} : memref<4x2048x32xbf16, #tpu.memory_space<vmem>>, vector<1x256x32xbf16>,
    %get3A_489 = arith.constant 1 : index
    %get3A_490 = arith.constant 768 : index
    %get3A_491 = arith.constant 0 : index
    %get3A_492 = vector.load %arg2[%get3A_489, %get3A_490, %get3A_491] : memref<4x2048x32xbf16, #tpu.memory_space<vmem>>, vector<1x256x32xbf16>
    %get3A_493 = vector.shape_cast %get3A_492 : vector<1x256x32xbf16> to vector<256x32xbf16>
    %convert_element_type3A_494 = arith.extf %get3A_493 : vector<256x32xbf16> to vector<256x32xf32>
    %mul3A_495 = arith.mulf %convert_element_type3A_494, %convert_element_type3A_494 : vector<256x32xf32>
    %reduce_sum3A_496 = arith.constant dense<0.000000e+00> : vector<256xf32>
    %reduce_sum3A_497 = vector.multi_reduction <add>, %mul3A_495, %reduce_sum3A_496 [1] : vector<256x32xf32> to vector<256xf32>
    %broadcast_in_dim3A_498 = vector.shape_cast %reduce_sum3A_497 : vector<256xf32> to vector<256x1xf32>
    %mul3A_499 = vector.broadcast %reduce_max3A_359 : f32 to vector<256x1xf32>
    %mul3A_500 = arith.mulf %broadcast_in_dim3A_498, %mul3A_499 : vector<256x1xf32>
    %sqrt3A_501 = math.sqrt %mul3A_500 : vector<256x1xf32>
    %neg3A_502 = arith.constant 0.000000e+00 : f32
    %neg3A_503 = vector.broadcast %neg3A_502 : f32 to vector<256x1xf32>
    %neg3A_504 = arith.subf %neg3A_503, %sqrt3A_501 : vector<256x1xf32>
    %convert_element_type3A_505 = arith.truncf %neg3A_504 : vector<256x1xf32> to vector<256x1xbf16>
    %concatenate3A_506 = tpu.concatenate %get3A_493, %convert_element_type3A_505 in 1 : vector<256x32xbf16>, vector<256x1xbf16> -> vector<256x33xbf16>
    %dot_general3A_507 = arith.constant dense<0.000000e+00> : vector<256x2048xf32>
    %dot_general3A_508 = tpu.matmul %concatenate3A_506, %get3A_349, %dot_general3A_507 {dimension_numbers = #tpu.dot_dimension_numbers<[1], [1], [0], [0], [0, 0, 1, 0], [], []>, transpose_lhs_hint = false} : vector<256x33xbf16>, vector<2048x33xbf16>, vector<256x2048xf32> -> vector<256x2048xf32>
    %convert_element_type3A_509 = arith.truncf %dot_general3A_508 : vector<256x2048xf32> to vector<256x2048xbf16>
    %exp23A_510 = math.exp2 %convert_element_type3A_509 : vector<256x2048xbf16>
    %get3A_511 = arith.constant 1 : index
    %get3A_512 = arith.constant 0 : index
    %get3A_513 = arith.constant 0 : index
    %get3A_514 = vector.load %arg4[%get3A_511, %get3A_512, %get3A_513] : memref<4x2048x33xbf16, #tpu.memory_space<vmem>>, vector<1x2048x33xbf16>
    %get3A_515 = vector.shape_cast %get3A_514 : vector<1x2048x33xbf16> to vector<2048x33xbf16>
    %dot_general3A_516 = arith.constant dense<0.000000e+00> : vector<256x33xf32>
    %dot_general3A_517 = tpu.matmul %exp23A_510, %get3A_515, %dot_general3A_516 {dimension_numbers = #tpu.dot_dimension_numbers<[1], [0], [0], [1], [0, 0, 1, 1], [], []>, transpose_lhs_hint = false} : vector<256x2048xbf16>, vector<2048x33xbf16>, vector<256x33xf32> -> vector<256x33xf32>
    %slice3A_518 = vector.extract_strided_slice %dot_general3A_517 {offsets = [0, 32], sizes = [256, 1], strides = [1, 1]} : vector<256x33xf32> to vector<256x1xf32>
    %slice3A_519 = vector.extract_strided_slice %dot_general3A_517 {offsets = [0, 0], sizes = [256, 32], strides = [1, 1]} : vector<256x33xf32> to vector<256x32xf32>
    %div3A_520 = arith.constant 1.000000e+00 : f32
    %div3A_521 = vector.broadcast %div3A_520 : f32 to vector<256x1xf32>
    %div3A_522 = arith.divf %div3A_521, %slice3A_518 : vector<256x1xf32>
    %mul3A_523 = vector.broadcast %div3A_522 : vector<256x1xf32> to vector<256x32xf32>
    %mul3A_524 = arith.mulf %slice3A_519, %mul3A_523 : vector<256x32xf32>
    %convert_element_type3A_525 = arith.truncf %mul3A_524 : vector<256x32xf32> to vector<256x32xbf16>
    %swap3A_526 = arith.constant 1 : index
    %swap3A_527 = arith.constant 768 : index
    %swap3A_528 = arith.constant 0 : index
    %swap3A_529 = vector.load %arg5[%swap3A_526, %swap3A_527, %swap3A_528] : memref<4x2048x32xbf16, #tpu.memory_space<vmem>>, vector<1x256x32xbf16>
    %swap3A_530 = vector.shape_cast %swap3A_529 : vector<1x256x32xbf16> to vector<256x32xbf16>
    %swap3A_531 = vector.shape_cast %convert_element_type3A_525 : vector<256x32xbf16> to vector<1x256x32xbf16>
    tpu.vector_store %arg5[%swap3A_526, %swap3A_527, %swap3A_528], %swap3A_531 {strides = array<i32>} : memref<4x2048x32xbf16, #tpu.memory_space<vmem>>, vector<1x256x32xbf16>,
    %get3A_532 = arith.constant 1 : index
    %get3A_533 = arith.constant 1024 : index
    %get3A_534 = arith.constant 0 : index
    %get3A_535 = vector.load %arg2[%get3A_532, %get3A_533, %get3A_534] : memref<4x2048x32xbf16, #tpu.memory_space<vmem>>, vector<1x256x32xbf16>
    %get3A_536 = vector.shape_cast %get3A_535 : vector<1x256x32xbf16> to vector<256x32xbf16>
    %convert_element_type3A_537 = arith.extf %get3A_536 : vector<256x32xbf16> to vector<256x32xf32>
    %mul3A_538 = arith.mulf %convert_element_type3A_537, %convert_element_type3A_537 : vector<256x32xf32>
    %reduce_sum3A_539 = arith.constant dense<0.000000e+00> : vector<256xf32>
    %reduce_sum3A_540 = vector.multi_reduction <add>, %mul3A_538, %reduce_sum3A_539 [1] : vector<256x32xf32> to vector<256xf32>
    %broadcast_in_dim3A_541 = vector.shape_cast %reduce_sum3A_540 : vector<256xf32> to vector<256x1xf32>
    %mul3A_542 = vector.broadcast %reduce_max3A_359 : f32 to vector<256x1xf32>
    %mul3A_543 = arith.mulf %broadcast_in_dim3A_541, %mul3A_542 : vector<256x1xf32>
    %sqrt3A_544 = math.sqrt %mul3A_543 : vector<256x1xf32>
    %neg3A_545 = arith.constant 0.000000e+00 : f32
    %neg3A_546 = vector.broadcast %neg3A_545 : f32 to vector<256x1xf32>
    %neg3A_547 = arith.subf %neg3A_546, %sqrt3A_544 : vector<256x1xf32>
    %convert_element_type3A_548 = arith.truncf %neg3A_547 : vector<256x1xf32> to vector<256x1xbf16>
    %concatenate3A_549 = tpu.concatenate %get3A_536, %convert_element_type3A_548 in 1 : vector<256x32xbf16>, vector<256x1xbf16> -> vector<256x33xbf16>
    %dot_general3A_550 = arith.constant dense<0.000000e+00> : vector<256x2048xf32>
    %dot_general3A_551 = tpu.matmul %concatenate3A_549, %get3A_349, %dot_general3A_550 {dimension_numbers = #tpu.dot_dimension_numbers<[1], [1], [0], [0], [0, 0, 1, 0], [], []>, transpose_lhs_hint = false} : vector<256x33xbf16>, vector<2048x33xbf16>, vector<256x2048xf32> -> vector<256x2048xf32>
    %convert_element_type3A_552 = arith.truncf %dot_general3A_551 : vector<256x2048xf32> to vector<256x2048xbf16>
    %exp23A_553 = math.exp2 %convert_element_type3A_552 : vector<256x2048xbf16>
    %get3A_554 = arith.constant 1 : index
    %get3A_555 = arith.constant 0 : index
    %get3A_556 = arith.constant 0 : index
    %get3A_557 = vector.load %arg4[%get3A_554, %get3A_555, %get3A_556] : memref<4x2048x33xbf16, #tpu.memory_space<vmem>>, vector<1x2048x33xbf16>
    %get3A_558 = vector.shape_cast %get3A_557 : vector<1x2048x33xbf16> to vector<2048x33xbf16>
    %dot_general3A_559 = arith.constant dense<0.000000e+00> : vector<256x33xf32>
    %dot_general3A_560 = tpu.matmul %exp23A_553, %get3A_558, %dot_general3A_559 {dimension_numbers = #tpu.dot_dimension_numbers<[1], [0], [0], [1], [0, 0, 1, 1], [], []>, transpose_lhs_hint = false} : vector<256x2048xbf16>, vector<2048x33xbf16>, vector<256x33xf32> -> vector<256x33xf32>
    %slice3A_561 = vector.extract_strided_slice %dot_general3A_560 {offsets = [0, 32], sizes = [256, 1], strides = [1, 1]} : vector<256x33xf32> to vector<256x1xf32>
    %slice3A_562 = vector.extract_strided_slice %dot_general3A_560 {offsets = [0, 0], sizes = [256, 32], strides = [1, 1]} : vector<256x33xf32> to vector<256x32xf32>
    %div3A_563 = arith.constant 1.000000e+00 : f32
    %div3A_564 = vector.broadcast %div3A_563 : f32 to vector<256x1xf32>
    %div3A_565 = arith.divf %div3A_564, %slice3A_561 : vector<256x1xf32>
    %mul3A_566 = vector.broadcast %div3A_565 : vector<256x1xf32> to vector<256x32xf32>
    %mul3A_567 = arith.mulf %slice3A_562, %mul3A_566 : vector<256x32xf32>
    %convert_element_type3A_568 = arith.truncf %mul3A_567 : vector<256x32xf32> to vector<256x32xbf16>
    %swap3A_569 = arith.constant 1 : index
    %swap3A_570 = arith.constant 1024 : index
    %swap3A_571 = arith.constant 0 : index
    %swap3A_572 = vector.load %arg5[%swap3A_569, %swap3A_570, %swap3A_571] : memref<4x2048x32xbf16, #tpu.memory_space<vmem>>, vector<1x256x32xbf16>
    %swap3A_573 = vector.shape_cast %swap3A_572 : vector<1x256x32xbf16> to vector<256x32xbf16>
    %swap3A_574 = vector.shape_cast %convert_element_type3A_568 : vector<256x32xbf16> to vector<1x256x32xbf16>
    tpu.vector_store %arg5[%swap3A_569, %swap3A_570, %swap3A_571], %swap3A_574 {strides = array<i32>} : memref<4x2048x32xbf16, #tpu.memory_space<vmem>>, vector<1x256x32xbf16>,
    %get3A_575 = arith.constant 1 : index
    %get3A_576 = arith.constant 1280 : index
    %get3A_577 = arith.constant 0 : index
    %get3A_578 = vector.load %arg2[%get3A_575, %get3A_576, %get3A_577] : memref<4x2048x32xbf16, #tpu.memory_space<vmem>>, vector<1x256x32xbf16>
    %get3A_579 = vector.shape_cast %get3A_578 : vector<1x256x32xbf16> to vector<256x32xbf16>
    %convert_element_type3A_580 = arith.extf %get3A_579 : vector<256x32xbf16> to vector<256x32xf32>
    %mul3A_581 = arith.mulf %convert_element_type3A_580, %convert_element_type3A_580 : vector<256x32xf32>
    %reduce_sum3A_582 = arith.constant dense<0.000000e+00> : vector<256xf32>
    %reduce_sum3A_583 = vector.multi_reduction <add>, %mul3A_581, %reduce_sum3A_582 [1] : vector<256x32xf32> to vector<256xf32>
    %broadcast_in_dim3A_584 = vector.shape_cast %reduce_sum3A_583 : vector<256xf32> to vector<256x1xf32>
    %mul3A_585 = vector.broadcast %reduce_max3A_359 : f32 to vector<256x1xf32>
    %mul3A_586 = arith.mulf %broadcast_in_dim3A_584, %mul3A_585 : vector<256x1xf32>
    %sqrt3A_587 = math.sqrt %mul3A_586 : vector<256x1xf32>
    %neg3A_588 = arith.constant 0.000000e+00 : f32
    %neg3A_589 = vector.broadcast %neg3A_588 : f32 to vector<256x1xf32>
    %neg3A_590 = arith.subf %neg3A_589, %sqrt3A_587 : vector<256x1xf32>
    %convert_element_type3A_591 = arith.truncf %neg3A_590 : vector<256x1xf32> to vector<256x1xbf16>
    %concatenate3A_592 = tpu.concatenate %get3A_579, %convert_element_type3A_591 in 1 : vector<256x32xbf16>, vector<256x1xbf16> -> vector<256x33xbf16>
    %dot_general3A_593 = arith.constant dense<0.000000e+00> : vector<256x2048xf32>
    %dot_general3A_594 = tpu.matmul %concatenate3A_592, %get3A_349, %dot_general3A_593 {dimension_numbers = #tpu.dot_dimension_numbers<[1], [1], [0], [0], [0, 0, 1, 0], [], []>, transpose_lhs_hint = false} : vector<256x33xbf16>, vector<2048x33xbf16>, vector<256x2048xf32> -> vector<256x2048xf32>
    %convert_element_type3A_595 = arith.truncf %dot_general3A_594 : vector<256x2048xf32> to vector<256x2048xbf16>
    %exp23A_596 = math.exp2 %convert_element_type3A_595 : vector<256x2048xbf16>
    %get3A_597 = arith.constant 1 : index
    %get3A_598 = arith.constant 0 : index
    %get3A_599 = arith.constant 0 : index
    %get3A_600 = vector.load %arg4[%get3A_597, %get3A_598, %get3A_599] : memref<4x2048x33xbf16, #tpu.memory_space<vmem>>, vector<1x2048x33xbf16>
    %get3A_601 = vector.shape_cast %get3A_600 : vector<1x2048x33xbf16> to vector<2048x33xbf16>
    %dot_general3A_602 = arith.constant dense<0.000000e+00> : vector<256x33xf32>
    %dot_general3A_603 = tpu.matmul %exp23A_596, %get3A_601, %dot_general3A_602 {dimension_numbers = #tpu.dot_dimension_numbers<[1], [0], [0], [1], [0, 0, 1, 1], [], []>, transpose_lhs_hint = false} : vector<256x2048xbf16>, vector<2048x33xbf16>, vector<256x33xf32> -> vector<256x33xf32>
    %slice3A_604 = vector.extract_strided_slice %dot_general3A_603 {offsets = [0, 32], sizes = [256, 1], strides = [1, 1]} : vector<256x33xf32> to vector<256x1xf32>
    %slice3A_605 = vector.extract_strided_slice %dot_general3A_603 {offsets = [0, 0], sizes = [256, 32], strides = [1, 1]} : vector<256x33xf32> to vector<256x32xf32>
    %div3A_606 = arith.constant 1.000000e+00 : f32
    %div3A_607 = vector.broadcast %div3A_606 : f32 to vector<256x1xf32>
    %div3A_608 = arith.divf %div3A_607, %slice3A_604 : vector<256x1xf32>
    %mul3A_609 = vector.broadcast %div3A_608 : vector<256x1xf32> to vector<256x32xf32>
    %mul3A_610 = arith.mulf %slice3A_605, %mul3A_609 : vector<256x32xf32>
    %convert_element_type3A_611 = arith.truncf %mul3A_610 : vector<256x32xf32> to vector<256x32xbf16>
    %swap3A_612 = arith.constant 1 : index
    %swap3A_613 = arith.constant 1280 : index
    %swap3A_614 = arith.constant 0 : index
    %swap3A_615 = vector.load %arg5[%swap3A_612, %swap3A_613, %swap3A_614] : memref<4x2048x32xbf16, #tpu.memory_space<vmem>>, vector<1x256x32xbf16>
    %swap3A_616 = vector.shape_cast %swap3A_615 : vector<1x256x32xbf16> to vector<256x32xbf16>
    %swap3A_617 = vector.shape_cast %convert_element_type3A_611 : vector<256x32xbf16> to vector<1x256x32xbf16>
    tpu.vector_store %arg5[%swap3A_612, %swap3A_613, %swap3A_614], %swap3A_617 {strides = array<i32>} : memref<4x2048x32xbf16, #tpu.memory_space<vmem>>, vector<1x256x32xbf16>,
    %get3A_618 = arith.constant 1 : index
    %get3A_619 = arith.constant 1536 : index
    %get3A_620 = arith.constant 0 : index
    %get3A_621 = vector.load %arg2[%get3A_618, %get3A_619, %get3A_620] : memref<4x2048x32xbf16, #tpu.memory_space<vmem>>, vector<1x256x32xbf16>
    %get3A_622 = vector.shape_cast %get3A_621 : vector<1x256x32xbf16> to vector<256x32xbf16>
    %convert_element_type3A_623 = arith.extf %get3A_622 : vector<256x32xbf16> to vector<256x32xf32>
    %mul3A_624 = arith.mulf %convert_element_type3A_623, %convert_element_type3A_623 : vector<256x32xf32>
    %reduce_sum3A_625 = arith.constant dense<0.000000e+00> : vector<256xf32>
    %reduce_sum3A_626 = vector.multi_reduction <add>, %mul3A_624, %reduce_sum3A_625 [1] : vector<256x32xf32> to vector<256xf32>
    %broadcast_in_dim3A_627 = vector.shape_cast %reduce_sum3A_626 : vector<256xf32> to vector<256x1xf32>
    %mul3A_628 = vector.broadcast %reduce_max3A_359 : f32 to vector<256x1xf32>
    %mul3A_629 = arith.mulf %broadcast_in_dim3A_627, %mul3A_628 : vector<256x1xf32>
    %sqrt3A_630 = math.sqrt %mul3A_629 : vector<256x1xf32>
    %neg3A_631 = arith.constant 0.000000e+00 : f32
    %neg3A_632 = vector.broadcast %neg3A_631 : f32 to vector<256x1xf32>
    %neg3A_633 = arith.subf %neg3A_632, %sqrt3A_630 : vector<256x1xf32>
    %convert_element_type3A_634 = arith.truncf %neg3A_633 : vector<256x1xf32> to vector<256x1xbf16>
    %concatenate3A_635 = tpu.concatenate %get3A_622, %convert_element_type3A_634 in 1 : vector<256x32xbf16>, vector<256x1xbf16> -> vector<256x33xbf16>
    %dot_general3A_636 = arith.constant dense<0.000000e+00> : vector<256x2048xf32>
    %dot_general3A_637 = tpu.matmul %concatenate3A_635, %get3A_349, %dot_general3A_636 {dimension_numbers = #tpu.dot_dimension_numbers<[1], [1], [0], [0], [0, 0, 1, 0], [], []>, transpose_lhs_hint = false} : vector<256x33xbf16>, vector<2048x33xbf16>, vector<256x2048xf32> -> vector<256x2048xf32>
    %convert_element_type3A_638 = arith.truncf %dot_general3A_637 : vector<256x2048xf32> to vector<256x2048xbf16>
    %exp23A_639 = math.exp2 %convert_element_type3A_638 : vector<256x2048xbf16>
    %get3A_640 = arith.constant 1 : index
    %get3A_641 = arith.constant 0 : index
    %get3A_642 = arith.constant 0 : index
    %get3A_643 = vector.load %arg4[%get3A_640, %get3A_641, %get3A_642] : memref<4x2048x33xbf16, #tpu.memory_space<vmem>>, vector<1x2048x33xbf16>
    %get3A_644 = vector.shape_cast %get3A_643 : vector<1x2048x33xbf16> to vector<2048x33xbf16>
    %dot_general3A_645 = arith.constant dense<0.000000e+00> : vector<256x33xf32>
    %dot_general3A_646 = tpu.matmul %exp23A_639, %get3A_644, %dot_general3A_645 {dimension_numbers = #tpu.dot_dimension_numbers<[1], [0], [0], [1], [0, 0, 1, 1], [], []>, transpose_lhs_hint = false} : vector<256x2048xbf16>, vector<2048x33xbf16>, vector<256x33xf32> -> vector<256x33xf32>
    %slice3A_647 = vector.extract_strided_slice %dot_general3A_646 {offsets = [0, 32], sizes = [256, 1], strides = [1, 1]} : vector<256x33xf32> to vector<256x1xf32>
    %slice3A_648 = vector.extract_strided_slice %dot_general3A_646 {offsets = [0, 0], sizes = [256, 32], strides = [1, 1]} : vector<256x33xf32> to vector<256x32xf32>
    %div3A_649 = arith.constant 1.000000e+00 : f32
    %div3A_650 = vector.broadcast %div3A_649 : f32 to vector<256x1xf32>
    %div3A_651 = arith.divf %div3A_650, %slice3A_647 : vector<256x1xf32>
    %mul3A_652 = vector.broadcast %div3A_651 : vector<256x1xf32> to vector<256x32xf32>
    %mul3A_653 = arith.mulf %slice3A_648, %mul3A_652 : vector<256x32xf32>
    %convert_element_type3A_654 = arith.truncf %mul3A_653 : vector<256x32xf32> to vector<256x32xbf16>
    %swap3A_655 = arith.constant 1 : index
    %swap3A_656 = arith.constant 1536 : index
    %swap3A_657 = arith.constant 0 : index
    %swap3A_658 = vector.load %arg5[%swap3A_655, %swap3A_656, %swap3A_657] : memref<4x2048x32xbf16, #tpu.memory_space<vmem>>, vector<1x256x32xbf16>
    %swap3A_659 = vector.shape_cast %swap3A_658 : vector<1x256x32xbf16> to vector<256x32xbf16>
    %swap3A_660 = vector.shape_cast %convert_element_type3A_654 : vector<256x32xbf16> to vector<1x256x32xbf16>
    tpu.vector_store %arg5[%swap3A_655, %swap3A_656, %swap3A_657], %swap3A_660 {strides = array<i32>} : memref<4x2048x32xbf16, #tpu.memory_space<vmem>>, vector<1x256x32xbf16>,
    %get3A_661 = arith.constant 1 : index
    %get3A_662 = arith.constant 1792 : index
    %get3A_663 = arith.constant 0 : index
    %get3A_664 = vector.load %arg2[%get3A_661, %get3A_662, %get3A_663] : memref<4x2048x32xbf16, #tpu.memory_space<vmem>>, vector<1x256x32xbf16>
    %get3A_665 = vector.shape_cast %get3A_664 : vector<1x256x32xbf16> to vector<256x32xbf16>
    %convert_element_type3A_666 = arith.extf %get3A_665 : vector<256x32xbf16> to vector<256x32xf32>
    %mul3A_667 = arith.mulf %convert_element_type3A_666, %convert_element_type3A_666 : vector<256x32xf32>
    %reduce_sum3A_668 = arith.constant dense<0.000000e+00> : vector<256xf32>
    %reduce_sum3A_669 = vector.multi_reduction <add>, %mul3A_667, %reduce_sum3A_668 [1] : vector<256x32xf32> to vector<256xf32>
    %broadcast_in_dim3A_670 = vector.shape_cast %reduce_sum3A_669 : vector<256xf32> to vector<256x1xf32>
    %mul3A_671 = vector.broadcast %reduce_max3A_359 : f32 to vector<256x1xf32>
    %mul3A_672 = arith.mulf %broadcast_in_dim3A_670, %mul3A_671 : vector<256x1xf32>
    %sqrt3A_673 = math.sqrt %mul3A_672 : vector<256x1xf32>
    %neg3A_674 = arith.constant 0.000000e+00 : f32
    %neg3A_675 = vector.broadcast %neg3A_674 : f32 to vector<256x1xf32>
    %neg3A_676 = arith.subf %neg3A_675, %sqrt3A_673 : vector<256x1xf32>
    %convert_element_type3A_677 = arith.truncf %neg3A_676 : vector<256x1xf32> to vector<256x1xbf16>
    %concatenate3A_678 = tpu.concatenate %get3A_665, %convert_element_type3A_677 in 1 : vector<256x32xbf16>, vector<256x1xbf16> -> vector<256x33xbf16>
    %dot_general3A_679 = arith.constant dense<0.000000e+00> : vector<256x2048xf32>
    %dot_general3A_680 = tpu.matmul %concatenate3A_678, %get3A_349, %dot_general3A_679 {dimension_numbers = #tpu.dot_dimension_numbers<[1], [1], [0], [0], [0, 0, 1, 0], [], []>, transpose_lhs_hint = false} : vector<256x33xbf16>, vector<2048x33xbf16>, vector<256x2048xf32> -> vector<256x2048xf32>
    %convert_element_type3A_681 = arith.truncf %dot_general3A_680 : vector<256x2048xf32> to vector<256x2048xbf16>
    %exp23A_682 = math.exp2 %convert_element_type3A_681 : vector<256x2048xbf16>
    %get3A_683 = arith.constant 1 : index
    %get3A_684 = arith.constant 0 : index
    %get3A_685 = arith.constant 0 : index
    %get3A_686 = vector.load %arg4[%get3A_683, %get3A_684, %get3A_685] : memref<4x2048x33xbf16, #tpu.memory_space<vmem>>, vector<1x2048x33xbf16>
    %get3A_687 = vector.shape_cast %get3A_686 : vector<1x2048x33xbf16> to vector<2048x33xbf16>
    %dot_general3A_688 = arith.constant dense<0.000000e+00> : vector<256x33xf32>
    %dot_general3A_689 = tpu.matmul %exp23A_682, %get3A_687, %dot_general3A_688 {dimension_numbers = #tpu.dot_dimension_numbers<[1], [0], [0], [1], [0, 0, 1, 1], [], []>, transpose_lhs_hint = false} : vector<256x2048xbf16>, vector<2048x33xbf16>, vector<256x33xf32> -> vector<256x33xf32>
    %slice3A_690 = vector.extract_strided_slice %dot_general3A_689 {offsets = [0, 32], sizes = [256, 1], strides = [1, 1]} : vector<256x33xf32> to vector<256x1xf32>
    %slice3A_691 = vector.extract_strided_slice %dot_general3A_689 {offsets = [0, 0], sizes = [256, 32], strides = [1, 1]} : vector<256x33xf32> to vector<256x32xf32>
    %div3A_692 = arith.constant 1.000000e+00 : f32
    %div3A_693 = vector.broadcast %div3A_692 : f32 to vector<256x1xf32>
    %div3A_694 = arith.divf %div3A_693, %slice3A_690 : vector<256x1xf32>
    %mul3A_695 = vector.broadcast %div3A_694 : vector<256x1xf32> to vector<256x32xf32>
    %mul3A_696 = arith.mulf %slice3A_691, %mul3A_695 : vector<256x32xf32>
    %convert_element_type3A_697 = arith.truncf %mul3A_696 : vector<256x32xf32> to vector<256x32xbf16>
    %swap3A_698 = arith.constant 1 : index
    %swap3A_699 = arith.constant 1792 : index
    %swap3A_700 = arith.constant 0 : index
    %swap3A_701 = vector.load %arg5[%swap3A_698, %swap3A_699, %swap3A_700] : memref<4x2048x32xbf16, #tpu.memory_space<vmem>>, vector<1x256x32xbf16>
    %swap3A_702 = vector.shape_cast %swap3A_701 : vector<1x256x32xbf16> to vector<256x32xbf16>
    %swap3A_703 = vector.shape_cast %convert_element_type3A_697 : vector<256x32xbf16> to vector<1x256x32xbf16>
    tpu.vector_store %arg5[%swap3A_698, %swap3A_699, %swap3A_700], %swap3A_703 {strides = array<i32>} : memref<4x2048x32xbf16, #tpu.memory_space<vmem>>, vector<1x256x32xbf16>,
    %get3A_704 = arith.constant 2 : index
    %get3A_705 = arith.constant 0 : index
    %get3A_706 = arith.constant 0 : index
    %get3A_707 = vector.load %arg3[%get3A_704, %get3A_705, %get3A_706] : memref<4x2048x33xbf16, #tpu.memory_space<vmem>>, vector<1x2048x33xbf16>
    %get3A_708 = vector.shape_cast %get3A_707 : vector<1x2048x33xbf16> to vector<2048x33xbf16>
    %slice3A_709 = vector.extract_strided_slice %get3A_708 {offsets = [0, 0], sizes = [2048, 32], strides = [1, 1]} : vector<2048x33xbf16> to vector<2048x32xbf16>
    %convert_element_type3A_710 = arith.extf %slice3A_709 : vector<2048x32xbf16> to vector<2048x32xf32>
    %mul3A_711 = arith.mulf %convert_element_type3A_710, %convert_element_type3A_710 : vector<2048x32xf32>
    %reduce_sum3A_712 = arith.constant dense<0.000000e+00> : vector<2048xf32>
    %reduce_sum3A_713 = vector.multi_reduction <add>, %mul3A_711, %reduce_sum3A_712 [1] : vector<2048x32xf32> to vector<2048xf32>
    %reduce_max3A_714 = vector.shape_cast %reduce_sum3A_713 : vector<2048xf32> to vector<1x2048xf32>
    %reduce_max3A_715 = arith.constant dense<0xFF800000> : vector<1xf32>
    %reduce_max3A_716 = vector.multi_reduction <maximumf>, %reduce_max3A_714, %reduce_max3A_715 [1] : vector<1x2048xf32> to vector<1xf32>
    %reduce_max3A_717 = vector.shape_cast %reduce_max3A_716 : vector<1xf32> to vector<1x1xf32>
    %reduce_max3A_718 = vector.extract %reduce_max3A_717[0, 0] : f32 from vector<1x1xf32>
    %get3A_719 = arith.constant 2 : index
    %get3A_720 = arith.constant 0 : index
    %get3A_721 = arith.constant 0 : index
    %get3A_722 = vector.load %arg2[%get3A_719, %get3A_720, %get3A_721] : memref<4x2048x32xbf16, #tpu.memory_space<vmem>>, vector<1x256x32xbf16>
    %get3A_723 = vector.shape_cast %get3A_722 : vector<1x256x32xbf16> to vector<256x32xbf16>
    %convert_element_type3A_724 = arith.extf %get3A_723 : vector<256x32xbf16> to vector<256x32xf32>
    %mul3A_725 = arith.mulf %convert_element_type3A_724, %convert_element_type3A_724 : vector<256x32xf32>
    %reduce_sum3A_726 = arith.constant dense<0.000000e+00> : vector<256xf32>
    %reduce_sum3A_727 = vector.multi_reduction <add>, %mul3A_725, %reduce_sum3A_726 [1] : vector<256x32xf32> to vector<256xf32>
    %broadcast_in_dim3A_728 = vector.shape_cast %reduce_sum3A_727 : vector<256xf32> to vector<256x1xf32>
    %mul3A_729 = vector.broadcast %reduce_max3A_718 : f32 to vector<256x1xf32>
    %mul3A_730 = arith.mulf %broadcast_in_dim3A_728, %mul3A_729 : vector<256x1xf32>
    %sqrt3A_731 = math.sqrt %mul3A_730 : vector<256x1xf32>
    %neg3A_732 = arith.constant 0.000000e+00 : f32
    %neg3A_733 = vector.broadcast %neg3A_732 : f32 to vector<256x1xf32>
    %neg3A_734 = arith.subf %neg3A_733, %sqrt3A_731 : vector<256x1xf32>
    %convert_element_type3A_735 = arith.truncf %neg3A_734 : vector<256x1xf32> to vector<256x1xbf16>
    %concatenate3A_736 = tpu.concatenate %get3A_723, %convert_element_type3A_735 in 1 : vector<256x32xbf16>, vector<256x1xbf16> -> vector<256x33xbf16>
    %dot_general3A_737 = arith.constant dense<0.000000e+00> : vector<256x2048xf32>
    %dot_general3A_738 = tpu.matmul %concatenate3A_736, %get3A_708, %dot_general3A_737 {dimension_numbers = #tpu.dot_dimension_numbers<[1], [1], [0], [0], [0, 0, 1, 0], [], []>, transpose_lhs_hint = false} : vector<256x33xbf16>, vector<2048x33xbf16>, vector<256x2048xf32> -> vector<256x2048xf32>
    %convert_element_type3A_739 = arith.truncf %dot_general3A_738 : vector<256x2048xf32> to vector<256x2048xbf16>
    %exp23A_740 = math.exp2 %convert_element_type3A_739 : vector<256x2048xbf16>
    %get3A_741 = arith.constant 2 : index
    %get3A_742 = arith.constant 0 : index
    %get3A_743 = arith.constant 0 : index
    %get3A_744 = vector.load %arg4[%get3A_741, %get3A_742, %get3A_743] : memref<4x2048x33xbf16, #tpu.memory_space<vmem>>, vector<1x2048x33xbf16>
    %get3A_745 = vector.shape_cast %get3A_744 : vector<1x2048x33xbf16> to vector<2048x33xbf16>
    %dot_general3A_746 = arith.constant dense<0.000000e+00> : vector<256x33xf32>
    %dot_general3A_747 = tpu.matmul %exp23A_740, %get3A_745, %dot_general3A_746 {dimension_numbers = #tpu.dot_dimension_numbers<[1], [0], [0], [1], [0, 0, 1, 1], [], []>, transpose_lhs_hint = false} : vector<256x2048xbf16>, vector<2048x33xbf16>, vector<256x33xf32> -> vector<256x33xf32>
    %slice3A_748 = vector.extract_strided_slice %dot_general3A_747 {offsets = [0, 32], sizes = [256, 1], strides = [1, 1]} : vector<256x33xf32> to vector<256x1xf32>
    %slice3A_749 = vector.extract_strided_slice %dot_general3A_747 {offsets = [0, 0], sizes = [256, 32], strides = [1, 1]} : vector<256x33xf32> to vector<256x32xf32>
    %div3A_750 = arith.constant 1.000000e+00 : f32
    %div3A_751 = vector.broadcast %div3A_750 : f32 to vector<256x1xf32>
    %div3A_752 = arith.divf %div3A_751, %slice3A_748 : vector<256x1xf32>
    %mul3A_753 = vector.broadcast %div3A_752 : vector<256x1xf32> to vector<256x32xf32>
    %mul3A_754 = arith.mulf %slice3A_749, %mul3A_753 : vector<256x32xf32>
    %convert_element_type3A_755 = arith.truncf %mul3A_754 : vector<256x32xf32> to vector<256x32xbf16>
    %swap3A_756 = arith.constant 2 : index
    %swap3A_757 = arith.constant 0 : index
    %swap3A_758 = arith.constant 0 : index
    %swap3A_759 = vector.load %arg5[%swap3A_756, %swap3A_757, %swap3A_758] : memref<4x2048x32xbf16, #tpu.memory_space<vmem>>, vector<1x256x32xbf16>
    %swap3A_760 = vector.shape_cast %swap3A_759 : vector<1x256x32xbf16> to vector<256x32xbf16>
    %swap3A_761 = vector.shape_cast %convert_element_type3A_755 : vector<256x32xbf16> to vector<1x256x32xbf16>
    tpu.vector_store %arg5[%swap3A_756, %swap3A_757, %swap3A_758], %swap3A_761 {strides = array<i32>} : memref<4x2048x32xbf16, #tpu.memory_space<vmem>>, vector<1x256x32xbf16>,
    %get3A_762 = arith.constant 2 : index
    %get3A_763 = arith.constant 256 : index
    %get3A_764 = arith.constant 0 : index
    %get3A_765 = vector.load %arg2[%get3A_762, %get3A_763, %get3A_764] : memref<4x2048x32xbf16, #tpu.memory_space<vmem>>, vector<1x256x32xbf16>
    %get3A_766 = vector.shape_cast %get3A_765 : vector<1x256x32xbf16> to vector<256x32xbf16>
    %convert_element_type3A_767 = arith.extf %get3A_766 : vector<256x32xbf16> to vector<256x32xf32>
    %mul3A_768 = arith.mulf %convert_element_type3A_767, %convert_element_type3A_767 : vector<256x32xf32>
    %reduce_sum3A_769 = arith.constant dense<0.000000e+00> : vector<256xf32>
    %reduce_sum3A_770 = vector.multi_reduction <add>, %mul3A_768, %reduce_sum3A_769 [1] : vector<256x32xf32> to vector<256xf32>
    %broadcast_in_dim3A_771 = vector.shape_cast %reduce_sum3A_770 : vector<256xf32> to vector<256x1xf32>
    %mul3A_772 = vector.broadcast %reduce_max3A_718 : f32 to vector<256x1xf32>
    %mul3A_773 = arith.mulf %broadcast_in_dim3A_771, %mul3A_772 : vector<256x1xf32>
    %sqrt3A_774 = math.sqrt %mul3A_773 : vector<256x1xf32>
    %neg3A_775 = arith.constant 0.000000e+00 : f32
    %neg3A_776 = vector.broadcast %neg3A_775 : f32 to vector<256x1xf32>
    %neg3A_777 = arith.subf %neg3A_776, %sqrt3A_774 : vector<256x1xf32>
    %convert_element_type3A_778 = arith.truncf %neg3A_777 : vector<256x1xf32> to vector<256x1xbf16>
    %concatenate3A_779 = tpu.concatenate %get3A_766, %convert_element_type3A_778 in 1 : vector<256x32xbf16>, vector<256x1xbf16> -> vector<256x33xbf16>
    %dot_general3A_780 = arith.constant dense<0.000000e+00> : vector<256x2048xf32>
    %dot_general3A_781 = tpu.matmul %concatenate3A_779, %get3A_708, %dot_general3A_780 {dimension_numbers = #tpu.dot_dimension_numbers<[1], [1], [0], [0], [0, 0, 1, 0], [], []>, transpose_lhs_hint = false} : vector<256x33xbf16>, vector<2048x33xbf16>, vector<256x2048xf32> -> vector<256x2048xf32>
    %convert_element_type3A_782 = arith.truncf %dot_general3A_781 : vector<256x2048xf32> to vector<256x2048xbf16>
    %exp23A_783 = math.exp2 %convert_element_type3A_782 : vector<256x2048xbf16>
    %get3A_784 = arith.constant 2 : index
    %get3A_785 = arith.constant 0 : index
    %get3A_786 = arith.constant 0 : index
    %get3A_787 = vector.load %arg4[%get3A_784, %get3A_785, %get3A_786] : memref<4x2048x33xbf16, #tpu.memory_space<vmem>>, vector<1x2048x33xbf16>
    %get3A_788 = vector.shape_cast %get3A_787 : vector<1x2048x33xbf16> to vector<2048x33xbf16>
    %dot_general3A_789 = arith.constant dense<0.000000e+00> : vector<256x33xf32>
    %dot_general3A_790 = tpu.matmul %exp23A_783, %get3A_788, %dot_general3A_789 {dimension_numbers = #tpu.dot_dimension_numbers<[1], [0], [0], [1], [0, 0, 1, 1], [], []>, transpose_lhs_hint = false} : vector<256x2048xbf16>, vector<2048x33xbf16>, vector<256x33xf32> -> vector<256x33xf32>
    %slice3A_791 = vector.extract_strided_slice %dot_general3A_790 {offsets = [0, 32], sizes = [256, 1], strides = [1, 1]} : vector<256x33xf32> to vector<256x1xf32>
    %slice3A_792 = vector.extract_strided_slice %dot_general3A_790 {offsets = [0, 0], sizes = [256, 32], strides = [1, 1]} : vector<256x33xf32> to vector<256x32xf32>
    %div3A_793 = arith.constant 1.000000e+00 : f32
    %div3A_794 = vector.broadcast %div3A_793 : f32 to vector<256x1xf32>
    %div3A_795 = arith.divf %div3A_794, %slice3A_791 : vector<256x1xf32>
    %mul3A_796 = vector.broadcast %div3A_795 : vector<256x1xf32> to vector<256x32xf32>
    %mul3A_797 = arith.mulf %slice3A_792, %mul3A_796 : vector<256x32xf32>
    %convert_element_type3A_798 = arith.truncf %mul3A_797 : vector<256x32xf32> to vector<256x32xbf16>
    %swap3A_799 = arith.constant 2 : index
    %swap3A_800 = arith.constant 256 : index
    %swap3A_801 = arith.constant 0 : index
    %swap3A_802 = vector.load %arg5[%swap3A_799, %swap3A_800, %swap3A_801] : memref<4x2048x32xbf16, #tpu.memory_space<vmem>>, vector<1x256x32xbf16>
    %swap3A_803 = vector.shape_cast %swap3A_802 : vector<1x256x32xbf16> to vector<256x32xbf16>
    %swap3A_804 = vector.shape_cast %convert_element_type3A_798 : vector<256x32xbf16> to vector<1x256x32xbf16>
    tpu.vector_store %arg5[%swap3A_799, %swap3A_800, %swap3A_801], %swap3A_804 {strides = array<i32>} : memref<4x2048x32xbf16, #tpu.memory_space<vmem>>, vector<1x256x32xbf16>,
    %get3A_805 = arith.constant 2 : index
    %get3A_806 = arith.constant 512 : index
    %get3A_807 = arith.constant 0 : index
    %get3A_808 = vector.load %arg2[%get3A_805, %get3A_806, %get3A_807] : memref<4x2048x32xbf16, #tpu.memory_space<vmem>>, vector<1x256x32xbf16>
    %get3A_809 = vector.shape_cast %get3A_808 : vector<1x256x32xbf16> to vector<256x32xbf16>
    %convert_element_type3A_810 = arith.extf %get3A_809 : vector<256x32xbf16> to vector<256x32xf32>
    %mul3A_811 = arith.mulf %convert_element_type3A_810, %convert_element_type3A_810 : vector<256x32xf32>
    %reduce_sum3A_812 = arith.constant dense<0.000000e+00> : vector<256xf32>
    %reduce_sum3A_813 = vector.multi_reduction <add>, %mul3A_811, %reduce_sum3A_812 [1] : vector<256x32xf32> to vector<256xf32>
    %broadcast_in_dim3A_814 = vector.shape_cast %reduce_sum3A_813 : vector<256xf32> to vector<256x1xf32>
    %mul3A_815 = vector.broadcast %reduce_max3A_718 : f32 to vector<256x1xf32>
    %mul3A_816 = arith.mulf %broadcast_in_dim3A_814, %mul3A_815 : vector<256x1xf32>
    %sqrt3A_817 = math.sqrt %mul3A_816 : vector<256x1xf32>
    %neg3A_818 = arith.constant 0.000000e+00 : f32
    %neg3A_819 = vector.broadcast %neg3A_818 : f32 to vector<256x1xf32>
    %neg3A_820 = arith.subf %neg3A_819, %sqrt3A_817 : vector<256x1xf32>
    %convert_element_type3A_821 = arith.truncf %neg3A_820 : vector<256x1xf32> to vector<256x1xbf16>
    %concatenate3A_822 = tpu.concatenate %get3A_809, %convert_element_type3A_821 in 1 : vector<256x32xbf16>, vector<256x1xbf16> -> vector<256x33xbf16>
    %dot_general3A_823 = arith.constant dense<0.000000e+00> : vector<256x2048xf32>
    %dot_general3A_824 = tpu.matmul %concatenate3A_822, %get3A_708, %dot_general3A_823 {dimension_numbers = #tpu.dot_dimension_numbers<[1], [1], [0], [0], [0, 0, 1, 0], [], []>, transpose_lhs_hint = false} : vector<256x33xbf16>, vector<2048x33xbf16>, vector<256x2048xf32> -> vector<256x2048xf32>
    %convert_element_type3A_825 = arith.truncf %dot_general3A_824 : vector<256x2048xf32> to vector<256x2048xbf16>
    %exp23A_826 = math.exp2 %convert_element_type3A_825 : vector<256x2048xbf16>
    %get3A_827 = arith.constant 2 : index
    %get3A_828 = arith.constant 0 : index
    %get3A_829 = arith.constant 0 : index
    %get3A_830 = vector.load %arg4[%get3A_827, %get3A_828, %get3A_829] : memref<4x2048x33xbf16, #tpu.memory_space<vmem>>, vector<1x2048x33xbf16>
    %get3A_831 = vector.shape_cast %get3A_830 : vector<1x2048x33xbf16> to vector<2048x33xbf16>
    %dot_general3A_832 = arith.constant dense<0.000000e+00> : vector<256x33xf32>
    %dot_general3A_833 = tpu.matmul %exp23A_826, %get3A_831, %dot_general3A_832 {dimension_numbers = #tpu.dot_dimension_numbers<[1], [0], [0], [1], [0, 0, 1, 1], [], []>, transpose_lhs_hint = false} : vector<256x2048xbf16>, vector<2048x33xbf16>, vector<256x33xf32> -> vector<256x33xf32>
    %slice3A_834 = vector.extract_strided_slice %dot_general3A_833 {offsets = [0, 32], sizes = [256, 1], strides = [1, 1]} : vector<256x33xf32> to vector<256x1xf32>
    %slice3A_835 = vector.extract_strided_slice %dot_general3A_833 {offsets = [0, 0], sizes = [256, 32], strides = [1, 1]} : vector<256x33xf32> to vector<256x32xf32>
    %div3A_836 = arith.constant 1.000000e+00 : f32
    %div3A_837 = vector.broadcast %div3A_836 : f32 to vector<256x1xf32>
    %div3A_838 = arith.divf %div3A_837, %slice3A_834 : vector<256x1xf32>
    %mul3A_839 = vector.broadcast %div3A_838 : vector<256x1xf32> to vector<256x32xf32>
    %mul3A_840 = arith.mulf %slice3A_835, %mul3A_839 : vector<256x32xf32>
    %convert_element_type3A_841 = arith.truncf %mul3A_840 : vector<256x32xf32> to vector<256x32xbf16>
    %swap3A_842 = arith.constant 2 : index
    %swap3A_843 = arith.constant 512 : index
    %swap3A_844 = arith.constant 0 : index
    %swap3A_845 = vector.load %arg5[%swap3A_842, %swap3A_843, %swap3A_844] : memref<4x2048x32xbf16, #tpu.memory_space<vmem>>, vector<1x256x32xbf16>
    %swap3A_846 = vector.shape_cast %swap3A_845 : vector<1x256x32xbf16> to vector<256x32xbf16>
    %swap3A_847 = vector.shape_cast %convert_element_type3A_841 : vector<256x32xbf16> to vector<1x256x32xbf16>
    tpu.vector_store %arg5[%swap3A_842, %swap3A_843, %swap3A_844], %swap3A_847 {strides = array<i32>} : memref<4x2048x32xbf16, #tpu.memory_space<vmem>>, vector<1x256x32xbf16>,
    %get3A_848 = arith.constant 2 : index
    %get3A_849 = arith.constant 768 : index
    %get3A_850 = arith.constant 0 : index
    %get3A_851 = vector.load %arg2[%get3A_848, %get3A_849, %get3A_850] : memref<4x2048x32xbf16, #tpu.memory_space<vmem>>, vector<1x256x32xbf16>
    %get3A_852 = vector.shape_cast %get3A_851 : vector<1x256x32xbf16> to vector<256x32xbf16>
    %convert_element_type3A_853 = arith.extf %get3A_852 : vector<256x32xbf16> to vector<256x32xf32>
    %mul3A_854 = arith.mulf %convert_element_type3A_853, %convert_element_type3A_853 : vector<256x32xf32>
    %reduce_sum3A_855 = arith.constant dense<0.000000e+00> : vector<256xf32>
    %reduce_sum3A_856 = vector.multi_reduction <add>, %mul3A_854, %reduce_sum3A_855 [1] : vector<256x32xf32> to vector<256xf32>
    %broadcast_in_dim3A_857 = vector.shape_cast %reduce_sum3A_856 : vector<256xf32> to vector<256x1xf32>
    %mul3A_858 = vector.broadcast %reduce_max3A_718 : f32 to vector<256x1xf32>
    %mul3A_859 = arith.mulf %broadcast_in_dim3A_857, %mul3A_858 : vector<256x1xf32>
    %sqrt3A_860 = math.sqrt %mul3A_859 : vector<256x1xf32>
    %neg3A_861 = arith.constant 0.000000e+00 : f32
    %neg3A_862 = vector.broadcast %neg3A_861 : f32 to vector<256x1xf32>
    %neg3A_863 = arith.subf %neg3A_862, %sqrt3A_860 : vector<256x1xf32>
    %convert_element_type3A_864 = arith.truncf %neg3A_863 : vector<256x1xf32> to vector<256x1xbf16>
    %concatenate3A_865 = tpu.concatenate %get3A_852, %convert_element_type3A_864 in 1 : vector<256x32xbf16>, vector<256x1xbf16> -> vector<256x33xbf16>
    %dot_general3A_866 = arith.constant dense<0.000000e+00> : vector<256x2048xf32>
    %dot_general3A_867 = tpu.matmul %concatenate3A_865, %get3A_708, %dot_general3A_866 {dimension_numbers = #tpu.dot_dimension_numbers<[1], [1], [0], [0], [0, 0, 1, 0], [], []>, transpose_lhs_hint = false} : vector<256x33xbf16>, vector<2048x33xbf16>, vector<256x2048xf32> -> vector<256x2048xf32>
    %convert_element_type3A_868 = arith.truncf %dot_general3A_867 : vector<256x2048xf32> to vector<256x2048xbf16>
    %exp23A_869 = math.exp2 %convert_element_type3A_868 : vector<256x2048xbf16>
    %get3A_870 = arith.constant 2 : index
    %get3A_871 = arith.constant 0 : index
    %get3A_872 = arith.constant 0 : index
    %get3A_873 = vector.load %arg4[%get3A_870, %get3A_871, %get3A_872] : memref<4x2048x33xbf16, #tpu.memory_space<vmem>>, vector<1x2048x33xbf16>
    %get3A_874 = vector.shape_cast %get3A_873 : vector<1x2048x33xbf16> to vector<2048x33xbf16>
    %dot_general3A_875 = arith.constant dense<0.000000e+00> : vector<256x33xf32>
    %dot_general3A_876 = tpu.matmul %exp23A_869, %get3A_874, %dot_general3A_875 {dimension_numbers = #tpu.dot_dimension_numbers<[1], [0], [0], [1], [0, 0, 1, 1], [], []>, transpose_lhs_hint = false} : vector<256x2048xbf16>, vector<2048x33xbf16>, vector<256x33xf32> -> vector<256x33xf32>
    %slice3A_877 = vector.extract_strided_slice %dot_general3A_876 {offsets = [0, 32], sizes = [256, 1], strides = [1, 1]} : vector<256x33xf32> to vector<256x1xf32>
    %slice3A_878 = vector.extract_strided_slice %dot_general3A_876 {offsets = [0, 0], sizes = [256, 32], strides = [1, 1]} : vector<256x33xf32> to vector<256x32xf32>
    %div3A_879 = arith.constant 1.000000e+00 : f32
    %div3A_880 = vector.broadcast %div3A_879 : f32 to vector<256x1xf32>
    %div3A_881 = arith.divf %div3A_880, %slice3A_877 : vector<256x1xf32>
    %mul3A_882 = vector.broadcast %div3A_881 : vector<256x1xf32> to vector<256x32xf32>
    %mul3A_883 = arith.mulf %slice3A_878, %mul3A_882 : vector<256x32xf32>
    %convert_element_type3A_884 = arith.truncf %mul3A_883 : vector<256x32xf32> to vector<256x32xbf16>
    %swap3A_885 = arith.constant 2 : index
    %swap3A_886 = arith.constant 768 : index
    %swap3A_887 = arith.constant 0 : index
    %swap3A_888 = vector.load %arg5[%swap3A_885, %swap3A_886, %swap3A_887] : memref<4x2048x32xbf16, #tpu.memory_space<vmem>>, vector<1x256x32xbf16>
    %swap3A_889 = vector.shape_cast %swap3A_888 : vector<1x256x32xbf16> to vector<256x32xbf16>
    %swap3A_890 = vector.shape_cast %convert_element_type3A_884 : vector<256x32xbf16> to vector<1x256x32xbf16>
    tpu.vector_store %arg5[%swap3A_885, %swap3A_886, %swap3A_887], %swap3A_890 {strides = array<i32>} : memref<4x2048x32xbf16, #tpu.memory_space<vmem>>, vector<1x256x32xbf16>,
    %get3A_891 = arith.constant 2 : index
    %get3A_892 = arith.constant 1024 : index
    %get3A_893 = arith.constant 0 : index
    %get3A_894 = vector.load %arg2[%get3A_891, %get3A_892, %get3A_893] : memref<4x2048x32xbf16, #tpu.memory_space<vmem>>, vector<1x256x32xbf16>
    %get3A_895 = vector.shape_cast %get3A_894 : vector<1x256x32xbf16> to vector<256x32xbf16>
    %convert_element_type3A_896 = arith.extf %get3A_895 : vector<256x32xbf16> to vector<256x32xf32>
    %mul3A_897 = arith.mulf %convert_element_type3A_896, %convert_element_type3A_896 : vector<256x32xf32>
    %reduce_sum3A_898 = arith.constant dense<0.000000e+00> : vector<256xf32>
    %reduce_sum3A_899 = vector.multi_reduction <add>, %mul3A_897, %reduce_sum3A_898 [1] : vector<256x32xf32> to vector<256xf32>
    %broadcast_in_dim3A_900 = vector.shape_cast %reduce_sum3A_899 : vector<256xf32> to vector<256x1xf32>
    %mul3A_901 = vector.broadcast %reduce_max3A_718 : f32 to vector<256x1xf32>
    %mul3A_902 = arith.mulf %broadcast_in_dim3A_900, %mul3A_901 : vector<256x1xf32>
    %sqrt3A_903 = math.sqrt %mul3A_902 : vector<256x1xf32>
    %neg3A_904 = arith.constant 0.000000e+00 : f32
    %neg3A_905 = vector.broadcast %neg3A_904 : f32 to vector<256x1xf32>
    %neg3A_906 = arith.subf %neg3A_905, %sqrt3A_903 : vector<256x1xf32>
    %convert_element_type3A_907 = arith.truncf %neg3A_906 : vector<256x1xf32> to vector<256x1xbf16>
    %concatenate3A_908 = tpu.concatenate %get3A_895, %convert_element_type3A_907 in 1 : vector<256x32xbf16>, vector<256x1xbf16> -> vector<256x33xbf16>
    %dot_general3A_909 = arith.constant dense<0.000000e+00> : vector<256x2048xf32>
    %dot_general3A_910 = tpu.matmul %concatenate3A_908, %get3A_708, %dot_general3A_909 {dimension_numbers = #tpu.dot_dimension_numbers<[1], [1], [0], [0], [0, 0, 1, 0], [], []>, transpose_lhs_hint = false} : vector<256x33xbf16>, vector<2048x33xbf16>, vector<256x2048xf32> -> vector<256x2048xf32>
    %convert_element_type3A_911 = arith.truncf %dot_general3A_910 : vector<256x2048xf32> to vector<256x2048xbf16>
    %exp23A_912 = math.exp2 %convert_element_type3A_911 : vector<256x2048xbf16>
    %get3A_913 = arith.constant 2 : index
    %get3A_914 = arith.constant 0 : index
    %get3A_915 = arith.constant 0 : index
    %get3A_916 = vector.load %arg4[%get3A_913, %get3A_914, %get3A_915] : memref<4x2048x33xbf16, #tpu.memory_space<vmem>>, vector<1x2048x33xbf16>
    %get3A_917 = vector.shape_cast %get3A_916 : vector<1x2048x33xbf16> to vector<2048x33xbf16>
    %dot_general3A_918 = arith.constant dense<0.000000e+00> : vector<256x33xf32>
    %dot_general3A_919 = tpu.matmul %exp23A_912, %get3A_917, %dot_general3A_918 {dimension_numbers = #tpu.dot_dimension_numbers<[1], [0], [0], [1], [0, 0, 1, 1], [], []>, transpose_lhs_hint = false} : vector<256x2048xbf16>, vector<2048x33xbf16>, vector<256x33xf32> -> vector<256x33xf32>
    %slice3A_920 = vector.extract_strided_slice %dot_general3A_919 {offsets = [0, 32], sizes = [256, 1], strides = [1, 1]} : vector<256x33xf32> to vector<256x1xf32>
    %slice3A_921 = vector.extract_strided_slice %dot_general3A_919 {offsets = [0, 0], sizes = [256, 32], strides = [1, 1]} : vector<256x33xf32> to vector<256x32xf32>
    %div3A_922 = arith.constant 1.000000e+00 : f32
    %div3A_923 = vector.broadcast %div3A_922 : f32 to vector<256x1xf32>
    %div3A_924 = arith.divf %div3A_923, %slice3A_920 : vector<256x1xf32>
    %mul3A_925 = vector.broadcast %div3A_924 : vector<256x1xf32> to vector<256x32xf32>
    %mul3A_926 = arith.mulf %slice3A_921, %mul3A_925 : vector<256x32xf32>
    %convert_element_type3A_927 = arith.truncf %mul3A_926 : vector<256x32xf32> to vector<256x32xbf16>
    %swap3A_928 = arith.constant 2 : index
    %swap3A_929 = arith.constant 1024 : index
    %swap3A_930 = arith.constant 0 : index
    %swap3A_931 = vector.load %arg5[%swap3A_928, %swap3A_929, %swap3A_930] : memref<4x2048x32xbf16, #tpu.memory_space<vmem>>, vector<1x256x32xbf16>
    %swap3A_932 = vector.shape_cast %swap3A_931 : vector<1x256x32xbf16> to vector<256x32xbf16>
    %swap3A_933 = vector.shape_cast %convert_element_type3A_927 : vector<256x32xbf16> to vector<1x256x32xbf16>
    tpu.vector_store %arg5[%swap3A_928, %swap3A_929, %swap3A_930], %swap3A_933 {strides = array<i32>} : memref<4x2048x32xbf16, #tpu.memory_space<vmem>>, vector<1x256x32xbf16>,
    %get3A_934 = arith.constant 2 : index
    %get3A_935 = arith.constant 1280 : index
    %get3A_936 = arith.constant 0 : index
    %get3A_937 = vector.load %arg2[%get3A_934, %get3A_935, %get3A_936] : memref<4x2048x32xbf16, #tpu.memory_space<vmem>>, vector<1x256x32xbf16>
    %get3A_938 = vector.shape_cast %get3A_937 : vector<1x256x32xbf16> to vector<256x32xbf16>
    %convert_element_type3A_939 = arith.extf %get3A_938 : vector<256x32xbf16> to vector<256x32xf32>
    %mul3A_940 = arith.mulf %convert_element_type3A_939, %convert_element_type3A_939 : vector<256x32xf32>
    %reduce_sum3A_941 = arith.constant dense<0.000000e+00> : vector<256xf32>
    %reduce_sum3A_942 = vector.multi_reduction <add>, %mul3A_940, %reduce_sum3A_941 [1] : vector<256x32xf32> to vector<256xf32>
    %broadcast_in_dim3A_943 = vector.shape_cast %reduce_sum3A_942 : vector<256xf32> to vector<256x1xf32>
    %mul3A_944 = vector.broadcast %reduce_max3A_718 : f32 to vector<256x1xf32>
    %mul3A_945 = arith.mulf %broadcast_in_dim3A_943, %mul3A_944 : vector<256x1xf32>
    %sqrt3A_946 = math.sqrt %mul3A_945 : vector<256x1xf32>
    %neg3A_947 = arith.constant 0.000000e+00 : f32
    %neg3A_948 = vector.broadcast %neg3A_947 : f32 to vector<256x1xf32>
    %neg3A_949 = arith.subf %neg3A_948, %sqrt3A_946 : vector<256x1xf32>
    %convert_element_type3A_950 = arith.truncf %neg3A_949 : vector<256x1xf32> to vector<256x1xbf16>
    %concatenate3A_951 = tpu.concatenate %get3A_938, %convert_element_type3A_950 in 1 : vector<256x32xbf16>, vector<256x1xbf16> -> vector<256x33xbf16>
    %dot_general3A_952 = arith.constant dense<0.000000e+00> : vector<256x2048xf32>
    %dot_general3A_953 = tpu.matmul %concatenate3A_951, %get3A_708, %dot_general3A_952 {dimension_numbers = #tpu.dot_dimension_numbers<[1], [1], [0], [0], [0, 0, 1, 0], [], []>, transpose_lhs_hint = false} : vector<256x33xbf16>, vector<2048x33xbf16>, vector<256x2048xf32> -> vector<256x2048xf32>
    %convert_element_type3A_954 = arith.truncf %dot_general3A_953 : vector<256x2048xf32> to vector<256x2048xbf16>
    %exp23A_955 = math.exp2 %convert_element_type3A_954 : vector<256x2048xbf16>
    %get3A_956 = arith.constant 2 : index
    %get3A_957 = arith.constant 0 : index
    %get3A_958 = arith.constant 0 : index
    %get3A_959 = vector.load %arg4[%get3A_956, %get3A_957, %get3A_958] : memref<4x2048x33xbf16, #tpu.memory_space<vmem>>, vector<1x2048x33xbf16>
    %get3A_960 = vector.shape_cast %get3A_959 : vector<1x2048x33xbf16> to vector<2048x33xbf16>
    %dot_general3A_961 = arith.constant dense<0.000000e+00> : vector<256x33xf32>
    %dot_general3A_962 = tpu.matmul %exp23A_955, %get3A_960, %dot_general3A_961 {dimension_numbers = #tpu.dot_dimension_numbers<[1], [0], [0], [1], [0, 0, 1, 1], [], []>, transpose_lhs_hint = false} : vector<256x2048xbf16>, vector<2048x33xbf16>, vector<256x33xf32> -> vector<256x33xf32>
    %slice3A_963 = vector.extract_strided_slice %dot_general3A_962 {offsets = [0, 32], sizes = [256, 1], strides = [1, 1]} : vector<256x33xf32> to vector<256x1xf32>
    %slice3A_964 = vector.extract_strided_slice %dot_general3A_962 {offsets = [0, 0], sizes = [256, 32], strides = [1, 1]} : vector<256x33xf32> to vector<256x32xf32>
    %div3A_965 = arith.constant 1.000000e+00 : f32
    %div3A_966 = vector.broadcast %div3A_965 : f32 to vector<256x1xf32>
    %div3A_967 = arith.divf %div3A_966, %slice3A_963 : vector<256x1xf32>
    %mul3A_968 = vector.broadcast %div3A_967 : vector<256x1xf32> to vector<256x32xf32>
    %mul3A_969 = arith.mulf %slice3A_964, %mul3A_968 : vector<256x32xf32>
    %convert_element_type3A_970 = arith.truncf %mul3A_969 : vector<256x32xf32> to vector<256x32xbf16>
    %swap3A_971 = arith.constant 2 : index
    %swap3A_972 = arith.constant 1280 : index
    %swap3A_973 = arith.constant 0 : index
    %swap3A_974 = vector.load %arg5[%swap3A_971, %swap3A_972, %swap3A_973] : memref<4x2048x32xbf16, #tpu.memory_space<vmem>>, vector<1x256x32xbf16>
    %swap3A_975 = vector.shape_cast %swap3A_974 : vector<1x256x32xbf16> to vector<256x32xbf16>
    %swap3A_976 = vector.shape_cast %convert_element_type3A_970 : vector<256x32xbf16> to vector<1x256x32xbf16>
    tpu.vector_store %arg5[%swap3A_971, %swap3A_972, %swap3A_973], %swap3A_976 {strides = array<i32>} : memref<4x2048x32xbf16, #tpu.memory_space<vmem>>, vector<1x256x32xbf16>,
    %get3A_977 = arith.constant 2 : index
    %get3A_978 = arith.constant 1536 : index
    %get3A_979 = arith.constant 0 : index
    %get3A_980 = vector.load %arg2[%get3A_977, %get3A_978, %get3A_979] : memref<4x2048x32xbf16, #tpu.memory_space<vmem>>, vector<1x256x32xbf16>
    %get3A_981 = vector.shape_cast %get3A_980 : vector<1x256x32xbf16> to vector<256x32xbf16>
    %convert_element_type3A_982 = arith.extf %get3A_981 : vector<256x32xbf16> to vector<256x32xf32>
    %mul3A_983 = arith.mulf %convert_element_type3A_982, %convert_element_type3A_982 : vector<256x32xf32>
    %reduce_sum3A_984 = arith.constant dense<0.000000e+00> : vector<256xf32>
    %reduce_sum3A_985 = vector.multi_reduction <add>, %mul3A_983, %reduce_sum3A_984 [1] : vector<256x32xf32> to vector<256xf32>
    %broadcast_in_dim3A_986 = vector.shape_cast %reduce_sum3A_985 : vector<256xf32> to vector<256x1xf32>
    %mul3A_987 = vector.broadcast %reduce_max3A_718 : f32 to vector<256x1xf32>
    %mul3A_988 = arith.mulf %broadcast_in_dim3A_986, %mul3A_987 : vector<256x1xf32>
    %sqrt3A_989 = math.sqrt %mul3A_988 : vector<256x1xf32>
    %neg3A_990 = arith.constant 0.000000e+00 : f32
    %neg3A_991 = vector.broadcast %neg3A_990 : f32 to vector<256x1xf32>
    %neg3A_992 = arith.subf %neg3A_991, %sqrt3A_989 : vector<256x1xf32>
    %convert_element_type3A_993 = arith.truncf %neg3A_992 : vector<256x1xf32> to vector<256x1xbf16>
    %concatenate3A_994 = tpu.concatenate %get3A_981, %convert_element_type3A_993 in 1 : vector<256x32xbf16>, vector<256x1xbf16> -> vector<256x33xbf16>
    %dot_general3A_995 = arith.constant dense<0.000000e+00> : vector<256x2048xf32>
    %dot_general3A_996 = tpu.matmul %concatenate3A_994, %get3A_708, %dot_general3A_995 {dimension_numbers = #tpu.dot_dimension_numbers<[1], [1], [0], [0], [0, 0, 1, 0], [], []>, transpose_lhs_hint = false} : vector<256x33xbf16>, vector<2048x33xbf16>, vector<256x2048xf32> -> vector<256x2048xf32>
    %convert_element_type3A_997 = arith.truncf %dot_general3A_996 : vector<256x2048xf32> to vector<256x2048xbf16>
    %exp23A_998 = math.exp2 %convert_element_type3A_997 : vector<256x2048xbf16>
    %get3A_999 = arith.constant 2 : index
    %get3A_1000 = arith.constant 0 : index
    %get3A_1001 = arith.constant 0 : index
    %get3A_1002 = vector.load %arg4[%get3A_999, %get3A_1000, %get3A_1001] : memref<4x2048x33xbf16, #tpu.memory_space<vmem>>, vector<1x2048x33xbf16>
    %get3A_1003 = vector.shape_cast %get3A_1002 : vector<1x2048x33xbf16> to vector<2048x33xbf16>
    %dot_general3A_1004 = arith.constant dense<0.000000e+00> : vector<256x33xf32>
    %dot_general3A_1005 = tpu.matmul %exp23A_998, %get3A_1003, %dot_general3A_1004 {dimension_numbers = #tpu.dot_dimension_numbers<[1], [0], [0], [1], [0, 0, 1, 1], [], []>, transpose_lhs_hint = false} : vector<256x2048xbf16>, vector<2048x33xbf16>, vector<256x33xf32> -> vector<256x33xf32>
    %slice3A_1006 = vector.extract_strided_slice %dot_general3A_1005 {offsets = [0, 32], sizes = [256, 1], strides = [1, 1]} : vector<256x33xf32> to vector<256x1xf32>
    %slice3A_1007 = vector.extract_strided_slice %dot_general3A_1005 {offsets = [0, 0], sizes = [256, 32], strides = [1, 1]} : vector<256x33xf32> to vector<256x32xf32>
    %div3A_1008 = arith.constant 1.000000e+00 : f32
    %div3A_1009 = vector.broadcast %div3A_1008 : f32 to vector<256x1xf32>
    %div3A_1010 = arith.divf %div3A_1009, %slice3A_1006 : vector<256x1xf32>
    %mul3A_1011 = vector.broadcast %div3A_1010 : vector<256x1xf32> to vector<256x32xf32>
    %mul3A_1012 = arith.mulf %slice3A_1007, %mul3A_1011 : vector<256x32xf32>
    %convert_element_type3A_1013 = arith.truncf %mul3A_1012 : vector<256x32xf32> to vector<256x32xbf16>
    %swap3A_1014 = arith.constant 2 : index
    %swap3A_1015 = arith.constant 1536 : index
    %swap3A_1016 = arith.constant 0 : index
    %swap3A_1017 = vector.load %arg5[%swap3A_1014, %swap3A_1015, %swap3A_1016] : memref<4x2048x32xbf16, #tpu.memory_space<vmem>>, vector<1x256x32xbf16>
    %swap3A_1018 = vector.shape_cast %swap3A_1017 : vector<1x256x32xbf16> to vector<256x32xbf16>
    %swap3A_1019 = vector.shape_cast %convert_element_type3A_1013 : vector<256x32xbf16> to vector<1x256x32xbf16>
    tpu.vector_store %arg5[%swap3A_1014, %swap3A_1015, %swap3A_1016], %swap3A_1019 {strides = array<i32>} : memref<4x2048x32xbf16, #tpu.memory_space<vmem>>, vector<1x256x32xbf16>,
    %get3A_1020 = arith.constant 2 : index
    %get3A_1021 = arith.constant 1792 : index
    %get3A_1022 = arith.constant 0 : index
    %get3A_1023 = vector.load %arg2[%get3A_1020, %get3A_1021, %get3A_1022] : memref<4x2048x32xbf16, #tpu.memory_space<vmem>>, vector<1x256x32xbf16>
    %get3A_1024 = vector.shape_cast %get3A_1023 : vector<1x256x32xbf16> to vector<256x32xbf16>
    %convert_element_type3A_1025 = arith.extf %get3A_1024 : vector<256x32xbf16> to vector<256x32xf32>
    %mul3A_1026 = arith.mulf %convert_element_type3A_1025, %convert_element_type3A_1025 : vector<256x32xf32>
    %reduce_sum3A_1027 = arith.constant dense<0.000000e+00> : vector<256xf32>
    %reduce_sum3A_1028 = vector.multi_reduction <add>, %mul3A_1026, %reduce_sum3A_1027 [1] : vector<256x32xf32> to vector<256xf32>
    %broadcast_in_dim3A_1029 = vector.shape_cast %reduce_sum3A_1028 : vector<256xf32> to vector<256x1xf32>
    %mul3A_1030 = vector.broadcast %reduce_max3A_718 : f32 to vector<256x1xf32>
    %mul3A_1031 = arith.mulf %broadcast_in_dim3A_1029, %mul3A_1030 : vector<256x1xf32>
    %sqrt3A_1032 = math.sqrt %mul3A_1031 : vector<256x1xf32>
    %neg3A_1033 = arith.constant 0.000000e+00 : f32
    %neg3A_1034 = vector.broadcast %neg3A_1033 : f32 to vector<256x1xf32>
    %neg3A_1035 = arith.subf %neg3A_1034, %sqrt3A_1032 : vector<256x1xf32>
    %convert_element_type3A_1036 = arith.truncf %neg3A_1035 : vector<256x1xf32> to vector<256x1xbf16>
    %concatenate3A_1037 = tpu.concatenate %get3A_1024, %convert_element_type3A_1036 in 1 : vector<256x32xbf16>, vector<256x1xbf16> -> vector<256x33xbf16>
    %dot_general3A_1038 = arith.constant dense<0.000000e+00> : vector<256x2048xf32>
    %dot_general3A_1039 = tpu.matmul %concatenate3A_1037, %get3A_708, %dot_general3A_1038 {dimension_numbers = #tpu.dot_dimension_numbers<[1], [1], [0], [0], [0, 0, 1, 0], [], []>, transpose_lhs_hint = false} : vector<256x33xbf16>, vector<2048x33xbf16>, vector<256x2048xf32> -> vector<256x2048xf32>
    %convert_element_type3A_1040 = arith.truncf %dot_general3A_1039 : vector<256x2048xf32> to vector<256x2048xbf16>
    %exp23A_1041 = math.exp2 %convert_element_type3A_1040 : vector<256x2048xbf16>
    %get3A_1042 = arith.constant 2 : index
    %get3A_1043 = arith.constant 0 : index
    %get3A_1044 = arith.constant 0 : index
    %get3A_1045 = vector.load %arg4[%get3A_1042, %get3A_1043, %get3A_1044] : memref<4x2048x33xbf16, #tpu.memory_space<vmem>>, vector<1x2048x33xbf16>
    %get3A_1046 = vector.shape_cast %get3A_1045 : vector<1x2048x33xbf16> to vector<2048x33xbf16>
    %dot_general3A_1047 = arith.constant dense<0.000000e+00> : vector<256x33xf32>
    %dot_general3A_1048 = tpu.matmul %exp23A_1041, %get3A_1046, %dot_general3A_1047 {dimension_numbers = #tpu.dot_dimension_numbers<[1], [0], [0], [1], [0, 0, 1, 1], [], []>, transpose_lhs_hint = false} : vector<256x2048xbf16>, vector<2048x33xbf16>, vector<256x33xf32> -> vector<256x33xf32>
    %slice3A_1049 = vector.extract_strided_slice %dot_general3A_1048 {offsets = [0, 32], sizes = [256, 1], strides = [1, 1]} : vector<256x33xf32> to vector<256x1xf32>
    %slice3A_1050 = vector.extract_strided_slice %dot_general3A_1048 {offsets = [0, 0], sizes = [256, 32], strides = [1, 1]} : vector<256x33xf32> to vector<256x32xf32>
    %div3A_1051 = arith.constant 1.000000e+00 : f32
    %div3A_1052 = vector.broadcast %div3A_1051 : f32 to vector<256x1xf32>
    %div3A_1053 = arith.divf %div3A_1052, %slice3A_1049 : vector<256x1xf32>
    %mul3A_1054 = vector.broadcast %div3A_1053 : vector<256x1xf32> to vector<256x32xf32>
    %mul3A_1055 = arith.mulf %slice3A_1050, %mul3A_1054 : vector<256x32xf32>
    %convert_element_type3A_1056 = arith.truncf %mul3A_1055 : vector<256x32xf32> to vector<256x32xbf16>
    %swap3A_1057 = arith.constant 2 : index
    %swap3A_1058 = arith.constant 1792 : index
    %swap3A_1059 = arith.constant 0 : index
    %swap3A_1060 = vector.load %arg5[%swap3A_1057, %swap3A_1058, %swap3A_1059] : memref<4x2048x32xbf16, #tpu.memory_space<vmem>>, vector<1x256x32xbf16>
    %swap3A_1061 = vector.shape_cast %swap3A_1060 : vector<1x256x32xbf16> to vector<256x32xbf16>
    %swap3A_1062 = vector.shape_cast %convert_element_type3A_1056 : vector<256x32xbf16> to vector<1x256x32xbf16>
    tpu.vector_store %arg5[%swap3A_1057, %swap3A_1058, %swap3A_1059], %swap3A_1062 {strides = array<i32>} : memref<4x2048x32xbf16, #tpu.memory_space<vmem>>, vector<1x256x32xbf16>,
    %get3A_1063 = arith.constant 3 : index
    %get3A_1064 = arith.constant 0 : index
    %get3A_1065 = arith.constant 0 : index
    %get3A_1066 = vector.load %arg3[%get3A_1063, %get3A_1064, %get3A_1065] : memref<4x2048x33xbf16, #tpu.memory_space<vmem>>, vector<1x2048x33xbf16>
    %get3A_1067 = vector.shape_cast %get3A_1066 : vector<1x2048x33xbf16> to vector<2048x33xbf16>
    %slice3A_1068 = vector.extract_strided_slice %get3A_1067 {offsets = [0, 0], sizes = [2048, 32], strides = [1, 1]} : vector<2048x33xbf16> to vector<2048x32xbf16>
    %convert_element_type3A_1069 = arith.extf %slice3A_1068 : vector<2048x32xbf16> to vector<2048x32xf32>
    %mul3A_1070 = arith.mulf %convert_element_type3A_1069, %convert_element_type3A_1069 : vector<2048x32xf32>
    %reduce_sum3A_1071 = arith.constant dense<0.000000e+00> : vector<2048xf32>
    %reduce_sum3A_1072 = vector.multi_reduction <add>, %mul3A_1070, %reduce_sum3A_1071 [1] : vector<2048x32xf32> to vector<2048xf32>
    %reduce_max3A_1073 = vector.shape_cast %reduce_sum3A_1072 : vector<2048xf32> to vector<1x2048xf32>
    %reduce_max3A_1074 = arith.constant dense<0xFF800000> : vector<1xf32>
    %reduce_max3A_1075 = vector.multi_reduction <maximumf>, %reduce_max3A_1073, %reduce_max3A_1074 [1] : vector<1x2048xf32> to vector<1xf32>
    %reduce_max3A_1076 = vector.shape_cast %reduce_max3A_1075 : vector<1xf32> to vector<1x1xf32>
    %reduce_max3A_1077 = vector.extract %reduce_max3A_1076[0, 0] : f32 from vector<1x1xf32>
    %get3A_1078 = arith.constant 3 : index
    %get3A_1079 = arith.constant 0 : index
    %get3A_1080 = arith.constant 0 : index
    %get3A_1081 = vector.load %arg2[%get3A_1078, %get3A_1079, %get3A_1080] : memref<4x2048x32xbf16, #tpu.memory_space<vmem>>, vector<1x256x32xbf16>
    %get3A_1082 = vector.shape_cast %get3A_1081 : vector<1x256x32xbf16> to vector<256x32xbf16>
    %convert_element_type3A_1083 = arith.extf %get3A_1082 : vector<256x32xbf16> to vector<256x32xf32>
    %mul3A_1084 = arith.mulf %convert_element_type3A_1083, %convert_element_type3A_1083 : vector<256x32xf32>
    %reduce_sum3A_1085 = arith.constant dense<0.000000e+00> : vector<256xf32>
    %reduce_sum3A_1086 = vector.multi_reduction <add>, %mul3A_1084, %reduce_sum3A_1085 [1] : vector<256x32xf32> to vector<256xf32>
    %broadcast_in_dim3A_1087 = vector.shape_cast %reduce_sum3A_1086 : vector<256xf32> to vector<256x1xf32>
    %mul3A_1088 = vector.broadcast %reduce_max3A_1077 : f32 to vector<256x1xf32>
    %mul3A_1089 = arith.mulf %broadcast_in_dim3A_1087, %mul3A_1088 : vector<256x1xf32>
    %sqrt3A_1090 = math.sqrt %mul3A_1089 : vector<256x1xf32>
    %neg3A_1091 = arith.constant 0.000000e+00 : f32
    %neg3A_1092 = vector.broadcast %neg3A_1091 : f32 to vector<256x1xf32>
    %neg3A_1093 = arith.subf %neg3A_1092, %sqrt3A_1090 : vector<256x1xf32>
    %convert_element_type3A_1094 = arith.truncf %neg3A_1093 : vector<256x1xf32> to vector<256x1xbf16>
    %concatenate3A_1095 = tpu.concatenate %get3A_1082, %convert_element_type3A_1094 in 1 : vector<256x32xbf16>, vector<256x1xbf16> -> vector<256x33xbf16>
    %dot_general3A_1096 = arith.constant dense<0.000000e+00> : vector<256x2048xf32>
    %dot_general3A_1097 = tpu.matmul %concatenate3A_1095, %get3A_1067, %dot_general3A_1096 {dimension_numbers = #tpu.dot_dimension_numbers<[1], [1], [0], [0], [0, 0, 1, 0], [], []>, transpose_lhs_hint = false} : vector<256x33xbf16>, vector<2048x33xbf16>, vector<256x2048xf32> -> vector<256x2048xf32>
    %convert_element_type3A_1098 = arith.truncf %dot_general3A_1097 : vector<256x2048xf32> to vector<256x2048xbf16>
    %exp23A_1099 = math.exp2 %convert_element_type3A_1098 : vector<256x2048xbf16>
    %get3A_1100 = arith.constant 3 : index
    %get3A_1101 = arith.constant 0 : index
    %get3A_1102 = arith.constant 0 : index
    %get3A_1103 = vector.load %arg4[%get3A_1100, %get3A_1101, %get3A_1102] : memref<4x2048x33xbf16, #tpu.memory_space<vmem>>, vector<1x2048x33xbf16>
    %get3A_1104 = vector.shape_cast %get3A_1103 : vector<1x2048x33xbf16> to vector<2048x33xbf16>
    %dot_general3A_1105 = arith.constant dense<0.000000e+00> : vector<256x33xf32>
    %dot_general3A_1106 = tpu.matmul %exp23A_1099, %get3A_1104, %dot_general3A_1105 {dimension_numbers = #tpu.dot_dimension_numbers<[1], [0], [0], [1], [0, 0, 1, 1], [], []>, transpose_lhs_hint = false} : vector<256x2048xbf16>, vector<2048x33xbf16>, vector<256x33xf32> -> vector<256x33xf32>
    %slice3A_1107 = vector.extract_strided_slice %dot_general3A_1106 {offsets = [0, 32], sizes = [256, 1], strides = [1, 1]} : vector<256x33xf32> to vector<256x1xf32>
    %slice3A_1108 = vector.extract_strided_slice %dot_general3A_1106 {offsets = [0, 0], sizes = [256, 32], strides = [1, 1]} : vector<256x33xf32> to vector<256x32xf32>
    %div3A_1109 = arith.constant 1.000000e+00 : f32
    %div3A_1110 = vector.broadcast %div3A_1109 : f32 to vector<256x1xf32>
    %div3A_1111 = arith.divf %div3A_1110, %slice3A_1107 : vector<256x1xf32>
    %mul3A_1112 = vector.broadcast %div3A_1111 : vector<256x1xf32> to vector<256x32xf32>
    %mul3A_1113 = arith.mulf %slice3A_1108, %mul3A_1112 : vector<256x32xf32>
    %convert_element_type3A_1114 = arith.truncf %mul3A_1113 : vector<256x32xf32> to vector<256x32xbf16>
    %swap3A_1115 = arith.constant 3 : index
    %swap3A_1116 = arith.constant 0 : index
    %swap3A_1117 = arith.constant 0 : index
    %swap3A_1118 = vector.load %arg5[%swap3A_1115, %swap3A_1116, %swap3A_1117] : memref<4x2048x32xbf16, #tpu.memory_space<vmem>>, vector<1x256x32xbf16>
    %swap3A_1119 = vector.shape_cast %swap3A_1118 : vector<1x256x32xbf16> to vector<256x32xbf16>
    %swap3A_1120 = vector.shape_cast %convert_element_type3A_1114 : vector<256x32xbf16> to vector<1x256x32xbf16>
    tpu.vector_store %arg5[%swap3A_1115, %swap3A_1116, %swap3A_1117], %swap3A_1120 {strides = array<i32>} : memref<4x2048x32xbf16, #tpu.memory_space<vmem>>, vector<1x256x32xbf16>,
    %get3A_1121 = arith.constant 3 : index
    %get3A_1122 = arith.constant 256 : index
    %get3A_1123 = arith.constant 0 : index
    %get3A_1124 = vector.load %arg2[%get3A_1121, %get3A_1122, %get3A_1123] : memref<4x2048x32xbf16, #tpu.memory_space<vmem>>, vector<1x256x32xbf16>
    %get3A_1125 = vector.shape_cast %get3A_1124 : vector<1x256x32xbf16> to vector<256x32xbf16>
    %convert_element_type3A_1126 = arith.extf %get3A_1125 : vector<256x32xbf16> to vector<256x32xf32>
    %mul3A_1127 = arith.mulf %convert_element_type3A_1126, %convert_element_type3A_1126 : vector<256x32xf32>
    %reduce_sum3A_1128 = arith.constant dense<0.000000e+00> : vector<256xf32>
    %reduce_sum3A_1129 = vector.multi_reduction <add>, %mul3A_1127, %reduce_sum3A_1128 [1] : vector<256x32xf32> to vector<256xf32>
    %broadcast_in_dim3A_1130 = vector.shape_cast %reduce_sum3A_1129 : vector<256xf32> to vector<256x1xf32>
    %mul3A_1131 = vector.broadcast %reduce_max3A_1077 : f32 to vector<256x1xf32>
    %mul3A_1132 = arith.mulf %broadcast_in_dim3A_1130, %mul3A_1131 : vector<256x1xf32>
    %sqrt3A_1133 = math.sqrt %mul3A_1132 : vector<256x1xf32>
    %neg3A_1134 = arith.constant 0.000000e+00 : f32
    %neg3A_1135 = vector.broadcast %neg3A_1134 : f32 to vector<256x1xf32>
    %neg3A_1136 = arith.subf %neg3A_1135, %sqrt3A_1133 : vector<256x1xf32>
    %convert_element_type3A_1137 = arith.truncf %neg3A_1136 : vector<256x1xf32> to vector<256x1xbf16>
    %concatenate3A_1138 = tpu.concatenate %get3A_1125, %convert_element_type3A_1137 in 1 : vector<256x32xbf16>, vector<256x1xbf16> -> vector<256x33xbf16>
    %dot_general3A_1139 = arith.constant dense<0.000000e+00> : vector<256x2048xf32>
    %dot_general3A_1140 = tpu.matmul %concatenate3A_1138, %get3A_1067, %dot_general3A_1139 {dimension_numbers = #tpu.dot_dimension_numbers<[1], [1], [0], [0], [0, 0, 1, 0], [], []>, transpose_lhs_hint = false} : vector<256x33xbf16>, vector<2048x33xbf16>, vector<256x2048xf32> -> vector<256x2048xf32>
    %convert_element_type3A_1141 = arith.truncf %dot_general3A_1140 : vector<256x2048xf32> to vector<256x2048xbf16>
    %exp23A_1142 = math.exp2 %convert_element_type3A_1141 : vector<256x2048xbf16>
    %get3A_1143 = arith.constant 3 : index
    %get3A_1144 = arith.constant 0 : index
    %get3A_1145 = arith.constant 0 : index
    %get3A_1146 = vector.load %arg4[%get3A_1143, %get3A_1144, %get3A_1145] : memref<4x2048x33xbf16, #tpu.memory_space<vmem>>, vector<1x2048x33xbf16>
    %get3A_1147 = vector.shape_cast %get3A_1146 : vector<1x2048x33xbf16> to vector<2048x33xbf16>
    %dot_general3A_1148 = arith.constant dense<0.000000e+00> : vector<256x33xf32>
    %dot_general3A_1149 = tpu.matmul %exp23A_1142, %get3A_1147, %dot_general3A_1148 {dimension_numbers = #tpu.dot_dimension_numbers<[1], [0], [0], [1], [0, 0, 1, 1], [], []>, transpose_lhs_hint = false} : vector<256x2048xbf16>, vector<2048x33xbf16>, vector<256x33xf32> -> vector<256x33xf32>
    %slice3A_1150 = vector.extract_strided_slice %dot_general3A_1149 {offsets = [0, 32], sizes = [256, 1], strides = [1, 1]} : vector<256x33xf32> to vector<256x1xf32>
    %slice3A_1151 = vector.extract_strided_slice %dot_general3A_1149 {offsets = [0, 0], sizes = [256, 32], strides = [1, 1]} : vector<256x33xf32> to vector<256x32xf32>
    %div3A_1152 = arith.constant 1.000000e+00 : f32
    %div3A_1153 = vector.broadcast %div3A_1152 : f32 to vector<256x1xf32>
    %div3A_1154 = arith.divf %div3A_1153, %slice3A_1150 : vector<256x1xf32>
    %mul3A_1155 = vector.broadcast %div3A_1154 : vector<256x1xf32> to vector<256x32xf32>
    %mul3A_1156 = arith.mulf %slice3A_1151, %mul3A_1155 : vector<256x32xf32>
    %convert_element_type3A_1157 = arith.truncf %mul3A_1156 : vector<256x32xf32> to vector<256x32xbf16>
    %swap3A_1158 = arith.constant 3 : index
    %swap3A_1159 = arith.constant 256 : index
    %swap3A_1160 = arith.constant 0 : index
    %swap3A_1161 = vector.load %arg5[%swap3A_1158, %swap3A_1159, %swap3A_1160] : memref<4x2048x32xbf16, #tpu.memory_space<vmem>>, vector<1x256x32xbf16>
    %swap3A_1162 = vector.shape_cast %swap3A_1161 : vector<1x256x32xbf16> to vector<256x32xbf16>
    %swap3A_1163 = vector.shape_cast %convert_element_type3A_1157 : vector<256x32xbf16> to vector<1x256x32xbf16>
    tpu.vector_store %arg5[%swap3A_1158, %swap3A_1159, %swap3A_1160], %swap3A_1163 {strides = array<i32>} : memref<4x2048x32xbf16, #tpu.memory_space<vmem>>, vector<1x256x32xbf16>,
    %get3A_1164 = arith.constant 3 : index
    %get3A_1165 = arith.constant 512 : index
    %get3A_1166 = arith.constant 0 : index
    %get3A_1167 = vector.load %arg2[%get3A_1164, %get3A_1165, %get3A_1166] : memref<4x2048x32xbf16, #tpu.memory_space<vmem>>, vector<1x256x32xbf16>
    %get3A_1168 = vector.shape_cast %get3A_1167 : vector<1x256x32xbf16> to vector<256x32xbf16>
    %convert_element_type3A_1169 = arith.extf %get3A_1168 : vector<256x32xbf16> to vector<256x32xf32>
    %mul3A_1170 = arith.mulf %convert_element_type3A_1169, %convert_element_type3A_1169 : vector<256x32xf32>
    %reduce_sum3A_1171 = arith.constant dense<0.000000e+00> : vector<256xf32>
    %reduce_sum3A_1172 = vector.multi_reduction <add>, %mul3A_1170, %reduce_sum3A_1171 [1] : vector<256x32xf32> to vector<256xf32>
    %broadcast_in_dim3A_1173 = vector.shape_cast %reduce_sum3A_1172 : vector<256xf32> to vector<256x1xf32>
    %mul3A_1174 = vector.broadcast %reduce_max3A_1077 : f32 to vector<256x1xf32>
    %mul3A_1175 = arith.mulf %broadcast_in_dim3A_1173, %mul3A_1174 : vector<256x1xf32>
    %sqrt3A_1176 = math.sqrt %mul3A_1175 : vector<256x1xf32>
    %neg3A_1177 = arith.constant 0.000000e+00 : f32
    %neg3A_1178 = vector.broadcast %neg3A_1177 : f32 to vector<256x1xf32>
    %neg3A_1179 = arith.subf %neg3A_1178, %sqrt3A_1176 : vector<256x1xf32>
    %convert_element_type3A_1180 = arith.truncf %neg3A_1179 : vector<256x1xf32> to vector<256x1xbf16>
    %concatenate3A_1181 = tpu.concatenate %get3A_1168, %convert_element_type3A_1180 in 1 : vector<256x32xbf16>, vector<256x1xbf16> -> vector<256x33xbf16>
    %dot_general3A_1182 = arith.constant dense<0.000000e+00> : vector<256x2048xf32>
    %dot_general3A_1183 = tpu.matmul %concatenate3A_1181, %get3A_1067, %dot_general3A_1182 {dimension_numbers = #tpu.dot_dimension_numbers<[1], [1], [0], [0], [0, 0, 1, 0], [], []>, transpose_lhs_hint = false} : vector<256x33xbf16>, vector<2048x33xbf16>, vector<256x2048xf32> -> vector<256x2048xf32>
    %convert_element_type3A_1184 = arith.truncf %dot_general3A_1183 : vector<256x2048xf32> to vector<256x2048xbf16>
    %exp23A_1185 = math.exp2 %convert_element_type3A_1184 : vector<256x2048xbf16>
    %get3A_1186 = arith.constant 3 : index
    %get3A_1187 = arith.constant 0 : index
    %get3A_1188 = arith.constant 0 : index
    %get3A_1189 = vector.load %arg4[%get3A_1186, %get3A_1187, %get3A_1188] : memref<4x2048x33xbf16, #tpu.memory_space<vmem>>, vector<1x2048x33xbf16>
    %get3A_1190 = vector.shape_cast %get3A_1189 : vector<1x2048x33xbf16> to vector<2048x33xbf16>
    %dot_general3A_1191 = arith.constant dense<0.000000e+00> : vector<256x33xf32>
    %dot_general3A_1192 = tpu.matmul %exp23A_1185, %get3A_1190, %dot_general3A_1191 {dimension_numbers = #tpu.dot_dimension_numbers<[1], [0], [0], [1], [0, 0, 1, 1], [], []>, transpose_lhs_hint = false} : vector<256x2048xbf16>, vector<2048x33xbf16>, vector<256x33xf32> -> vector<256x33xf32>
    %slice3A_1193 = vector.extract_strided_slice %dot_general3A_1192 {offsets = [0, 32], sizes = [256, 1], strides = [1, 1]} : vector<256x33xf32> to vector<256x1xf32>
    %slice3A_1194 = vector.extract_strided_slice %dot_general3A_1192 {offsets = [0, 0], sizes = [256, 32], strides = [1, 1]} : vector<256x33xf32> to vector<256x32xf32>
    %div3A_1195 = arith.constant 1.000000e+00 : f32
    %div3A_1196 = vector.broadcast %div3A_1195 : f32 to vector<256x1xf32>
    %div3A_1197 = arith.divf %div3A_1196, %slice3A_1193 : vector<256x1xf32>
    %mul3A_1198 = vector.broadcast %div3A_1197 : vector<256x1xf32> to vector<256x32xf32>
    %mul3A_1199 = arith.mulf %slice3A_1194, %mul3A_1198 : vector<256x32xf32>
    %convert_element_type3A_1200 = arith.truncf %mul3A_1199 : vector<256x32xf32> to vector<256x32xbf16>
    %swap3A_1201 = arith.constant 3 : index
    %swap3A_1202 = arith.constant 512 : index
    %swap3A_1203 = arith.constant 0 : index
    %swap3A_1204 = vector.load %arg5[%swap3A_1201, %swap3A_1202, %swap3A_1203] : memref<4x2048x32xbf16, #tpu.memory_space<vmem>>, vector<1x256x32xbf16>
    %swap3A_1205 = vector.shape_cast %swap3A_1204 : vector<1x256x32xbf16> to vector<256x32xbf16>
    %swap3A_1206 = vector.shape_cast %convert_element_type3A_1200 : vector<256x32xbf16> to vector<1x256x32xbf16>
    tpu.vector_store %arg5[%swap3A_1201, %swap3A_1202, %swap3A_1203], %swap3A_1206 {strides = array<i32>} : memref<4x2048x32xbf16, #tpu.memory_space<vmem>>, vector<1x256x32xbf16>,
    %get3A_1207 = arith.constant 3 : index
    %get3A_1208 = arith.constant 768 : index
    %get3A_1209 = arith.constant 0 : index
    %get3A_1210 = vector.load %arg2[%get3A_1207, %get3A_1208, %get3A_1209] : memref<4x2048x32xbf16, #tpu.memory_space<vmem>>, vector<1x256x32xbf16>
    %get3A_1211 = vector.shape_cast %get3A_1210 : vector<1x256x32xbf16> to vector<256x32xbf16>
    %convert_element_type3A_1212 = arith.extf %get3A_1211 : vector<256x32xbf16> to vector<256x32xf32>
    %mul3A_1213 = arith.mulf %convert_element_type3A_1212, %convert_element_type3A_1212 : vector<256x32xf32>
    %reduce_sum3A_1214 = arith.constant dense<0.000000e+00> : vector<256xf32>
    %reduce_sum3A_1215 = vector.multi_reduction <add>, %mul3A_1213, %reduce_sum3A_1214 [1] : vector<256x32xf32> to vector<256xf32>
    %broadcast_in_dim3A_1216 = vector.shape_cast %reduce_sum3A_1215 : vector<256xf32> to vector<256x1xf32>
    %mul3A_1217 = vector.broadcast %reduce_max3A_1077 : f32 to vector<256x1xf32>
    %mul3A_1218 = arith.mulf %broadcast_in_dim3A_1216, %mul3A_1217 : vector<256x1xf32>
    %sqrt3A_1219 = math.sqrt %mul3A_1218 : vector<256x1xf32>
    %neg3A_1220 = arith.constant 0.000000e+00 : f32
    %neg3A_1221 = vector.broadcast %neg3A_1220 : f32 to vector<256x1xf32>
    %neg3A_1222 = arith.subf %neg3A_1221, %sqrt3A_1219 : vector<256x1xf32>
    %convert_element_type3A_1223 = arith.truncf %neg3A_1222 : vector<256x1xf32> to vector<256x1xbf16>
    %concatenate3A_1224 = tpu.concatenate %get3A_1211, %convert_element_type3A_1223 in 1 : vector<256x32xbf16>, vector<256x1xbf16> -> vector<256x33xbf16>
    %dot_general3A_1225 = arith.constant dense<0.000000e+00> : vector<256x2048xf32>
    %dot_general3A_1226 = tpu.matmul %concatenate3A_1224, %get3A_1067, %dot_general3A_1225 {dimension_numbers = #tpu.dot_dimension_numbers<[1], [1], [0], [0], [0, 0, 1, 0], [], []>, transpose_lhs_hint = false} : vector<256x33xbf16>, vector<2048x33xbf16>, vector<256x2048xf32> -> vector<256x2048xf32>
    %convert_element_type3A_1227 = arith.truncf %dot_general3A_1226 : vector<256x2048xf32> to vector<256x2048xbf16>
    %exp23A_1228 = math.exp2 %convert_element_type3A_1227 : vector<256x2048xbf16>
    %get3A_1229 = arith.constant 3 : index
    %get3A_1230 = arith.constant 0 : index
    %get3A_1231 = arith.constant 0 : index
    %get3A_1232 = vector.load %arg4[%get3A_1229, %get3A_1230, %get3A_1231] : memref<4x2048x33xbf16, #tpu.memory_space<vmem>>, vector<1x2048x33xbf16>
    %get3A_1233 = vector.shape_cast %get3A_1232 : vector<1x2048x33xbf16> to vector<2048x33xbf16>
    %dot_general3A_1234 = arith.constant dense<0.000000e+00> : vector<256x33xf32>
    %dot_general3A_1235 = tpu.matmul %exp23A_1228, %get3A_1233, %dot_general3A_1234 {dimension_numbers = #tpu.dot_dimension_numbers<[1], [0], [0], [1], [0, 0, 1, 1], [], []>, transpose_lhs_hint = false} : vector<256x2048xbf16>, vector<2048x33xbf16>, vector<256x33xf32> -> vector<256x33xf32>
    %slice3A_1236 = vector.extract_strided_slice %dot_general3A_1235 {offsets = [0, 32], sizes = [256, 1], strides = [1, 1]} : vector<256x33xf32> to vector<256x1xf32>
    %slice3A_1237 = vector.extract_strided_slice %dot_general3A_1235 {offsets = [0, 0], sizes = [256, 32], strides = [1, 1]} : vector<256x33xf32> to vector<256x32xf32>
    %div3A_1238 = arith.constant 1.000000e+00 : f32
    %div3A_1239 = vector.broadcast %div3A_1238 : f32 to vector<256x1xf32>
    %div3A_1240 = arith.divf %div3A_1239, %slice3A_1236 : vector<256x1xf32>
    %mul3A_1241 = vector.broadcast %div3A_1240 : vector<256x1xf32> to vector<256x32xf32>
    %mul3A_1242 = arith.mulf %slice3A_1237, %mul3A_1241 : vector<256x32xf32>
    %convert_element_type3A_1243 = arith.truncf %mul3A_1242 : vector<256x32xf32> to vector<256x32xbf16>
    %swap3A_1244 = arith.constant 3 : index
    %swap3A_1245 = arith.constant 768 : index
    %swap3A_1246 = arith.constant 0 : index
    %swap3A_1247 = vector.load %arg5[%swap3A_1244, %swap3A_1245, %swap3A_1246] : memref<4x2048x32xbf16, #tpu.memory_space<vmem>>, vector<1x256x32xbf16>
    %swap3A_1248 = vector.shape_cast %swap3A_1247 : vector<1x256x32xbf16> to vector<256x32xbf16>
    %swap3A_1249 = vector.shape_cast %convert_element_type3A_1243 : vector<256x32xbf16> to vector<1x256x32xbf16>
    tpu.vector_store %arg5[%swap3A_1244, %swap3A_1245, %swap3A_1246], %swap3A_1249 {strides = array<i32>} : memref<4x2048x32xbf16, #tpu.memory_space<vmem>>, vector<1x256x32xbf16>,
    %get3A_1250 = arith.constant 3 : index
    %get3A_1251 = arith.constant 1024 : index
    %get3A_1252 = arith.constant 0 : index
    %get3A_1253 = vector.load %arg2[%get3A_1250, %get3A_1251, %get3A_1252] : memref<4x2048x32xbf16, #tpu.memory_space<vmem>>, vector<1x256x32xbf16>
    %get3A_1254 = vector.shape_cast %get3A_1253 : vector<1x256x32xbf16> to vector<256x32xbf16>
    %convert_element_type3A_1255 = arith.extf %get3A_1254 : vector<256x32xbf16> to vector<256x32xf32>
    %mul3A_1256 = arith.mulf %convert_element_type3A_1255, %convert_element_type3A_1255 : vector<256x32xf32>
    %reduce_sum3A_1257 = arith.constant dense<0.000000e+00> : vector<256xf32>
    %reduce_sum3A_1258 = vector.multi_reduction <add>, %mul3A_1256, %reduce_sum3A_1257 [1] : vector<256x32xf32> to vector<256xf32>
    %broadcast_in_dim3A_1259 = vector.shape_cast %reduce_sum3A_1258 : vector<256xf32> to vector<256x1xf32>
    %mul3A_1260 = vector.broadcast %reduce_max3A_1077 : f32 to vector<256x1xf32>
    %mul3A_1261 = arith.mulf %broadcast_in_dim3A_1259, %mul3A_1260 : vector<256x1xf32>
    %sqrt3A_1262 = math.sqrt %mul3A_1261 : vector<256x1xf32>
    %neg3A_1263 = arith.constant 0.000000e+00 : f32
    %neg3A_1264 = vector.broadcast %neg3A_1263 : f32 to vector<256x1xf32>
    %neg3A_1265 = arith.subf %neg3A_1264, %sqrt3A_1262 : vector<256x1xf32>
    %convert_element_type3A_1266 = arith.truncf %neg3A_1265 : vector<256x1xf32> to vector<256x1xbf16>
    %concatenate3A_1267 = tpu.concatenate %get3A_1254, %convert_element_type3A_1266 in 1 : vector<256x32xbf16>, vector<256x1xbf16> -> vector<256x33xbf16>
    %dot_general3A_1268 = arith.constant dense<0.000000e+00> : vector<256x2048xf32>
    %dot_general3A_1269 = tpu.matmul %concatenate3A_1267, %get3A_1067, %dot_general3A_1268 {dimension_numbers = #tpu.dot_dimension_numbers<[1], [1], [0], [0], [0, 0, 1, 0], [], []>, transpose_lhs_hint = false} : vector<256x33xbf16>, vector<2048x33xbf16>, vector<256x2048xf32> -> vector<256x2048xf32>
    %convert_element_type3A_1270 = arith.truncf %dot_general3A_1269 : vector<256x2048xf32> to vector<256x2048xbf16>
    %exp23A_1271 = math.exp2 %convert_element_type3A_1270 : vector<256x2048xbf16>
    %get3A_1272 = arith.constant 3 : index
    %get3A_1273 = arith.constant 0 : index
    %get3A_1274 = arith.constant 0 : index
    %get3A_1275 = vector.load %arg4[%get3A_1272, %get3A_1273, %get3A_1274] : memref<4x2048x33xbf16, #tpu.memory_space<vmem>>, vector<1x2048x33xbf16>
    %get3A_1276 = vector.shape_cast %get3A_1275 : vector<1x2048x33xbf16> to vector<2048x33xbf16>
    %dot_general3A_1277 = arith.constant dense<0.000000e+00> : vector<256x33xf32>
    %dot_general3A_1278 = tpu.matmul %exp23A_1271, %get3A_1276, %dot_general3A_1277 {dimension_numbers = #tpu.dot_dimension_numbers<[1], [0], [0], [1], [0, 0, 1, 1], [], []>, transpose_lhs_hint = false} : vector<256x2048xbf16>, vector<2048x33xbf16>, vector<256x33xf32> -> vector<256x33xf32>
    %slice3A_1279 = vector.extract_strided_slice %dot_general3A_1278 {offsets = [0, 32], sizes = [256, 1], strides = [1, 1]} : vector<256x33xf32> to vector<256x1xf32>
    %slice3A_1280 = vector.extract_strided_slice %dot_general3A_1278 {offsets = [0, 0], sizes = [256, 32], strides = [1, 1]} : vector<256x33xf32> to vector<256x32xf32>
    %div3A_1281 = arith.constant 1.000000e+00 : f32
    %div3A_1282 = vector.broadcast %div3A_1281 : f32 to vector<256x1xf32>
    %div3A_1283 = arith.divf %div3A_1282, %slice3A_1279 : vector<256x1xf32>
    %mul3A_1284 = vector.broadcast %div3A_1283 : vector<256x1xf32> to vector<256x32xf32>
    %mul3A_1285 = arith.mulf %slice3A_1280, %mul3A_1284 : vector<256x32xf32>
    %convert_element_type3A_1286 = arith.truncf %mul3A_1285 : vector<256x32xf32> to vector<256x32xbf16>
    %swap3A_1287 = arith.constant 3 : index
    %swap3A_1288 = arith.constant 1024 : index
    %swap3A_1289 = arith.constant 0 : index
    %swap3A_1290 = vector.load %arg5[%swap3A_1287, %swap3A_1288, %swap3A_1289] : memref<4x2048x32xbf16, #tpu.memory_space<vmem>>, vector<1x256x32xbf16>
    %swap3A_1291 = vector.shape_cast %swap3A_1290 : vector<1x256x32xbf16> to vector<256x32xbf16>
    %swap3A_1292 = vector.shape_cast %convert_element_type3A_1286 : vector<256x32xbf16> to vector<1x256x32xbf16>
    tpu.vector_store %arg5[%swap3A_1287, %swap3A_1288, %swap3A_1289], %swap3A_1292 {strides = array<i32>} : memref<4x2048x32xbf16, #tpu.memory_space<vmem>>, vector<1x256x32xbf16>,
    %get3A_1293 = arith.constant 3 : index
    %get3A_1294 = arith.constant 1280 : index
    %get3A_1295 = arith.constant 0 : index
    %get3A_1296 = vector.load %arg2[%get3A_1293, %get3A_1294, %get3A_1295] : memref<4x2048x32xbf16, #tpu.memory_space<vmem>>, vector<1x256x32xbf16>
    %get3A_1297 = vector.shape_cast %get3A_1296 : vector<1x256x32xbf16> to vector<256x32xbf16>
    %convert_element_type3A_1298 = arith.extf %get3A_1297 : vector<256x32xbf16> to vector<256x32xf32>
    %mul3A_1299 = arith.mulf %convert_element_type3A_1298, %convert_element_type3A_1298 : vector<256x32xf32>
    %reduce_sum3A_1300 = arith.constant dense<0.000000e+00> : vector<256xf32>
    %reduce_sum3A_1301 = vector.multi_reduction <add>, %mul3A_1299, %reduce_sum3A_1300 [1] : vector<256x32xf32> to vector<256xf32>
    %broadcast_in_dim3A_1302 = vector.shape_cast %reduce_sum3A_1301 : vector<256xf32> to vector<256x1xf32>
    %mul3A_1303 = vector.broadcast %reduce_max3A_1077 : f32 to vector<256x1xf32>
    %mul3A_1304 = arith.mulf %broadcast_in_dim3A_1302, %mul3A_1303 : vector<256x1xf32>
    %sqrt3A_1305 = math.sqrt %mul3A_1304 : vector<256x1xf32>
    %neg3A_1306 = arith.constant 0.000000e+00 : f32
    %neg3A_1307 = vector.broadcast %neg3A_1306 : f32 to vector<256x1xf32>
    %neg3A_1308 = arith.subf %neg3A_1307, %sqrt3A_1305 : vector<256x1xf32>
    %convert_element_type3A_1309 = arith.truncf %neg3A_1308 : vector<256x1xf32> to vector<256x1xbf16>
    %concatenate3A_1310 = tpu.concatenate %get3A_1297, %convert_element_type3A_1309 in 1 : vector<256x32xbf16>, vector<256x1xbf16> -> vector<256x33xbf16>
    %dot_general3A_1311 = arith.constant dense<0.000000e+00> : vector<256x2048xf32>
    %dot_general3A_1312 = tpu.matmul %concatenate3A_1310, %get3A_1067, %dot_general3A_1311 {dimension_numbers = #tpu.dot_dimension_numbers<[1], [1], [0], [0], [0, 0, 1, 0], [], []>, transpose_lhs_hint = false} : vector<256x33xbf16>, vector<2048x33xbf16>, vector<256x2048xf32> -> vector<256x2048xf32>
    %convert_element_type3A_1313 = arith.truncf %dot_general3A_1312 : vector<256x2048xf32> to vector<256x2048xbf16>
    %exp23A_1314 = math.exp2 %convert_element_type3A_1313 : vector<256x2048xbf16>
    %get3A_1315 = arith.constant 3 : index
    %get3A_1316 = arith.constant 0 : index
    %get3A_1317 = arith.constant 0 : index
    %get3A_1318 = vector.load %arg4[%get3A_1315, %get3A_1316, %get3A_1317] : memref<4x2048x33xbf16, #tpu.memory_space<vmem>>, vector<1x2048x33xbf16>
    %get3A_1319 = vector.shape_cast %get3A_1318 : vector<1x2048x33xbf16> to vector<2048x33xbf16>
    %dot_general3A_1320 = arith.constant dense<0.000000e+00> : vector<256x33xf32>
    %dot_general3A_1321 = tpu.matmul %exp23A_1314, %get3A_1319, %dot_general3A_1320 {dimension_numbers = #tpu.dot_dimension_numbers<[1], [0], [0], [1], [0, 0, 1, 1], [], []>, transpose_lhs_hint = false} : vector<256x2048xbf16>, vector<2048x33xbf16>, vector<256x33xf32> -> vector<256x33xf32>
    %slice3A_1322 = vector.extract_strided_slice %dot_general3A_1321 {offsets = [0, 32], sizes = [256, 1], strides = [1, 1]} : vector<256x33xf32> to vector<256x1xf32>
    %slice3A_1323 = vector.extract_strided_slice %dot_general3A_1321 {offsets = [0, 0], sizes = [256, 32], strides = [1, 1]} : vector<256x33xf32> to vector<256x32xf32>
    %div3A_1324 = arith.constant 1.000000e+00 : f32
    %div3A_1325 = vector.broadcast %div3A_1324 : f32 to vector<256x1xf32>
    %div3A_1326 = arith.divf %div3A_1325, %slice3A_1322 : vector<256x1xf32>
    %mul3A_1327 = vector.broadcast %div3A_1326 : vector<256x1xf32> to vector<256x32xf32>
    %mul3A_1328 = arith.mulf %slice3A_1323, %mul3A_1327 : vector<256x32xf32>
    %convert_element_type3A_1329 = arith.truncf %mul3A_1328 : vector<256x32xf32> to vector<256x32xbf16>
    %swap3A_1330 = arith.constant 3 : index
    %swap3A_1331 = arith.constant 1280 : index
    %swap3A_1332 = arith.constant 0 : index
    %swap3A_1333 = vector.load %arg5[%swap3A_1330, %swap3A_1331, %swap3A_1332] : memref<4x2048x32xbf16, #tpu.memory_space<vmem>>, vector<1x256x32xbf16>
    %swap3A_1334 = vector.shape_cast %swap3A_1333 : vector<1x256x32xbf16> to vector<256x32xbf16>
    %swap3A_1335 = vector.shape_cast %convert_element_type3A_1329 : vector<256x32xbf16> to vector<1x256x32xbf16>
    tpu.vector_store %arg5[%swap3A_1330, %swap3A_1331, %swap3A_1332], %swap3A_1335 {strides = array<i32>} : memref<4x2048x32xbf16, #tpu.memory_space<vmem>>, vector<1x256x32xbf16>,
    %get3A_1336 = arith.constant 3 : index
    %get3A_1337 = arith.constant 1536 : index
    %get3A_1338 = arith.constant 0 : index
    %get3A_1339 = vector.load %arg2[%get3A_1336, %get3A_1337, %get3A_1338] : memref<4x2048x32xbf16, #tpu.memory_space<vmem>>, vector<1x256x32xbf16>
    %get3A_1340 = vector.shape_cast %get3A_1339 : vector<1x256x32xbf16> to vector<256x32xbf16>
    %convert_element_type3A_1341 = arith.extf %get3A_1340 : vector<256x32xbf16> to vector<256x32xf32>
    %mul3A_1342 = arith.mulf %convert_element_type3A_1341, %convert_element_type3A_1341 : vector<256x32xf32>
    %reduce_sum3A_1343 = arith.constant dense<0.000000e+00> : vector<256xf32>
    %reduce_sum3A_1344 = vector.multi_reduction <add>, %mul3A_1342, %reduce_sum3A_1343 [1] : vector<256x32xf32> to vector<256xf32>
    %broadcast_in_dim3A_1345 = vector.shape_cast %reduce_sum3A_1344 : vector<256xf32> to vector<256x1xf32>
    %mul3A_1346 = vector.broadcast %reduce_max3A_1077 : f32 to vector<256x1xf32>
    %mul3A_1347 = arith.mulf %broadcast_in_dim3A_1345, %mul3A_1346 : vector<256x1xf32>
    %sqrt3A_1348 = math.sqrt %mul3A_1347 : vector<256x1xf32>
    %neg3A_1349 = arith.constant 0.000000e+00 : f32
    %neg3A_1350 = vector.broadcast %neg3A_1349 : f32 to vector<256x1xf32>
    %neg3A_1351 = arith.subf %neg3A_1350, %sqrt3A_1348 : vector<256x1xf32>
    %convert_element_type3A_1352 = arith.truncf %neg3A_1351 : vector<256x1xf32> to vector<256x1xbf16>
    %concatenate3A_1353 = tpu.concatenate %get3A_1340, %convert_element_type3A_1352 in 1 : vector<256x32xbf16>, vector<256x1xbf16> -> vector<256x33xbf16>
    %dot_general3A_1354 = arith.constant dense<0.000000e+00> : vector<256x2048xf32>
    %dot_general3A_1355 = tpu.matmul %concatenate3A_1353, %get3A_1067, %dot_general3A_1354 {dimension_numbers = #tpu.dot_dimension_numbers<[1], [1], [0], [0], [0, 0, 1, 0], [], []>, transpose_lhs_hint = false} : vector<256x33xbf16>, vector<2048x33xbf16>, vector<256x2048xf32> -> vector<256x2048xf32>
    %convert_element_type3A_1356 = arith.truncf %dot_general3A_1355 : vector<256x2048xf32> to vector<256x2048xbf16>
    %exp23A_1357 = math.exp2 %convert_element_type3A_1356 : vector<256x2048xbf16>
    %get3A_1358 = arith.constant 3 : index
    %get3A_1359 = arith.constant 0 : index
    %get3A_1360 = arith.constant 0 : index
    %get3A_1361 = vector.load %arg4[%get3A_1358, %get3A_1359, %get3A_1360] : memref<4x2048x33xbf16, #tpu.memory_space<vmem>>, vector<1x2048x33xbf16>
    %get3A_1362 = vector.shape_cast %get3A_1361 : vector<1x2048x33xbf16> to vector<2048x33xbf16>
    %dot_general3A_1363 = arith.constant dense<0.000000e+00> : vector<256x33xf32>
    %dot_general3A_1364 = tpu.matmul %exp23A_1357, %get3A_1362, %dot_general3A_1363 {dimension_numbers = #tpu.dot_dimension_numbers<[1], [0], [0], [1], [0, 0, 1, 1], [], []>, transpose_lhs_hint = false} : vector<256x2048xbf16>, vector<2048x33xbf16>, vector<256x33xf32> -> vector<256x33xf32>
    %slice3A_1365 = vector.extract_strided_slice %dot_general3A_1364 {offsets = [0, 32], sizes = [256, 1], strides = [1, 1]} : vector<256x33xf32> to vector<256x1xf32>
    %slice3A_1366 = vector.extract_strided_slice %dot_general3A_1364 {offsets = [0, 0], sizes = [256, 32], strides = [1, 1]} : vector<256x33xf32> to vector<256x32xf32>
    %div3A_1367 = arith.constant 1.000000e+00 : f32
    %div3A_1368 = vector.broadcast %div3A_1367 : f32 to vector<256x1xf32>
    %div3A_1369 = arith.divf %div3A_1368, %slice3A_1365 : vector<256x1xf32>
    %mul3A_1370 = vector.broadcast %div3A_1369 : vector<256x1xf32> to vector<256x32xf32>
    %mul3A_1371 = arith.mulf %slice3A_1366, %mul3A_1370 : vector<256x32xf32>
    %convert_element_type3A_1372 = arith.truncf %mul3A_1371 : vector<256x32xf32> to vector<256x32xbf16>
    %swap3A_1373 = arith.constant 3 : index
    %swap3A_1374 = arith.constant 1536 : index
    %swap3A_1375 = arith.constant 0 : index
    %swap3A_1376 = vector.load %arg5[%swap3A_1373, %swap3A_1374, %swap3A_1375] : memref<4x2048x32xbf16, #tpu.memory_space<vmem>>, vector<1x256x32xbf16>
    %swap3A_1377 = vector.shape_cast %swap3A_1376 : vector<1x256x32xbf16> to vector<256x32xbf16>
    %swap3A_1378 = vector.shape_cast %convert_element_type3A_1372 : vector<256x32xbf16> to vector<1x256x32xbf16>
    tpu.vector_store %arg5[%swap3A_1373, %swap3A_1374, %swap3A_1375], %swap3A_1378 {strides = array<i32>} : memref<4x2048x32xbf16, #tpu.memory_space<vmem>>, vector<1x256x32xbf16>,
    %get3A_1379 = arith.constant 3 : index
    %get3A_1380 = arith.constant 1792 : index
    %get3A_1381 = arith.constant 0 : index
    %get3A_1382 = vector.load %arg2[%get3A_1379, %get3A_1380, %get3A_1381] : memref<4x2048x32xbf16, #tpu.memory_space<vmem>>, vector<1x256x32xbf16>
    %get3A_1383 = vector.shape_cast %get3A_1382 : vector<1x256x32xbf16> to vector<256x32xbf16>
    %convert_element_type3A_1384 = arith.extf %get3A_1383 : vector<256x32xbf16> to vector<256x32xf32>
    %mul3A_1385 = arith.mulf %convert_element_type3A_1384, %convert_element_type3A_1384 : vector<256x32xf32>
    %reduce_sum3A_1386 = arith.constant dense<0.000000e+00> : vector<256xf32>
    %reduce_sum3A_1387 = vector.multi_reduction <add>, %mul3A_1385, %reduce_sum3A_1386 [1] : vector<256x32xf32> to vector<256xf32>
    %broadcast_in_dim3A_1388 = vector.shape_cast %reduce_sum3A_1387 : vector<256xf32> to vector<256x1xf32>
    %mul3A_1389 = vector.broadcast %reduce_max3A_1077 : f32 to vector<256x1xf32>
    %mul3A_1390 = arith.mulf %broadcast_in_dim3A_1388, %mul3A_1389 : vector<256x1xf32>
    %sqrt3A_1391 = math.sqrt %mul3A_1390 : vector<256x1xf32>
    %neg3A_1392 = arith.constant 0.000000e+00 : f32
    %neg3A_1393 = vector.broadcast %neg3A_1392 : f32 to vector<256x1xf32>
    %neg3A_1394 = arith.subf %neg3A_1393, %sqrt3A_1391 : vector<256x1xf32>
    %convert_element_type3A_1395 = arith.truncf %neg3A_1394 : vector<256x1xf32> to vector<256x1xbf16>
    %concatenate3A_1396 = tpu.concatenate %get3A_1383, %convert_element_type3A_1395 in 1 : vector<256x32xbf16>, vector<256x1xbf16> -> vector<256x33xbf16>
    %dot_general3A_1397 = arith.constant dense<0.000000e+00> : vector<256x2048xf32>
    %dot_general3A_1398 = tpu.matmul %concatenate3A_1396, %get3A_1067, %dot_general3A_1397 {dimension_numbers = #tpu.dot_dimension_numbers<[1], [1], [0], [0], [0, 0, 1, 0], [], []>, transpose_lhs_hint = false} : vector<256x33xbf16>, vector<2048x33xbf16>, vector<256x2048xf32> -> vector<256x2048xf32>
    %convert_element_type3A_1399 = arith.truncf %dot_general3A_1398 : vector<256x2048xf32> to vector<256x2048xbf16>
    %exp23A_1400 = math.exp2 %convert_element_type3A_1399 : vector<256x2048xbf16>
    %get3A_1401 = arith.constant 3 : index
    %get3A_1402 = arith.constant 0 : index
    %get3A_1403 = arith.constant 0 : index
    %get3A_1404 = vector.load %arg4[%get3A_1401, %get3A_1402, %get3A_1403] : memref<4x2048x33xbf16, #tpu.memory_space<vmem>>, vector<1x2048x33xbf16>
    %get3A_1405 = vector.shape_cast %get3A_1404 : vector<1x2048x33xbf16> to vector<2048x33xbf16>
    %dot_general3A_1406 = arith.constant dense<0.000000e+00> : vector<256x33xf32>
    %dot_general3A_1407 = tpu.matmul %exp23A_1400, %get3A_1405, %dot_general3A_1406 {dimension_numbers = #tpu.dot_dimension_numbers<[1], [0], [0], [1], [0, 0, 1, 1], [], []>, transpose_lhs_hint = false} : vector<256x2048xbf16>, vector<2048x33xbf16>, vector<256x33xf32> -> vector<256x33xf32>
    %slice3A_1408 = vector.extract_strided_slice %dot_general3A_1407 {offsets = [0, 32], sizes = [256, 1], strides = [1, 1]} : vector<256x33xf32> to vector<256x1xf32>
    %slice3A_1409 = vector.extract_strided_slice %dot_general3A_1407 {offsets = [0, 0], sizes = [256, 32], strides = [1, 1]} : vector<256x33xf32> to vector<256x32xf32>
    %div3A_1410 = arith.constant 1.000000e+00 : f32
    %div3A_1411 = vector.broadcast %div3A_1410 : f32 to vector<256x1xf32>
    %div3A_1412 = arith.divf %div3A_1411, %slice3A_1408 : vector<256x1xf32>
    %mul3A_1413 = vector.broadcast %div3A_1412 : vector<256x1xf32> to vector<256x32xf32>
    %mul3A_1414 = arith.mulf %slice3A_1409, %mul3A_1413 : vector<256x32xf32>
    %convert_element_type3A_1415 = arith.truncf %mul3A_1414 : vector<256x32xf32> to vector<256x32xbf16>
    %swap3A_1416 = arith.constant 3 : index
    %swap3A_1417 = arith.constant 1792 : index
    %swap3A_1418 = arith.constant 0 : index
    %swap3A_1419 = vector.load %arg5[%swap3A_1416, %swap3A_1417, %swap3A_1418] : memref<4x2048x32xbf16, #tpu.memory_space<vmem>>, vector<1x256x32xbf16>
    %swap3A_1420 = vector.shape_cast %swap3A_1419 : vector<1x256x32xbf16> to vector<256x32xbf16>
    %swap3A_1421 = vector.shape_cast %convert_element_type3A_1415 : vector<256x32xbf16> to vector<1x256x32xbf16>
    tpu.vector_store %arg5[%swap3A_1416, %swap3A_1417, %swap3A_1418], %swap3A_1421 {strides = array<i32>} : memref<4x2048x32xbf16, #tpu.memory_space<vmem>>, vector<1x256x32xbf16>,
    return
  }
  func.func @transform_0(%arg0: i32, %arg1: i32) -> (i32, i32, i32) {
    %c0_i32 = arith.constant 0 : i32
    %c0_i32_0 = arith.constant 0 : i32
    return %arg0, %arg1, %c0_i32 : i32, i32, i32
  }
  func.func @transform_1(%arg0: i32, %arg1: i32) -> (i32, i32, i32) {
    %c0_i32 = arith.constant 0 : i32
    %c0_i32_0 = arith.constant 0 : i32
    %c0_i32_1 = arith.constant 0 : i32
    return %arg0, %c0_i32, %c0_i32_0 : i32, i32, i32
  }
  func.func @transform_2(%arg0: i32, %arg1: i32) -> (i32, i32, i32) {
    %c0_i32 = arith.constant 0 : i32
    %c0_i32_0 = arith.constant 0 : i32
    %c0_i32_1 = arith.constant 0 : i32
    return %arg0, %c0_i32, %c0_i32_0 : i32, i32, i32
  }
  func.func @transform_3(%arg0: i32, %arg1: i32) -> (i32, i32, i32) {
    %c0_i32 = arith.constant 0 : i32
    %c0_i32_0 = arith.constant 0 : i32
    return %arg0, %arg1, %c0_i32 : i32, i32, i32
  }
}

module attributes {stable_mosaic.version = 14 : i64} {
  func.func @_post_qkv_body(%arg0: i32, %arg1: i32, %arg2: memref<8x1024x32xbf16, #tpu.memory_space<vmem>>, %arg3: memref<1x1024x256xf32, #tpu.memory_space<vmem>>, %arg4: memref<256x256xbf16, #tpu.memory_space<vmem>>, %arg5: memref<1x256xf32, #tpu.memory_space<vmem>>, %arg6: memref<1x256xf32, #tpu.memory_space<vmem>>, %arg7: memref<1x256xf32, #tpu.memory_space<vmem>>, %arg8: memref<256x1024xbf16, #tpu.memory_space<vmem>>, %arg9: memref<1x1024xf32, #tpu.memory_space<vmem>>, %arg10: memref<1024x256xbf16, #tpu.memory_space<vmem>>, %arg11: memref<1x256xf32, #tpu.memory_space<vmem>>, %arg12: memref<1x256xf32, #tpu.memory_space<vmem>>, %arg13: memref<1x256xf32, #tpu.memory_space<vmem>>, %arg14: memref<256x256xbf16, #tpu.memory_space<vmem>>, %arg15: memref<1x256xf32, #tpu.memory_space<vmem>>, %arg16: memref<256x256xbf16, #tpu.memory_space<vmem>>, %arg17: memref<1x256xf32, #tpu.memory_space<vmem>>, %arg18: memref<256x256xbf16, #tpu.memory_space<vmem>>, %arg19: memref<1x256xf32, #tpu.memory_space<vmem>>, %arg20: memref<1x1024x256xf32, #tpu.memory_space<vmem>>, %arg21: memref<8x1024x32xbf16, #tpu.memory_space<vmem>>, %arg22: memref<8x1024x33xbf16, #tpu.memory_space<vmem>>, %arg23: memref<8x1024x33xbf16, #tpu.memory_space<vmem>>) attributes {dimension_semantics = [#tpu.dimension_semantics<arbitrary>, #tpu.dimension_semantics<arbitrary>], iteration_bounds = array<i64: 4, 2>, scalar_prefetch = 0 : i64, scratch_operands = 0 : i64, tpu.core_type = #tpu.core_type<tc>, window_params = [{transform_indices = @transform_0, window_bounds = array<i64: 8, 1024, 32>}, {transform_indices = @transform_1, window_bounds = array<i64: 1, 1024, 256>}, {pipeline_mode = #tpu.pipeline_mode<synchronous>, transform_indices = @transform_2, window_bounds = array<i64: 256, 256>}, {pipeline_mode = #tpu.pipeline_mode<synchronous>, transform_indices = @transform_3, window_bounds = array<i64: 1, 256>}, {pipeline_mode = #tpu.pipeline_mode<synchronous>, transform_indices = @transform_4, window_bounds = array<i64: 1, 256>}, {pipeline_mode = #tpu.pipeline_mode<synchronous>, transform_indices = @transform_5, window_bounds = array<i64: 1, 256>}, {pipeline_mode = #tpu.pipeline_mode<synchronous>, transform_indices = @transform_6, window_bounds = array<i64: 256, 1024>}, {pipeline_mode = #tpu.pipeline_mode<synchronous>, transform_indices = @transform_7, window_bounds = array<i64: 1, 1024>}, {pipeline_mode = #tpu.pipeline_mode<synchronous>, transform_indices = @transform_8, window_bounds = array<i64: 1024, 256>}, {pipeline_mode = #tpu.pipeline_mode<synchronous>, transform_indices = @transform_9, window_bounds = array<i64: 1, 256>}, {pipeline_mode = #tpu.pipeline_mode<synchronous>, transform_indices = @transform_10, window_bounds = array<i64: 1, 256>}, {pipeline_mode = #tpu.pipeline_mode<synchronous>, transform_indices = @transform_11, window_bounds = array<i64: 1, 256>}, {pipeline_mode = #tpu.pipeline_mode<synchronous>, transform_indices = @transform_12, window_bounds = array<i64: 256, 256>}, {pipeline_mode = #tpu.pipeline_mode<synchronous>, transform_indices = @transform_13, window_bounds = array<i64: 1, 256>}, {pipeline_mode = #tpu.pipeline_mode<synchronous>, transform_indices = @transform_14, window_bounds = array<i64: 256, 256>}, {pipeline_mode = #tpu.pipeline_mode<synchronous>, transform_indices = @transform_15, window_bounds = array<i64: 1, 256>}, {pipeline_mode = #tpu.pipeline_mode<synchronous>, transform_indices = @transform_16, window_bounds = array<i64: 256, 256>}, {pipeline_mode = #tpu.pipeline_mode<synchronous>, transform_indices = @transform_17, window_bounds = array<i64: 1, 256>}, {transform_indices = @transform_18, window_bounds = array<i64: 1, 1024, 256>}, {transform_indices = @transform_19, window_bounds = array<i64: 8, 1024, 32>}, {transform_indices = @transform_20, window_bounds = array<i64: 8, 1024, 33>}, {transform_indices = @transform_21, window_bounds = array<i64: 8, 1024, 33>}]} {
    %get3A = arith.constant 0 : index
    %get3A_0 = arith.constant 0 : index
    %get3A_1 = arith.constant 0 : index
    %get3A_2 = vector.load %arg2[%get3A, %get3A_0, %get3A_1] : memref<8x1024x32xbf16, #tpu.memory_space<vmem>>, vector<1x1024x32xbf16>
    %get3A_3 = vector.shape_cast %get3A_2 : vector<1x1024x32xbf16> to vector<1024x32xbf16>
    %get3A_4 = arith.constant 1 : index
    %get3A_5 = arith.constant 0 : index
    %get3A_6 = arith.constant 0 : index
    %get3A_7 = vector.load %arg2[%get3A_4, %get3A_5, %get3A_6] : memref<8x1024x32xbf16, #tpu.memory_space<vmem>>, vector<1x1024x32xbf16>
    %get3A_8 = vector.shape_cast %get3A_7 : vector<1x1024x32xbf16> to vector<1024x32xbf16>
    %get3A_9 = arith.constant 2 : index
    %get3A_10 = arith.constant 0 : index
    %get3A_11 = arith.constant 0 : index
    %get3A_12 = vector.load %arg2[%get3A_9, %get3A_10, %get3A_11] : memref<8x1024x32xbf16, #tpu.memory_space<vmem>>, vector<1x1024x32xbf16>
    %get3A_13 = vector.shape_cast %get3A_12 : vector<1x1024x32xbf16> to vector<1024x32xbf16>
    %get3A_14 = arith.constant 3 : index
    %get3A_15 = arith.constant 0 : index
    %get3A_16 = arith.constant 0 : index
    %get3A_17 = vector.load %arg2[%get3A_14, %get3A_15, %get3A_16] : memref<8x1024x32xbf16, #tpu.memory_space<vmem>>, vector<1x1024x32xbf16>
    %get3A_18 = vector.shape_cast %get3A_17 : vector<1x1024x32xbf16> to vector<1024x32xbf16>
    %get3A_19 = arith.constant 4 : index
    %get3A_20 = arith.constant 0 : index
    %get3A_21 = arith.constant 0 : index
    %get3A_22 = vector.load %arg2[%get3A_19, %get3A_20, %get3A_21] : memref<8x1024x32xbf16, #tpu.memory_space<vmem>>, vector<1x1024x32xbf16>
    %get3A_23 = vector.shape_cast %get3A_22 : vector<1x1024x32xbf16> to vector<1024x32xbf16>
    %get3A_24 = arith.constant 5 : index
    %get3A_25 = arith.constant 0 : index
    %get3A_26 = arith.constant 0 : index
    %get3A_27 = vector.load %arg2[%get3A_24, %get3A_25, %get3A_26] : memref<8x1024x32xbf16, #tpu.memory_space<vmem>>, vector<1x1024x32xbf16>
    %get3A_28 = vector.shape_cast %get3A_27 : vector<1x1024x32xbf16> to vector<1024x32xbf16>
    %get3A_29 = arith.constant 6 : index
    %get3A_30 = arith.constant 0 : index
    %get3A_31 = arith.constant 0 : index
    %get3A_32 = vector.load %arg2[%get3A_29, %get3A_30, %get3A_31] : memref<8x1024x32xbf16, #tpu.memory_space<vmem>>, vector<1x1024x32xbf16>
    %get3A_33 = vector.shape_cast %get3A_32 : vector<1x1024x32xbf16> to vector<1024x32xbf16>
    %get3A_34 = arith.constant 7 : index
    %get3A_35 = arith.constant 0 : index
    %get3A_36 = arith.constant 0 : index
    %get3A_37 = vector.load %arg2[%get3A_34, %get3A_35, %get3A_36] : memref<8x1024x32xbf16, #tpu.memory_space<vmem>>, vector<1x1024x32xbf16>
    %get3A_38 = vector.shape_cast %get3A_37 : vector<1x1024x32xbf16> to vector<1024x32xbf16>
    %concatenate3A = tpu.concatenate %get3A_3, %get3A_8, %get3A_13, %get3A_18, %get3A_23, %get3A_28, %get3A_33, %get3A_38 in 1 : vector<1024x32xbf16>, vector<1024x32xbf16>, vector<1024x32xbf16>, vector<1024x32xbf16>, vector<1024x32xbf16>, vector<1024x32xbf16>, vector<1024x32xbf16>, vector<1024x32xbf16> -> vector<1024x256xbf16>
    %get3A_39 = arith.constant 0 : index
    %get3A_40 = arith.constant 0 : index
    %get3A_41 = vector.load %arg4[%get3A_39, %get3A_40] : memref<256x256xbf16, #tpu.memory_space<vmem>>, vector<256x256xbf16>
    %dot_general3A = arith.constant dense<0.000000e+00> : vector<1024x256xf32>
    %dot_general3A_42 = tpu.matmul %concatenate3A, %get3A_41, %dot_general3A {dimension_numbers = #tpu.dot_dimension_numbers<[1], [0], [0], [1], [0, 0, 1, 1], [], []>, transpose_lhs_hint = false} : vector<1024x256xbf16>, vector<256x256xbf16>, vector<1024x256xf32> -> vector<1024x256xf32>
    %get3A_43 = arith.constant 0 : index
    %get3A_44 = arith.constant 0 : index
    %get3A_45 = vector.load %arg5[%get3A_43, %get3A_44] : memref<1x256xf32, #tpu.memory_space<vmem>>, vector<1x256xf32>
    %add3A = vector.broadcast %get3A_45 : vector<1x256xf32> to vector<1024x256xf32>
    %add3A_46 = arith.addf %dot_general3A_42, %add3A : vector<1024x256xf32>
    %get3A_47 = arith.constant 0 : index
    %get3A_48 = arith.constant 0 : index
    %get3A_49 = arith.constant 0 : index
    %get3A_50 = vector.load %arg3[%get3A_47, %get3A_48, %get3A_49] : memref<1x1024x256xf32, #tpu.memory_space<vmem>>, vector<1x1024x256xf32>
    %get3A_51 = vector.shape_cast %get3A_50 : vector<1x1024x256xf32> to vector<1024x256xf32>
    %add3A_52 = arith.addf %get3A_51, %add3A_46 : vector<1024x256xf32>
    %get3A_53 = arith.constant 0 : index
    %get3A_54 = arith.constant 0 : index
    %get3A_55 = vector.load %arg6[%get3A_53, %get3A_54] : memref<1x256xf32, #tpu.memory_space<vmem>>, vector<1x256xf32>
    %get3A_56 = arith.constant 0 : index
    %get3A_57 = arith.constant 0 : index
    %get3A_58 = vector.load %arg7[%get3A_56, %get3A_57] : memref<1x256xf32, #tpu.memory_space<vmem>>, vector<1x256xf32>
    %reduce_sum3A = arith.constant dense<0.000000e+00> : vector<1024xf32>
    %reduce_sum3A_59 = vector.multi_reduction <add>, %add3A_52, %reduce_sum3A [1] : vector<1024x256xf32> to vector<1024xf32>
    %broadcast_in_dim3A = vector.shape_cast %reduce_sum3A_59 : vector<1024xf32> to vector<1024x1xf32>
    %div3A = arith.constant 2.560000e+02 : f32
    %div3A_60 = vector.broadcast %div3A : f32 to vector<1024x1xf32>
    %div3A_61 = arith.divf %broadcast_in_dim3A, %div3A_60 : vector<1024x1xf32>
    %sub3A = vector.broadcast %div3A_61 : vector<1024x1xf32> to vector<1024x256xf32>
    %sub3A_62 = arith.subf %add3A_52, %sub3A : vector<1024x256xf32>
    %mul3A = arith.mulf %sub3A_62, %sub3A_62 : vector<1024x256xf32>
    %reduce_sum3A_63 = arith.constant dense<0.000000e+00> : vector<1024xf32>
    %reduce_sum3A_64 = vector.multi_reduction <add>, %mul3A, %reduce_sum3A_63 [1] : vector<1024x256xf32> to vector<1024xf32>
    %broadcast_in_dim3A_65 = vector.shape_cast %reduce_sum3A_64 : vector<1024xf32> to vector<1024x1xf32>
    %div3A_66 = arith.constant 2.560000e+02 : f32
    %div3A_67 = vector.broadcast %div3A_66 : f32 to vector<1024x1xf32>
    %div3A_68 = arith.divf %broadcast_in_dim3A_65, %div3A_67 : vector<1024x1xf32>
    %add3A_69 = arith.constant 9.99999974E-6 : f32
    %add3A_70 = vector.broadcast %add3A_69 : f32 to vector<1024x1xf32>
    %add3A_71 = arith.addf %div3A_68, %add3A_70 : vector<1024x1xf32>
    %sqrt3A = math.sqrt %add3A_71 : vector<1024x1xf32>
    %div3A_72 = vector.broadcast %sqrt3A : vector<1024x1xf32> to vector<1024x256xf32>
    %div3A_73 = arith.divf %sub3A_62, %div3A_72 : vector<1024x256xf32>
    %mul3A_74 = vector.broadcast %get3A_55 : vector<1x256xf32> to vector<1024x256xf32>
    %mul3A_75 = arith.mulf %div3A_73, %mul3A_74 : vector<1024x256xf32>
    %add3A_76 = vector.broadcast %get3A_58 : vector<1x256xf32> to vector<1024x256xf32>
    %add3A_77 = arith.addf %mul3A_75, %add3A_76 : vector<1024x256xf32>
    %convert_element_type3A = arith.truncf %add3A_77 : vector<1024x256xf32> to vector<1024x256xbf16>
    %get3A_78 = arith.constant 0 : index
    %get3A_79 = arith.constant 0 : index
    %get3A_80 = vector.load %arg8[%get3A_78, %get3A_79] : memref<256x1024xbf16, #tpu.memory_space<vmem>>, vector<256x1024xbf16>
    %dot_general3A_81 = arith.constant dense<0.000000e+00> : vector<1024x1024xf32>
    %dot_general3A_82 = tpu.matmul %convert_element_type3A, %get3A_80, %dot_general3A_81 {dimension_numbers = #tpu.dot_dimension_numbers<[1], [0], [0], [1], [0, 0, 1, 1], [], []>, transpose_lhs_hint = false} : vector<1024x256xbf16>, vector<256x1024xbf16>, vector<1024x1024xf32> -> vector<1024x1024xf32>
    %get3A_83 = arith.constant 0 : index
    %get3A_84 = arith.constant 0 : index
    %get3A_85 = vector.load %arg9[%get3A_83, %get3A_84] : memref<1x1024xf32, #tpu.memory_space<vmem>>, vector<1x1024xf32>
    %add3A_86 = vector.broadcast %get3A_85 : vector<1x1024xf32> to vector<1024x1024xf32>
    %add3A_87 = arith.addf %dot_general3A_82, %add3A_86 : vector<1024x1024xf32>
    %max3A = arith.constant 0.000000e+00 : f32
    %max3A_88 = vector.broadcast %max3A : f32 to vector<1024x1024xf32>
    %max3A_89 = arith.maximumf %add3A_87, %max3A_88 : vector<1024x1024xf32>
    %convert_element_type3A_90 = arith.truncf %max3A_89 : vector<1024x1024xf32> to vector<1024x1024xbf16>
    %get3A_91 = arith.constant 0 : index
    %get3A_92 = arith.constant 0 : index
    %get3A_93 = vector.load %arg10[%get3A_91, %get3A_92] : memref<1024x256xbf16, #tpu.memory_space<vmem>>, vector<1024x256xbf16>
    %dot_general3A_94 = arith.constant dense<0.000000e+00> : vector<1024x256xf32>
    %dot_general3A_95 = tpu.matmul %convert_element_type3A_90, %get3A_93, %dot_general3A_94 {dimension_numbers = #tpu.dot_dimension_numbers<[1], [0], [0], [1], [0, 0, 1, 1], [], []>, transpose_lhs_hint = false} : vector<1024x1024xbf16>, vector<1024x256xbf16>, vector<1024x256xf32> -> vector<1024x256xf32>
    %get3A_96 = arith.constant 0 : index
    %get3A_97 = arith.constant 0 : index
    %get3A_98 = vector.load %arg11[%get3A_96, %get3A_97] : memref<1x256xf32, #tpu.memory_space<vmem>>, vector<1x256xf32>
    %add3A_99 = vector.broadcast %get3A_98 : vector<1x256xf32> to vector<1024x256xf32>
    %add3A_100 = arith.addf %dot_general3A_95, %add3A_99 : vector<1024x256xf32>
    %add3A_101 = arith.addf %add3A_77, %add3A_100 : vector<1024x256xf32>
    %get3A_102 = arith.constant 0 : index
    %get3A_103 = arith.constant 0 : index
    %get3A_104 = vector.load %arg12[%get3A_102, %get3A_103] : memref<1x256xf32, #tpu.memory_space<vmem>>, vector<1x256xf32>
    %get3A_105 = arith.constant 0 : index
    %get3A_106 = arith.constant 0 : index
    %get3A_107 = vector.load %arg13[%get3A_105, %get3A_106] : memref<1x256xf32, #tpu.memory_space<vmem>>, vector<1x256xf32>
    %reduce_sum3A_108 = arith.constant dense<0.000000e+00> : vector<1024xf32>
    %reduce_sum3A_109 = vector.multi_reduction <add>, %add3A_101, %reduce_sum3A_108 [1] : vector<1024x256xf32> to vector<1024xf32>
    %broadcast_in_dim3A_110 = vector.shape_cast %reduce_sum3A_109 : vector<1024xf32> to vector<1024x1xf32>
    %div3A_111 = arith.constant 2.560000e+02 : f32
    %div3A_112 = vector.broadcast %div3A_111 : f32 to vector<1024x1xf32>
    %div3A_113 = arith.divf %broadcast_in_dim3A_110, %div3A_112 : vector<1024x1xf32>
    %sub3A_114 = vector.broadcast %div3A_113 : vector<1024x1xf32> to vector<1024x256xf32>
    %sub3A_115 = arith.subf %add3A_101, %sub3A_114 : vector<1024x256xf32>
    %mul3A_116 = arith.mulf %sub3A_115, %sub3A_115 : vector<1024x256xf32>
    %reduce_sum3A_117 = arith.constant dense<0.000000e+00> : vector<1024xf32>
    %reduce_sum3A_118 = vector.multi_reduction <add>, %mul3A_116, %reduce_sum3A_117 [1] : vector<1024x256xf32> to vector<1024xf32>
    %broadcast_in_dim3A_119 = vector.shape_cast %reduce_sum3A_118 : vector<1024xf32> to vector<1024x1xf32>
    %div3A_120 = arith.constant 2.560000e+02 : f32
    %div3A_121 = vector.broadcast %div3A_120 : f32 to vector<1024x1xf32>
    %div3A_122 = arith.divf %broadcast_in_dim3A_119, %div3A_121 : vector<1024x1xf32>
    %add3A_123 = arith.constant 9.99999974E-6 : f32
    %add3A_124 = vector.broadcast %add3A_123 : f32 to vector<1024x1xf32>
    %add3A_125 = arith.addf %div3A_122, %add3A_124 : vector<1024x1xf32>
    %sqrt3A_126 = math.sqrt %add3A_125 : vector<1024x1xf32>
    %div3A_127 = vector.broadcast %sqrt3A_126 : vector<1024x1xf32> to vector<1024x256xf32>
    %div3A_128 = arith.divf %sub3A_115, %div3A_127 : vector<1024x256xf32>
    %mul3A_129 = vector.broadcast %get3A_104 : vector<1x256xf32> to vector<1024x256xf32>
    %mul3A_130 = arith.mulf %div3A_128, %mul3A_129 : vector<1024x256xf32>
    %add3A_131 = vector.broadcast %get3A_107 : vector<1x256xf32> to vector<1024x256xf32>
    %add3A_132 = arith.addf %mul3A_130, %add3A_131 : vector<1024x256xf32>
    %swap3A = arith.constant 0 : index
    %swap3A_133 = arith.constant 0 : index
    %swap3A_134 = arith.constant 0 : index
    %swap3A_135 = vector.load %arg20[%swap3A, %swap3A_133, %swap3A_134] : memref<1x1024x256xf32, #tpu.memory_space<vmem>>, vector<1x1024x256xf32>
    %swap3A_136 = vector.shape_cast %swap3A_135 : vector<1x1024x256xf32> to vector<1024x256xf32>
    %swap3A_137 = vector.shape_cast %add3A_132 : vector<1024x256xf32> to vector<1x1024x256xf32>
    tpu.vector_store %arg20[%swap3A, %swap3A_133, %swap3A_134], %swap3A_137 {strides = array<i32>} : memref<1x1024x256xf32, #tpu.memory_space<vmem>>, vector<1x1024x256xf32>,
    %convert_element_type3A_138 = arith.truncf %add3A_132 : vector<1024x256xf32> to vector<1024x256xbf16>
    %get3A_139 = arith.constant 0 : index
    %get3A_140 = arith.constant 0 : index
    %get3A_141 = vector.load %arg14[%get3A_139, %get3A_140] : memref<256x256xbf16, #tpu.memory_space<vmem>>, vector<256x256xbf16>
    %dot_general3A_142 = arith.constant dense<0.000000e+00> : vector<1024x256xf32>
    %dot_general3A_143 = tpu.matmul %convert_element_type3A_138, %get3A_141, %dot_general3A_142 {dimension_numbers = #tpu.dot_dimension_numbers<[1], [0], [0], [1], [0, 0, 1, 1], [], []>, transpose_lhs_hint = false} : vector<1024x256xbf16>, vector<256x256xbf16>, vector<1024x256xf32> -> vector<1024x256xf32>
    %get3A_144 = arith.constant 0 : index
    %get3A_145 = arith.constant 0 : index
    %get3A_146 = vector.load %arg15[%get3A_144, %get3A_145] : memref<1x256xf32, #tpu.memory_space<vmem>>, vector<1x256xf32>
    %add3A_147 = vector.broadcast %get3A_146 : vector<1x256xf32> to vector<1024x256xf32>
    %add3A_148 = arith.addf %dot_general3A_143, %add3A_147 : vector<1024x256xf32>
    %mul3A_149 = arith.constant 0.255034864 : f32
    %mul3A_150 = vector.broadcast %mul3A_149 : f32 to vector<1024x256xf32>
    %mul3A_151 = arith.mulf %add3A_148, %mul3A_150 : vector<1024x256xf32>
    %get3A_152 = arith.constant 0 : index
    %get3A_153 = arith.constant 0 : index
    %get3A_154 = vector.load %arg16[%get3A_152, %get3A_153] : memref<256x256xbf16, #tpu.memory_space<vmem>>, vector<256x256xbf16>
    %dot_general3A_155 = arith.constant dense<0.000000e+00> : vector<1024x256xf32>
    %dot_general3A_156 = tpu.matmul %convert_element_type3A_138, %get3A_154, %dot_general3A_155 {dimension_numbers = #tpu.dot_dimension_numbers<[1], [0], [0], [1], [0, 0, 1, 1], [], []>, transpose_lhs_hint = false} : vector<1024x256xbf16>, vector<256x256xbf16>, vector<1024x256xf32> -> vector<1024x256xf32>
    %get3A_157 = arith.constant 0 : index
    %get3A_158 = arith.constant 0 : index
    %get3A_159 = vector.load %arg17[%get3A_157, %get3A_158] : memref<1x256xf32, #tpu.memory_space<vmem>>, vector<1x256xf32>
    %add3A_160 = vector.broadcast %get3A_159 : vector<1x256xf32> to vector<1024x256xf32>
    %add3A_161 = arith.addf %dot_general3A_156, %add3A_160 : vector<1024x256xf32>
    %get3A_162 = arith.constant 0 : index
    %get3A_163 = arith.constant 0 : index
    %get3A_164 = vector.load %arg18[%get3A_162, %get3A_163] : memref<256x256xbf16, #tpu.memory_space<vmem>>, vector<256x256xbf16>
    %dot_general3A_165 = arith.constant dense<0.000000e+00> : vector<1024x256xf32>
    %dot_general3A_166 = tpu.matmul %convert_element_type3A_138, %get3A_164, %dot_general3A_165 {dimension_numbers = #tpu.dot_dimension_numbers<[1], [0], [0], [1], [0, 0, 1, 1], [], []>, transpose_lhs_hint = false} : vector<1024x256xbf16>, vector<256x256xbf16>, vector<1024x256xf32> -> vector<1024x256xf32>
    %get3A_167 = arith.constant 0 : index
    %get3A_168 = arith.constant 0 : index
    %get3A_169 = vector.load %arg19[%get3A_167, %get3A_168] : memref<1x256xf32, #tpu.memory_space<vmem>>, vector<1x256xf32>
    %add3A_170 = vector.broadcast %get3A_169 : vector<1x256xf32> to vector<1024x256xf32>
    %add3A_171 = arith.addf %dot_general3A_166, %add3A_170 : vector<1024x256xf32>
    %broadcast_in_dim3A_172 = arith.constant 1.000000e+00 : bf16
    %broadcast_in_dim3A_173 = vector.broadcast %broadcast_in_dim3A_172 : bf16 to vector<1024x1xbf16>
    %slice3A = vector.extract_strided_slice %mul3A_151 {offsets = [0, 0], sizes = [1024, 32], strides = [1, 1]} : vector<1024x256xf32> to vector<1024x32xf32>
    %convert_element_type3A_174 = arith.truncf %slice3A : vector<1024x32xf32> to vector<1024x32xbf16>
    %swap3A_175 = arith.constant 0 : index
    %swap3A_176 = arith.constant 0 : index
    %swap3A_177 = arith.constant 0 : index
    %swap3A_178 = vector.load %arg21[%swap3A_175, %swap3A_176, %swap3A_177] : memref<8x1024x32xbf16, #tpu.memory_space<vmem>>, vector<1x1024x32xbf16>
    %swap3A_179 = vector.shape_cast %swap3A_178 : vector<1x1024x32xbf16> to vector<1024x32xbf16>
    %swap3A_180 = vector.shape_cast %convert_element_type3A_174 : vector<1024x32xbf16> to vector<1x1024x32xbf16>
    tpu.vector_store %arg21[%swap3A_175, %swap3A_176, %swap3A_177], %swap3A_180 {strides = array<i32>} : memref<8x1024x32xbf16, #tpu.memory_space<vmem>>, vector<1x1024x32xbf16>,
    %slice3A_181 = vector.extract_strided_slice %add3A_161 {offsets = [0, 0], sizes = [1024, 32], strides = [1, 1]} : vector<1024x256xf32> to vector<1024x32xf32>
    %convert_element_type3A_182 = arith.truncf %slice3A_181 : vector<1024x32xf32> to vector<1024x32xbf16>
    %concatenate3A_183 = tpu.concatenate %convert_element_type3A_182, %broadcast_in_dim3A_173 in 1 : vector<1024x32xbf16>, vector<1024x1xbf16> -> vector<1024x33xbf16>
    %swap3A_184 = arith.constant 0 : index
    %swap3A_185 = arith.constant 0 : index
    %swap3A_186 = arith.constant 0 : index
    %swap3A_187 = vector.load %arg22[%swap3A_184, %swap3A_185, %swap3A_186] : memref<8x1024x33xbf16, #tpu.memory_space<vmem>>, vector<1x1024x33xbf16>
    %swap3A_188 = vector.shape_cast %swap3A_187 : vector<1x1024x33xbf16> to vector<1024x33xbf16>
    %swap3A_189 = vector.shape_cast %concatenate3A_183 : vector<1024x33xbf16> to vector<1x1024x33xbf16>
    tpu.vector_store %arg22[%swap3A_184, %swap3A_185, %swap3A_186], %swap3A_189 {strides = array<i32>} : memref<8x1024x33xbf16, #tpu.memory_space<vmem>>, vector<1x1024x33xbf16>,
    %slice3A_190 = vector.extract_strided_slice %add3A_171 {offsets = [0, 0], sizes = [1024, 32], strides = [1, 1]} : vector<1024x256xf32> to vector<1024x32xf32>
    %convert_element_type3A_191 = arith.truncf %slice3A_190 : vector<1024x32xf32> to vector<1024x32xbf16>
    %concatenate3A_192 = tpu.concatenate %convert_element_type3A_191, %broadcast_in_dim3A_173 in 1 : vector<1024x32xbf16>, vector<1024x1xbf16> -> vector<1024x33xbf16>
    %swap3A_193 = arith.constant 0 : index
    %swap3A_194 = arith.constant 0 : index
    %swap3A_195 = arith.constant 0 : index
    %swap3A_196 = vector.load %arg23[%swap3A_193, %swap3A_194, %swap3A_195] : memref<8x1024x33xbf16, #tpu.memory_space<vmem>>, vector<1x1024x33xbf16>
    %swap3A_197 = vector.shape_cast %swap3A_196 : vector<1x1024x33xbf16> to vector<1024x33xbf16>
    %swap3A_198 = vector.shape_cast %concatenate3A_192 : vector<1024x33xbf16> to vector<1x1024x33xbf16>
    tpu.vector_store %arg23[%swap3A_193, %swap3A_194, %swap3A_195], %swap3A_198 {strides = array<i32>} : memref<8x1024x33xbf16, #tpu.memory_space<vmem>>, vector<1x1024x33xbf16>,
    %slice3A_199 = vector.extract_strided_slice %mul3A_151 {offsets = [0, 32], sizes = [1024, 32], strides = [1, 1]} : vector<1024x256xf32> to vector<1024x32xf32>
    %convert_element_type3A_200 = arith.truncf %slice3A_199 : vector<1024x32xf32> to vector<1024x32xbf16>
    %swap3A_201 = arith.constant 1 : index
    %swap3A_202 = arith.constant 0 : index
    %swap3A_203 = arith.constant 0 : index
    %swap3A_204 = vector.load %arg21[%swap3A_201, %swap3A_202, %swap3A_203] : memref<8x1024x32xbf16, #tpu.memory_space<vmem>>, vector<1x1024x32xbf16>
    %swap3A_205 = vector.shape_cast %swap3A_204 : vector<1x1024x32xbf16> to vector<1024x32xbf16>
    %swap3A_206 = vector.shape_cast %convert_element_type3A_200 : vector<1024x32xbf16> to vector<1x1024x32xbf16>
    tpu.vector_store %arg21[%swap3A_201, %swap3A_202, %swap3A_203], %swap3A_206 {strides = array<i32>} : memref<8x1024x32xbf16, #tpu.memory_space<vmem>>, vector<1x1024x32xbf16>,
    %slice3A_207 = vector.extract_strided_slice %add3A_161 {offsets = [0, 32], sizes = [1024, 32], strides = [1, 1]} : vector<1024x256xf32> to vector<1024x32xf32>
    %convert_element_type3A_208 = arith.truncf %slice3A_207 : vector<1024x32xf32> to vector<1024x32xbf16>
    %concatenate3A_209 = tpu.concatenate %convert_element_type3A_208, %broadcast_in_dim3A_173 in 1 : vector<1024x32xbf16>, vector<1024x1xbf16> -> vector<1024x33xbf16>
    %swap3A_210 = arith.constant 1 : index
    %swap3A_211 = arith.constant 0 : index
    %swap3A_212 = arith.constant 0 : index
    %swap3A_213 = vector.load %arg22[%swap3A_210, %swap3A_211, %swap3A_212] : memref<8x1024x33xbf16, #tpu.memory_space<vmem>>, vector<1x1024x33xbf16>
    %swap3A_214 = vector.shape_cast %swap3A_213 : vector<1x1024x33xbf16> to vector<1024x33xbf16>
    %swap3A_215 = vector.shape_cast %concatenate3A_209 : vector<1024x33xbf16> to vector<1x1024x33xbf16>
    tpu.vector_store %arg22[%swap3A_210, %swap3A_211, %swap3A_212], %swap3A_215 {strides = array<i32>} : memref<8x1024x33xbf16, #tpu.memory_space<vmem>>, vector<1x1024x33xbf16>,
    %slice3A_216 = vector.extract_strided_slice %add3A_171 {offsets = [0, 32], sizes = [1024, 32], strides = [1, 1]} : vector<1024x256xf32> to vector<1024x32xf32>
    %convert_element_type3A_217 = arith.truncf %slice3A_216 : vector<1024x32xf32> to vector<1024x32xbf16>
    %concatenate3A_218 = tpu.concatenate %convert_element_type3A_217, %broadcast_in_dim3A_173 in 1 : vector<1024x32xbf16>, vector<1024x1xbf16> -> vector<1024x33xbf16>
    %swap3A_219 = arith.constant 1 : index
    %swap3A_220 = arith.constant 0 : index
    %swap3A_221 = arith.constant 0 : index
    %swap3A_222 = vector.load %arg23[%swap3A_219, %swap3A_220, %swap3A_221] : memref<8x1024x33xbf16, #tpu.memory_space<vmem>>, vector<1x1024x33xbf16>
    %swap3A_223 = vector.shape_cast %swap3A_222 : vector<1x1024x33xbf16> to vector<1024x33xbf16>
    %swap3A_224 = vector.shape_cast %concatenate3A_218 : vector<1024x33xbf16> to vector<1x1024x33xbf16>
    tpu.vector_store %arg23[%swap3A_219, %swap3A_220, %swap3A_221], %swap3A_224 {strides = array<i32>} : memref<8x1024x33xbf16, #tpu.memory_space<vmem>>, vector<1x1024x33xbf16>,
    %slice3A_225 = vector.extract_strided_slice %mul3A_151 {offsets = [0, 64], sizes = [1024, 32], strides = [1, 1]} : vector<1024x256xf32> to vector<1024x32xf32>
    %convert_element_type3A_226 = arith.truncf %slice3A_225 : vector<1024x32xf32> to vector<1024x32xbf16>
    %swap3A_227 = arith.constant 2 : index
    %swap3A_228 = arith.constant 0 : index
    %swap3A_229 = arith.constant 0 : index
    %swap3A_230 = vector.load %arg21[%swap3A_227, %swap3A_228, %swap3A_229] : memref<8x1024x32xbf16, #tpu.memory_space<vmem>>, vector<1x1024x32xbf16>
    %swap3A_231 = vector.shape_cast %swap3A_230 : vector<1x1024x32xbf16> to vector<1024x32xbf16>
    %swap3A_232 = vector.shape_cast %convert_element_type3A_226 : vector<1024x32xbf16> to vector<1x1024x32xbf16>
    tpu.vector_store %arg21[%swap3A_227, %swap3A_228, %swap3A_229], %swap3A_232 {strides = array<i32>} : memref<8x1024x32xbf16, #tpu.memory_space<vmem>>, vector<1x1024x32xbf16>,
    %slice3A_233 = vector.extract_strided_slice %add3A_161 {offsets = [0, 64], sizes = [1024, 32], strides = [1, 1]} : vector<1024x256xf32> to vector<1024x32xf32>
    %convert_element_type3A_234 = arith.truncf %slice3A_233 : vector<1024x32xf32> to vector<1024x32xbf16>
    %concatenate3A_235 = tpu.concatenate %convert_element_type3A_234, %broadcast_in_dim3A_173 in 1 : vector<1024x32xbf16>, vector<1024x1xbf16> -> vector<1024x33xbf16>
    %swap3A_236 = arith.constant 2 : index
    %swap3A_237 = arith.constant 0 : index
    %swap3A_238 = arith.constant 0 : index
    %swap3A_239 = vector.load %arg22[%swap3A_236, %swap3A_237, %swap3A_238] : memref<8x1024x33xbf16, #tpu.memory_space<vmem>>, vector<1x1024x33xbf16>
    %swap3A_240 = vector.shape_cast %swap3A_239 : vector<1x1024x33xbf16> to vector<1024x33xbf16>
    %swap3A_241 = vector.shape_cast %concatenate3A_235 : vector<1024x33xbf16> to vector<1x1024x33xbf16>
    tpu.vector_store %arg22[%swap3A_236, %swap3A_237, %swap3A_238], %swap3A_241 {strides = array<i32>} : memref<8x1024x33xbf16, #tpu.memory_space<vmem>>, vector<1x1024x33xbf16>,
    %slice3A_242 = vector.extract_strided_slice %add3A_171 {offsets = [0, 64], sizes = [1024, 32], strides = [1, 1]} : vector<1024x256xf32> to vector<1024x32xf32>
    %convert_element_type3A_243 = arith.truncf %slice3A_242 : vector<1024x32xf32> to vector<1024x32xbf16>
    %concatenate3A_244 = tpu.concatenate %convert_element_type3A_243, %broadcast_in_dim3A_173 in 1 : vector<1024x32xbf16>, vector<1024x1xbf16> -> vector<1024x33xbf16>
    %swap3A_245 = arith.constant 2 : index
    %swap3A_246 = arith.constant 0 : index
    %swap3A_247 = arith.constant 0 : index
    %swap3A_248 = vector.load %arg23[%swap3A_245, %swap3A_246, %swap3A_247] : memref<8x1024x33xbf16, #tpu.memory_space<vmem>>, vector<1x1024x33xbf16>
    %swap3A_249 = vector.shape_cast %swap3A_248 : vector<1x1024x33xbf16> to vector<1024x33xbf16>
    %swap3A_250 = vector.shape_cast %concatenate3A_244 : vector<1024x33xbf16> to vector<1x1024x33xbf16>
    tpu.vector_store %arg23[%swap3A_245, %swap3A_246, %swap3A_247], %swap3A_250 {strides = array<i32>} : memref<8x1024x33xbf16, #tpu.memory_space<vmem>>, vector<1x1024x33xbf16>,
    %slice3A_251 = vector.extract_strided_slice %mul3A_151 {offsets = [0, 96], sizes = [1024, 32], strides = [1, 1]} : vector<1024x256xf32> to vector<1024x32xf32>
    %convert_element_type3A_252 = arith.truncf %slice3A_251 : vector<1024x32xf32> to vector<1024x32xbf16>
    %swap3A_253 = arith.constant 3 : index
    %swap3A_254 = arith.constant 0 : index
    %swap3A_255 = arith.constant 0 : index
    %swap3A_256 = vector.load %arg21[%swap3A_253, %swap3A_254, %swap3A_255] : memref<8x1024x32xbf16, #tpu.memory_space<vmem>>, vector<1x1024x32xbf16>
    %swap3A_257 = vector.shape_cast %swap3A_256 : vector<1x1024x32xbf16> to vector<1024x32xbf16>
    %swap3A_258 = vector.shape_cast %convert_element_type3A_252 : vector<1024x32xbf16> to vector<1x1024x32xbf16>
    tpu.vector_store %arg21[%swap3A_253, %swap3A_254, %swap3A_255], %swap3A_258 {strides = array<i32>} : memref<8x1024x32xbf16, #tpu.memory_space<vmem>>, vector<1x1024x32xbf16>,
    %slice3A_259 = vector.extract_strided_slice %add3A_161 {offsets = [0, 96], sizes = [1024, 32], strides = [1, 1]} : vector<1024x256xf32> to vector<1024x32xf32>
    %convert_element_type3A_260 = arith.truncf %slice3A_259 : vector<1024x32xf32> to vector<1024x32xbf16>
    %concatenate3A_261 = tpu.concatenate %convert_element_type3A_260, %broadcast_in_dim3A_173 in 1 : vector<1024x32xbf16>, vector<1024x1xbf16> -> vector<1024x33xbf16>
    %swap3A_262 = arith.constant 3 : index
    %swap3A_263 = arith.constant 0 : index
    %swap3A_264 = arith.constant 0 : index
    %swap3A_265 = vector.load %arg22[%swap3A_262, %swap3A_263, %swap3A_264] : memref<8x1024x33xbf16, #tpu.memory_space<vmem>>, vector<1x1024x33xbf16>
    %swap3A_266 = vector.shape_cast %swap3A_265 : vector<1x1024x33xbf16> to vector<1024x33xbf16>
    %swap3A_267 = vector.shape_cast %concatenate3A_261 : vector<1024x33xbf16> to vector<1x1024x33xbf16>
    tpu.vector_store %arg22[%swap3A_262, %swap3A_263, %swap3A_264], %swap3A_267 {strides = array<i32>} : memref<8x1024x33xbf16, #tpu.memory_space<vmem>>, vector<1x1024x33xbf16>,
    %slice3A_268 = vector.extract_strided_slice %add3A_171 {offsets = [0, 96], sizes = [1024, 32], strides = [1, 1]} : vector<1024x256xf32> to vector<1024x32xf32>
    %convert_element_type3A_269 = arith.truncf %slice3A_268 : vector<1024x32xf32> to vector<1024x32xbf16>
    %concatenate3A_270 = tpu.concatenate %convert_element_type3A_269, %broadcast_in_dim3A_173 in 1 : vector<1024x32xbf16>, vector<1024x1xbf16> -> vector<1024x33xbf16>
    %swap3A_271 = arith.constant 3 : index
    %swap3A_272 = arith.constant 0 : index
    %swap3A_273 = arith.constant 0 : index
    %swap3A_274 = vector.load %arg23[%swap3A_271, %swap3A_272, %swap3A_273] : memref<8x1024x33xbf16, #tpu.memory_space<vmem>>, vector<1x1024x33xbf16>
    %swap3A_275 = vector.shape_cast %swap3A_274 : vector<1x1024x33xbf16> to vector<1024x33xbf16>
    %swap3A_276 = vector.shape_cast %concatenate3A_270 : vector<1024x33xbf16> to vector<1x1024x33xbf16>
    tpu.vector_store %arg23[%swap3A_271, %swap3A_272, %swap3A_273], %swap3A_276 {strides = array<i32>} : memref<8x1024x33xbf16, #tpu.memory_space<vmem>>, vector<1x1024x33xbf16>,
    %slice3A_277 = vector.extract_strided_slice %mul3A_151 {offsets = [0, 128], sizes = [1024, 32], strides = [1, 1]} : vector<1024x256xf32> to vector<1024x32xf32>
    %convert_element_type3A_278 = arith.truncf %slice3A_277 : vector<1024x32xf32> to vector<1024x32xbf16>
    %swap3A_279 = arith.constant 4 : index
    %swap3A_280 = arith.constant 0 : index
    %swap3A_281 = arith.constant 0 : index
    %swap3A_282 = vector.load %arg21[%swap3A_279, %swap3A_280, %swap3A_281] : memref<8x1024x32xbf16, #tpu.memory_space<vmem>>, vector<1x1024x32xbf16>
    %swap3A_283 = vector.shape_cast %swap3A_282 : vector<1x1024x32xbf16> to vector<1024x32xbf16>
    %swap3A_284 = vector.shape_cast %convert_element_type3A_278 : vector<1024x32xbf16> to vector<1x1024x32xbf16>
    tpu.vector_store %arg21[%swap3A_279, %swap3A_280, %swap3A_281], %swap3A_284 {strides = array<i32>} : memref<8x1024x32xbf16, #tpu.memory_space<vmem>>, vector<1x1024x32xbf16>,
    %slice3A_285 = vector.extract_strided_slice %add3A_161 {offsets = [0, 128], sizes = [1024, 32], strides = [1, 1]} : vector<1024x256xf32> to vector<1024x32xf32>
    %convert_element_type3A_286 = arith.truncf %slice3A_285 : vector<1024x32xf32> to vector<1024x32xbf16>
    %concatenate3A_287 = tpu.concatenate %convert_element_type3A_286, %broadcast_in_dim3A_173 in 1 : vector<1024x32xbf16>, vector<1024x1xbf16> -> vector<1024x33xbf16>
    %swap3A_288 = arith.constant 4 : index
    %swap3A_289 = arith.constant 0 : index
    %swap3A_290 = arith.constant 0 : index
    %swap3A_291 = vector.load %arg22[%swap3A_288, %swap3A_289, %swap3A_290] : memref<8x1024x33xbf16, #tpu.memory_space<vmem>>, vector<1x1024x33xbf16>
    %swap3A_292 = vector.shape_cast %swap3A_291 : vector<1x1024x33xbf16> to vector<1024x33xbf16>
    %swap3A_293 = vector.shape_cast %concatenate3A_287 : vector<1024x33xbf16> to vector<1x1024x33xbf16>
    tpu.vector_store %arg22[%swap3A_288, %swap3A_289, %swap3A_290], %swap3A_293 {strides = array<i32>} : memref<8x1024x33xbf16, #tpu.memory_space<vmem>>, vector<1x1024x33xbf16>,
    %slice3A_294 = vector.extract_strided_slice %add3A_171 {offsets = [0, 128], sizes = [1024, 32], strides = [1, 1]} : vector<1024x256xf32> to vector<1024x32xf32>
    %convert_element_type3A_295 = arith.truncf %slice3A_294 : vector<1024x32xf32> to vector<1024x32xbf16>
    %concatenate3A_296 = tpu.concatenate %convert_element_type3A_295, %broadcast_in_dim3A_173 in 1 : vector<1024x32xbf16>, vector<1024x1xbf16> -> vector<1024x33xbf16>
    %swap3A_297 = arith.constant 4 : index
    %swap3A_298 = arith.constant 0 : index
    %swap3A_299 = arith.constant 0 : index
    %swap3A_300 = vector.load %arg23[%swap3A_297, %swap3A_298, %swap3A_299] : memref<8x1024x33xbf16, #tpu.memory_space<vmem>>, vector<1x1024x33xbf16>
    %swap3A_301 = vector.shape_cast %swap3A_300 : vector<1x1024x33xbf16> to vector<1024x33xbf16>
    %swap3A_302 = vector.shape_cast %concatenate3A_296 : vector<1024x33xbf16> to vector<1x1024x33xbf16>
    tpu.vector_store %arg23[%swap3A_297, %swap3A_298, %swap3A_299], %swap3A_302 {strides = array<i32>} : memref<8x1024x33xbf16, #tpu.memory_space<vmem>>, vector<1x1024x33xbf16>,
    %slice3A_303 = vector.extract_strided_slice %mul3A_151 {offsets = [0, 160], sizes = [1024, 32], strides = [1, 1]} : vector<1024x256xf32> to vector<1024x32xf32>
    %convert_element_type3A_304 = arith.truncf %slice3A_303 : vector<1024x32xf32> to vector<1024x32xbf16>
    %swap3A_305 = arith.constant 5 : index
    %swap3A_306 = arith.constant 0 : index
    %swap3A_307 = arith.constant 0 : index
    %swap3A_308 = vector.load %arg21[%swap3A_305, %swap3A_306, %swap3A_307] : memref<8x1024x32xbf16, #tpu.memory_space<vmem>>, vector<1x1024x32xbf16>
    %swap3A_309 = vector.shape_cast %swap3A_308 : vector<1x1024x32xbf16> to vector<1024x32xbf16>
    %swap3A_310 = vector.shape_cast %convert_element_type3A_304 : vector<1024x32xbf16> to vector<1x1024x32xbf16>
    tpu.vector_store %arg21[%swap3A_305, %swap3A_306, %swap3A_307], %swap3A_310 {strides = array<i32>} : memref<8x1024x32xbf16, #tpu.memory_space<vmem>>, vector<1x1024x32xbf16>,
    %slice3A_311 = vector.extract_strided_slice %add3A_161 {offsets = [0, 160], sizes = [1024, 32], strides = [1, 1]} : vector<1024x256xf32> to vector<1024x32xf32>
    %convert_element_type3A_312 = arith.truncf %slice3A_311 : vector<1024x32xf32> to vector<1024x32xbf16>
    %concatenate3A_313 = tpu.concatenate %convert_element_type3A_312, %broadcast_in_dim3A_173 in 1 : vector<1024x32xbf16>, vector<1024x1xbf16> -> vector<1024x33xbf16>
    %swap3A_314 = arith.constant 5 : index
    %swap3A_315 = arith.constant 0 : index
    %swap3A_316 = arith.constant 0 : index
    %swap3A_317 = vector.load %arg22[%swap3A_314, %swap3A_315, %swap3A_316] : memref<8x1024x33xbf16, #tpu.memory_space<vmem>>, vector<1x1024x33xbf16>
    %swap3A_318 = vector.shape_cast %swap3A_317 : vector<1x1024x33xbf16> to vector<1024x33xbf16>
    %swap3A_319 = vector.shape_cast %concatenate3A_313 : vector<1024x33xbf16> to vector<1x1024x33xbf16>
    tpu.vector_store %arg22[%swap3A_314, %swap3A_315, %swap3A_316], %swap3A_319 {strides = array<i32>} : memref<8x1024x33xbf16, #tpu.memory_space<vmem>>, vector<1x1024x33xbf16>,
    %slice3A_320 = vector.extract_strided_slice %add3A_171 {offsets = [0, 160], sizes = [1024, 32], strides = [1, 1]} : vector<1024x256xf32> to vector<1024x32xf32>
    %convert_element_type3A_321 = arith.truncf %slice3A_320 : vector<1024x32xf32> to vector<1024x32xbf16>
    %concatenate3A_322 = tpu.concatenate %convert_element_type3A_321, %broadcast_in_dim3A_173 in 1 : vector<1024x32xbf16>, vector<1024x1xbf16> -> vector<1024x33xbf16>
    %swap3A_323 = arith.constant 5 : index
    %swap3A_324 = arith.constant 0 : index
    %swap3A_325 = arith.constant 0 : index
    %swap3A_326 = vector.load %arg23[%swap3A_323, %swap3A_324, %swap3A_325] : memref<8x1024x33xbf16, #tpu.memory_space<vmem>>, vector<1x1024x33xbf16>
    %swap3A_327 = vector.shape_cast %swap3A_326 : vector<1x1024x33xbf16> to vector<1024x33xbf16>
    %swap3A_328 = vector.shape_cast %concatenate3A_322 : vector<1024x33xbf16> to vector<1x1024x33xbf16>
    tpu.vector_store %arg23[%swap3A_323, %swap3A_324, %swap3A_325], %swap3A_328 {strides = array<i32>} : memref<8x1024x33xbf16, #tpu.memory_space<vmem>>, vector<1x1024x33xbf16>,
    %slice3A_329 = vector.extract_strided_slice %mul3A_151 {offsets = [0, 192], sizes = [1024, 32], strides = [1, 1]} : vector<1024x256xf32> to vector<1024x32xf32>
    %convert_element_type3A_330 = arith.truncf %slice3A_329 : vector<1024x32xf32> to vector<1024x32xbf16>
    %swap3A_331 = arith.constant 6 : index
    %swap3A_332 = arith.constant 0 : index
    %swap3A_333 = arith.constant 0 : index
    %swap3A_334 = vector.load %arg21[%swap3A_331, %swap3A_332, %swap3A_333] : memref<8x1024x32xbf16, #tpu.memory_space<vmem>>, vector<1x1024x32xbf16>
    %swap3A_335 = vector.shape_cast %swap3A_334 : vector<1x1024x32xbf16> to vector<1024x32xbf16>
    %swap3A_336 = vector.shape_cast %convert_element_type3A_330 : vector<1024x32xbf16> to vector<1x1024x32xbf16>
    tpu.vector_store %arg21[%swap3A_331, %swap3A_332, %swap3A_333], %swap3A_336 {strides = array<i32>} : memref<8x1024x32xbf16, #tpu.memory_space<vmem>>, vector<1x1024x32xbf16>,
    %slice3A_337 = vector.extract_strided_slice %add3A_161 {offsets = [0, 192], sizes = [1024, 32], strides = [1, 1]} : vector<1024x256xf32> to vector<1024x32xf32>
    %convert_element_type3A_338 = arith.truncf %slice3A_337 : vector<1024x32xf32> to vector<1024x32xbf16>
    %concatenate3A_339 = tpu.concatenate %convert_element_type3A_338, %broadcast_in_dim3A_173 in 1 : vector<1024x32xbf16>, vector<1024x1xbf16> -> vector<1024x33xbf16>
    %swap3A_340 = arith.constant 6 : index
    %swap3A_341 = arith.constant 0 : index
    %swap3A_342 = arith.constant 0 : index
    %swap3A_343 = vector.load %arg22[%swap3A_340, %swap3A_341, %swap3A_342] : memref<8x1024x33xbf16, #tpu.memory_space<vmem>>, vector<1x1024x33xbf16>
    %swap3A_344 = vector.shape_cast %swap3A_343 : vector<1x1024x33xbf16> to vector<1024x33xbf16>
    %swap3A_345 = vector.shape_cast %concatenate3A_339 : vector<1024x33xbf16> to vector<1x1024x33xbf16>
    tpu.vector_store %arg22[%swap3A_340, %swap3A_341, %swap3A_342], %swap3A_345 {strides = array<i32>} : memref<8x1024x33xbf16, #tpu.memory_space<vmem>>, vector<1x1024x33xbf16>,
    %slice3A_346 = vector.extract_strided_slice %add3A_171 {offsets = [0, 192], sizes = [1024, 32], strides = [1, 1]} : vector<1024x256xf32> to vector<1024x32xf32>
    %convert_element_type3A_347 = arith.truncf %slice3A_346 : vector<1024x32xf32> to vector<1024x32xbf16>
    %concatenate3A_348 = tpu.concatenate %convert_element_type3A_347, %broadcast_in_dim3A_173 in 1 : vector<1024x32xbf16>, vector<1024x1xbf16> -> vector<1024x33xbf16>
    %swap3A_349 = arith.constant 6 : index
    %swap3A_350 = arith.constant 0 : index
    %swap3A_351 = arith.constant 0 : index
    %swap3A_352 = vector.load %arg23[%swap3A_349, %swap3A_350, %swap3A_351] : memref<8x1024x33xbf16, #tpu.memory_space<vmem>>, vector<1x1024x33xbf16>
    %swap3A_353 = vector.shape_cast %swap3A_352 : vector<1x1024x33xbf16> to vector<1024x33xbf16>
    %swap3A_354 = vector.shape_cast %concatenate3A_348 : vector<1024x33xbf16> to vector<1x1024x33xbf16>
    tpu.vector_store %arg23[%swap3A_349, %swap3A_350, %swap3A_351], %swap3A_354 {strides = array<i32>} : memref<8x1024x33xbf16, #tpu.memory_space<vmem>>, vector<1x1024x33xbf16>,
    %slice3A_355 = vector.extract_strided_slice %mul3A_151 {offsets = [0, 224], sizes = [1024, 32], strides = [1, 1]} : vector<1024x256xf32> to vector<1024x32xf32>
    %convert_element_type3A_356 = arith.truncf %slice3A_355 : vector<1024x32xf32> to vector<1024x32xbf16>
    %swap3A_357 = arith.constant 7 : index
    %swap3A_358 = arith.constant 0 : index
    %swap3A_359 = arith.constant 0 : index
    %swap3A_360 = vector.load %arg21[%swap3A_357, %swap3A_358, %swap3A_359] : memref<8x1024x32xbf16, #tpu.memory_space<vmem>>, vector<1x1024x32xbf16>
    %swap3A_361 = vector.shape_cast %swap3A_360 : vector<1x1024x32xbf16> to vector<1024x32xbf16>
    %swap3A_362 = vector.shape_cast %convert_element_type3A_356 : vector<1024x32xbf16> to vector<1x1024x32xbf16>
    tpu.vector_store %arg21[%swap3A_357, %swap3A_358, %swap3A_359], %swap3A_362 {strides = array<i32>} : memref<8x1024x32xbf16, #tpu.memory_space<vmem>>, vector<1x1024x32xbf16>,
    %slice3A_363 = vector.extract_strided_slice %add3A_161 {offsets = [0, 224], sizes = [1024, 32], strides = [1, 1]} : vector<1024x256xf32> to vector<1024x32xf32>
    %convert_element_type3A_364 = arith.truncf %slice3A_363 : vector<1024x32xf32> to vector<1024x32xbf16>
    %concatenate3A_365 = tpu.concatenate %convert_element_type3A_364, %broadcast_in_dim3A_173 in 1 : vector<1024x32xbf16>, vector<1024x1xbf16> -> vector<1024x33xbf16>
    %swap3A_366 = arith.constant 7 : index
    %swap3A_367 = arith.constant 0 : index
    %swap3A_368 = arith.constant 0 : index
    %swap3A_369 = vector.load %arg22[%swap3A_366, %swap3A_367, %swap3A_368] : memref<8x1024x33xbf16, #tpu.memory_space<vmem>>, vector<1x1024x33xbf16>
    %swap3A_370 = vector.shape_cast %swap3A_369 : vector<1x1024x33xbf16> to vector<1024x33xbf16>
    %swap3A_371 = vector.shape_cast %concatenate3A_365 : vector<1024x33xbf16> to vector<1x1024x33xbf16>
    tpu.vector_store %arg22[%swap3A_366, %swap3A_367, %swap3A_368], %swap3A_371 {strides = array<i32>} : memref<8x1024x33xbf16, #tpu.memory_space<vmem>>, vector<1x1024x33xbf16>,
    %slice3A_372 = vector.extract_strided_slice %add3A_171 {offsets = [0, 224], sizes = [1024, 32], strides = [1, 1]} : vector<1024x256xf32> to vector<1024x32xf32>
    %convert_element_type3A_373 = arith.truncf %slice3A_372 : vector<1024x32xf32> to vector<1024x32xbf16>
    %concatenate3A_374 = tpu.concatenate %convert_element_type3A_373, %broadcast_in_dim3A_173 in 1 : vector<1024x32xbf16>, vector<1024x1xbf16> -> vector<1024x33xbf16>
    %swap3A_375 = arith.constant 7 : index
    %swap3A_376 = arith.constant 0 : index
    %swap3A_377 = arith.constant 0 : index
    %swap3A_378 = vector.load %arg23[%swap3A_375, %swap3A_376, %swap3A_377] : memref<8x1024x33xbf16, #tpu.memory_space<vmem>>, vector<1x1024x33xbf16>
    %swap3A_379 = vector.shape_cast %swap3A_378 : vector<1x1024x33xbf16> to vector<1024x33xbf16>
    %swap3A_380 = vector.shape_cast %concatenate3A_374 : vector<1024x33xbf16> to vector<1x1024x33xbf16>
    tpu.vector_store %arg23[%swap3A_375, %swap3A_376, %swap3A_377], %swap3A_380 {strides = array<i32>} : memref<8x1024x33xbf16, #tpu.memory_space<vmem>>, vector<1x1024x33xbf16>,
    return
  }
  func.func @transform_0(%arg0: i32, %arg1: i32) -> (i32, i32, i32) {
    %c0_i32 = arith.constant 0 : i32
    %c0_i32_0 = arith.constant 0 : i32
    return %arg0, %arg1, %c0_i32 : i32, i32, i32
  }
  func.func @transform_1(%arg0: i32, %arg1: i32) -> (i32, i32, i32) {
    %c0_i32 = arith.constant 0 : i32
    %c0_i32_0 = arith.constant 0 : i32
    return %arg0, %arg1, %c0_i32 : i32, i32, i32
  }
  func.func @transform_2(%arg0: i32, %arg1: i32) -> (i32, i32) {
    %c0_i32 = arith.constant 0 : i32
    %c0_i32_0 = arith.constant 0 : i32
    %c0_i32_1 = arith.constant 0 : i32
    return %c0_i32, %c0_i32_0 : i32, i32
  }
  func.func @transform_3(%arg0: i32, %arg1: i32) -> (i32, i32) {
    %c0_i32 = arith.constant 0 : i32
    %c0_i32_0 = arith.constant 0 : i32
    %c0_i32_1 = arith.constant 0 : i32
    return %c0_i32, %c0_i32_0 : i32, i32
  }
  func.func @transform_4(%arg0: i32, %arg1: i32) -> (i32, i32) {
    %c0_i32 = arith.constant 0 : i32
    %c0_i32_0 = arith.constant 0 : i32
    %c0_i32_1 = arith.constant 0 : i32
    return %c0_i32, %c0_i32_0 : i32, i32
  }
  func.func @transform_5(%arg0: i32, %arg1: i32) -> (i32, i32) {
    %c0_i32 = arith.constant 0 : i32
    %c0_i32_0 = arith.constant 0 : i32
    %c0_i32_1 = arith.constant 0 : i32
    return %c0_i32, %c0_i32_0 : i32, i32
  }
  func.func @transform_6(%arg0: i32, %arg1: i32) -> (i32, i32) {
    %c0_i32 = arith.constant 0 : i32
    %c0_i32_0 = arith.constant 0 : i32
    %c0_i32_1 = arith.constant 0 : i32
    return %c0_i32, %c0_i32_0 : i32, i32
  }
  func.func @transform_7(%arg0: i32, %arg1: i32) -> (i32, i32) {
    %c0_i32 = arith.constant 0 : i32
    %c0_i32_0 = arith.constant 0 : i32
    %c0_i32_1 = arith.constant 0 : i32
    return %c0_i32, %c0_i32_0 : i32, i32
  }
  func.func @transform_8(%arg0: i32, %arg1: i32) -> (i32, i32) {
    %c0_i32 = arith.constant 0 : i32
    %c0_i32_0 = arith.constant 0 : i32
    %c0_i32_1 = arith.constant 0 : i32
    return %c0_i32, %c0_i32_0 : i32, i32
  }
  func.func @transform_9(%arg0: i32, %arg1: i32) -> (i32, i32) {
    %c0_i32 = arith.constant 0 : i32
    %c0_i32_0 = arith.constant 0 : i32
    %c0_i32_1 = arith.constant 0 : i32
    return %c0_i32, %c0_i32_0 : i32, i32
  }
  func.func @transform_10(%arg0: i32, %arg1: i32) -> (i32, i32) {
    %c0_i32 = arith.constant 0 : i32
    %c0_i32_0 = arith.constant 0 : i32
    %c0_i32_1 = arith.constant 0 : i32
    return %c0_i32, %c0_i32_0 : i32, i32
  }
  func.func @transform_11(%arg0: i32, %arg1: i32) -> (i32, i32) {
    %c0_i32 = arith.constant 0 : i32
    %c0_i32_0 = arith.constant 0 : i32
    %c0_i32_1 = arith.constant 0 : i32
    return %c0_i32, %c0_i32_0 : i32, i32
  }
  func.func @transform_12(%arg0: i32, %arg1: i32) -> (i32, i32) {
    %c0_i32 = arith.constant 0 : i32
    %c0_i32_0 = arith.constant 0 : i32
    %c0_i32_1 = arith.constant 0 : i32
    return %c0_i32, %c0_i32_0 : i32, i32
  }
  func.func @transform_13(%arg0: i32, %arg1: i32) -> (i32, i32) {
    %c0_i32 = arith.constant 0 : i32
    %c0_i32_0 = arith.constant 0 : i32
    %c0_i32_1 = arith.constant 0 : i32
    return %c0_i32, %c0_i32_0 : i32, i32
  }
  func.func @transform_14(%arg0: i32, %arg1: i32) -> (i32, i32) {
    %c0_i32 = arith.constant 0 : i32
    %c0_i32_0 = arith.constant 0 : i32
    %c0_i32_1 = arith.constant 0 : i32
    return %c0_i32, %c0_i32_0 : i32, i32
  }
  func.func @transform_15(%arg0: i32, %arg1: i32) -> (i32, i32) {
    %c0_i32 = arith.constant 0 : i32
    %c0_i32_0 = arith.constant 0 : i32
    %c0_i32_1 = arith.constant 0 : i32
    return %c0_i32, %c0_i32_0 : i32, i32
  }
  func.func @transform_16(%arg0: i32, %arg1: i32) -> (i32, i32) {
    %c0_i32 = arith.constant 0 : i32
    %c0_i32_0 = arith.constant 0 : i32
    %c0_i32_1 = arith.constant 0 : i32
    return %c0_i32, %c0_i32_0 : i32, i32
  }
  func.func @transform_17(%arg0: i32, %arg1: i32) -> (i32, i32) {
    %c0_i32 = arith.constant 0 : i32
    %c0_i32_0 = arith.constant 0 : i32
    %c0_i32_1 = arith.constant 0 : i32
    return %c0_i32, %c0_i32_0 : i32, i32
  }
  func.func @transform_18(%arg0: i32, %arg1: i32) -> (i32, i32, i32) {
    %c0_i32 = arith.constant 0 : i32
    %c0_i32_0 = arith.constant 0 : i32
    return %arg0, %arg1, %c0_i32 : i32, i32, i32
  }
  func.func @transform_19(%arg0: i32, %arg1: i32) -> (i32, i32, i32) {
    %c0_i32 = arith.constant 0 : i32
    %c0_i32_0 = arith.constant 0 : i32
    return %arg0, %arg1, %c0_i32 : i32, i32, i32
  }
  func.func @transform_20(%arg0: i32, %arg1: i32) -> (i32, i32, i32) {
    %c0_i32 = arith.constant 0 : i32
    %c0_i32_0 = arith.constant 0 : i32
    return %arg0, %arg1, %c0_i32 : i32, i32, i32
  }
  func.func @transform_21(%arg0: i32, %arg1: i32) -> (i32, i32, i32) {
    %c0_i32 = arith.constant 0 : i32
    %c0_i32_0 = arith.constant 0 : i32
    return %arg0, %arg1, %c0_i32 : i32, i32, i32
  }
}

module attributes {stable_mosaic.version = 14 : i64} {
  func.func @_post_head_body(%arg0: i32, %arg1: i32, %arg2: memref<8x1024x32xbf16, #tpu.memory_space<vmem>>, %arg3: memref<1x1024x256xf32, #tpu.memory_space<vmem>>, %arg4: memref<256x256xbf16, #tpu.memory_space<vmem>>, %arg5: memref<1x256xf32, #tpu.memory_space<vmem>>, %arg6: memref<1x256xf32, #tpu.memory_space<vmem>>, %arg7: memref<1x256xf32, #tpu.memory_space<vmem>>, %arg8: memref<256x1024xbf16, #tpu.memory_space<vmem>>, %arg9: memref<1x1024xf32, #tpu.memory_space<vmem>>, %arg10: memref<1024x256xbf16, #tpu.memory_space<vmem>>, %arg11: memref<1x256xf32, #tpu.memory_space<vmem>>, %arg12: memref<1x256xf32, #tpu.memory_space<vmem>>, %arg13: memref<1x256xf32, #tpu.memory_space<vmem>>, %arg14: memref<256x16xf32, #tpu.memory_space<vmem>>, %arg15: memref<1x16xf32, #tpu.memory_space<vmem>>, %arg16: memref<1x1x16xf32, #tpu.memory_space<vmem>>, %arg17: memref<1x256xf32, #tpu.memory_space<vmem>>) attributes {dimension_semantics = [#tpu.dimension_semantics<arbitrary>, #tpu.dimension_semantics<arbitrary>], iteration_bounds = array<i64: 4, 2>, scalar_prefetch = 0 : i64, scratch_operands = 1 : i64, tpu.core_type = #tpu.core_type<tc>, window_params = [{transform_indices = @transform_0, window_bounds = array<i64: 8, 1024, 32>}, {transform_indices = @transform_1, window_bounds = array<i64: 1, 1024, 256>}, {pipeline_mode = #tpu.pipeline_mode<synchronous>, transform_indices = @transform_2, window_bounds = array<i64: 256, 256>}, {pipeline_mode = #tpu.pipeline_mode<synchronous>, transform_indices = @transform_3, window_bounds = array<i64: 1, 256>}, {pipeline_mode = #tpu.pipeline_mode<synchronous>, transform_indices = @transform_4, window_bounds = array<i64: 1, 256>}, {pipeline_mode = #tpu.pipeline_mode<synchronous>, transform_indices = @transform_5, window_bounds = array<i64: 1, 256>}, {pipeline_mode = #tpu.pipeline_mode<synchronous>, transform_indices = @transform_6, window_bounds = array<i64: 256, 1024>}, {pipeline_mode = #tpu.pipeline_mode<synchronous>, transform_indices = @transform_7, window_bounds = array<i64: 1, 1024>}, {pipeline_mode = #tpu.pipeline_mode<synchronous>, transform_indices = @transform_8, window_bounds = array<i64: 1024, 256>}, {pipeline_mode = #tpu.pipeline_mode<synchronous>, transform_indices = @transform_9, window_bounds = array<i64: 1, 256>}, {pipeline_mode = #tpu.pipeline_mode<synchronous>, transform_indices = @transform_10, window_bounds = array<i64: 1, 256>}, {pipeline_mode = #tpu.pipeline_mode<synchronous>, transform_indices = @transform_11, window_bounds = array<i64: 1, 256>}, {pipeline_mode = #tpu.pipeline_mode<synchronous>, transform_indices = @transform_12, window_bounds = array<i64: 256, 16>}, {pipeline_mode = #tpu.pipeline_mode<synchronous>, transform_indices = @transform_13, window_bounds = array<i64: 1, 16>}, {transform_indices = @transform_14, window_bounds = array<i64: 1, 1, 16>}]} {
    %get3A = arith.constant 0 : index
    %get3A_0 = arith.constant 0 : index
    %get3A_1 = arith.constant 0 : index
    %get3A_2 = vector.load %arg2[%get3A, %get3A_0, %get3A_1] : memref<8x1024x32xbf16, #tpu.memory_space<vmem>>, vector<1x1024x32xbf16>
    %get3A_3 = vector.shape_cast %get3A_2 : vector<1x1024x32xbf16> to vector<1024x32xbf16>
    %get3A_4 = arith.constant 1 : index
    %get3A_5 = arith.constant 0 : index
    %get3A_6 = arith.constant 0 : index
    %get3A_7 = vector.load %arg2[%get3A_4, %get3A_5, %get3A_6] : memref<8x1024x32xbf16, #tpu.memory_space<vmem>>, vector<1x1024x32xbf16>
    %get3A_8 = vector.shape_cast %get3A_7 : vector<1x1024x32xbf16> to vector<1024x32xbf16>
    %get3A_9 = arith.constant 2 : index
    %get3A_10 = arith.constant 0 : index
    %get3A_11 = arith.constant 0 : index
    %get3A_12 = vector.load %arg2[%get3A_9, %get3A_10, %get3A_11] : memref<8x1024x32xbf16, #tpu.memory_space<vmem>>, vector<1x1024x32xbf16>
    %get3A_13 = vector.shape_cast %get3A_12 : vector<1x1024x32xbf16> to vector<1024x32xbf16>
    %get3A_14 = arith.constant 3 : index
    %get3A_15 = arith.constant 0 : index
    %get3A_16 = arith.constant 0 : index
    %get3A_17 = vector.load %arg2[%get3A_14, %get3A_15, %get3A_16] : memref<8x1024x32xbf16, #tpu.memory_space<vmem>>, vector<1x1024x32xbf16>
    %get3A_18 = vector.shape_cast %get3A_17 : vector<1x1024x32xbf16> to vector<1024x32xbf16>
    %get3A_19 = arith.constant 4 : index
    %get3A_20 = arith.constant 0 : index
    %get3A_21 = arith.constant 0 : index
    %get3A_22 = vector.load %arg2[%get3A_19, %get3A_20, %get3A_21] : memref<8x1024x32xbf16, #tpu.memory_space<vmem>>, vector<1x1024x32xbf16>
    %get3A_23 = vector.shape_cast %get3A_22 : vector<1x1024x32xbf16> to vector<1024x32xbf16>
    %get3A_24 = arith.constant 5 : index
    %get3A_25 = arith.constant 0 : index
    %get3A_26 = arith.constant 0 : index
    %get3A_27 = vector.load %arg2[%get3A_24, %get3A_25, %get3A_26] : memref<8x1024x32xbf16, #tpu.memory_space<vmem>>, vector<1x1024x32xbf16>
    %get3A_28 = vector.shape_cast %get3A_27 : vector<1x1024x32xbf16> to vector<1024x32xbf16>
    %get3A_29 = arith.constant 6 : index
    %get3A_30 = arith.constant 0 : index
    %get3A_31 = arith.constant 0 : index
    %get3A_32 = vector.load %arg2[%get3A_29, %get3A_30, %get3A_31] : memref<8x1024x32xbf16, #tpu.memory_space<vmem>>, vector<1x1024x32xbf16>
    %get3A_33 = vector.shape_cast %get3A_32 : vector<1x1024x32xbf16> to vector<1024x32xbf16>
    %get3A_34 = arith.constant 7 : index
    %get3A_35 = arith.constant 0 : index
    %get3A_36 = arith.constant 0 : index
    %get3A_37 = vector.load %arg2[%get3A_34, %get3A_35, %get3A_36] : memref<8x1024x32xbf16, #tpu.memory_space<vmem>>, vector<1x1024x32xbf16>
    %get3A_38 = vector.shape_cast %get3A_37 : vector<1x1024x32xbf16> to vector<1024x32xbf16>
    %concatenate3A = tpu.concatenate %get3A_3, %get3A_8, %get3A_13, %get3A_18, %get3A_23, %get3A_28, %get3A_33, %get3A_38 in 1 : vector<1024x32xbf16>, vector<1024x32xbf16>, vector<1024x32xbf16>, vector<1024x32xbf16>, vector<1024x32xbf16>, vector<1024x32xbf16>, vector<1024x32xbf16>, vector<1024x32xbf16> -> vector<1024x256xbf16>
    %get3A_39 = arith.constant 0 : index
    %get3A_40 = arith.constant 0 : index
    %get3A_41 = vector.load %arg4[%get3A_39, %get3A_40] : memref<256x256xbf16, #tpu.memory_space<vmem>>, vector<256x256xbf16>
    %dot_general3A = arith.constant dense<0.000000e+00> : vector<1024x256xf32>
    %dot_general3A_42 = tpu.matmul %concatenate3A, %get3A_41, %dot_general3A {dimension_numbers = #tpu.dot_dimension_numbers<[1], [0], [0], [1], [0, 0, 1, 1], [], []>, transpose_lhs_hint = false} : vector<1024x256xbf16>, vector<256x256xbf16>, vector<1024x256xf32> -> vector<1024x256xf32>
    %get3A_43 = arith.constant 0 : index
    %get3A_44 = arith.constant 0 : index
    %get3A_45 = vector.load %arg5[%get3A_43, %get3A_44] : memref<1x256xf32, #tpu.memory_space<vmem>>, vector<1x256xf32>
    %add3A = vector.broadcast %get3A_45 : vector<1x256xf32> to vector<1024x256xf32>
    %add3A_46 = arith.addf %dot_general3A_42, %add3A : vector<1024x256xf32>
    %get3A_47 = arith.constant 0 : index
    %get3A_48 = arith.constant 0 : index
    %get3A_49 = arith.constant 0 : index
    %get3A_50 = vector.load %arg3[%get3A_47, %get3A_48, %get3A_49] : memref<1x1024x256xf32, #tpu.memory_space<vmem>>, vector<1x1024x256xf32>
    %get3A_51 = vector.shape_cast %get3A_50 : vector<1x1024x256xf32> to vector<1024x256xf32>
    %add3A_52 = arith.addf %get3A_51, %add3A_46 : vector<1024x256xf32>
    %get3A_53 = arith.constant 0 : index
    %get3A_54 = arith.constant 0 : index
    %get3A_55 = vector.load %arg6[%get3A_53, %get3A_54] : memref<1x256xf32, #tpu.memory_space<vmem>>, vector<1x256xf32>
    %get3A_56 = arith.constant 0 : index
    %get3A_57 = arith.constant 0 : index
    %get3A_58 = vector.load %arg7[%get3A_56, %get3A_57] : memref<1x256xf32, #tpu.memory_space<vmem>>, vector<1x256xf32>
    %reduce_sum3A = arith.constant dense<0.000000e+00> : vector<1024xf32>
    %reduce_sum3A_59 = vector.multi_reduction <add>, %add3A_52, %reduce_sum3A [1] : vector<1024x256xf32> to vector<1024xf32>
    %broadcast_in_dim3A = vector.shape_cast %reduce_sum3A_59 : vector<1024xf32> to vector<1024x1xf32>
    %div3A = arith.constant 2.560000e+02 : f32
    %div3A_60 = vector.broadcast %div3A : f32 to vector<1024x1xf32>
    %div3A_61 = arith.divf %broadcast_in_dim3A, %div3A_60 : vector<1024x1xf32>
    %sub3A = vector.broadcast %div3A_61 : vector<1024x1xf32> to vector<1024x256xf32>
    %sub3A_62 = arith.subf %add3A_52, %sub3A : vector<1024x256xf32>
    %mul3A = arith.mulf %sub3A_62, %sub3A_62 : vector<1024x256xf32>
    %reduce_sum3A_63 = arith.constant dense<0.000000e+00> : vector<1024xf32>
    %reduce_sum3A_64 = vector.multi_reduction <add>, %mul3A, %reduce_sum3A_63 [1] : vector<1024x256xf32> to vector<1024xf32>
    %broadcast_in_dim3A_65 = vector.shape_cast %reduce_sum3A_64 : vector<1024xf32> to vector<1024x1xf32>
    %div3A_66 = arith.constant 2.560000e+02 : f32
    %div3A_67 = vector.broadcast %div3A_66 : f32 to vector<1024x1xf32>
    %div3A_68 = arith.divf %broadcast_in_dim3A_65, %div3A_67 : vector<1024x1xf32>
    %add3A_69 = arith.constant 9.99999974E-6 : f32
    %add3A_70 = vector.broadcast %add3A_69 : f32 to vector<1024x1xf32>
    %add3A_71 = arith.addf %div3A_68, %add3A_70 : vector<1024x1xf32>
    %sqrt3A = math.sqrt %add3A_71 : vector<1024x1xf32>
    %div3A_72 = vector.broadcast %sqrt3A : vector<1024x1xf32> to vector<1024x256xf32>
    %div3A_73 = arith.divf %sub3A_62, %div3A_72 : vector<1024x256xf32>
    %mul3A_74 = vector.broadcast %get3A_55 : vector<1x256xf32> to vector<1024x256xf32>
    %mul3A_75 = arith.mulf %div3A_73, %mul3A_74 : vector<1024x256xf32>
    %add3A_76 = vector.broadcast %get3A_58 : vector<1x256xf32> to vector<1024x256xf32>
    %add3A_77 = arith.addf %mul3A_75, %add3A_76 : vector<1024x256xf32>
    %convert_element_type3A = arith.truncf %add3A_77 : vector<1024x256xf32> to vector<1024x256xbf16>
    %get3A_78 = arith.constant 0 : index
    %get3A_79 = arith.constant 0 : index
    %get3A_80 = vector.load %arg8[%get3A_78, %get3A_79] : memref<256x1024xbf16, #tpu.memory_space<vmem>>, vector<256x1024xbf16>
    %dot_general3A_81 = arith.constant dense<0.000000e+00> : vector<1024x1024xf32>
    %dot_general3A_82 = tpu.matmul %convert_element_type3A, %get3A_80, %dot_general3A_81 {dimension_numbers = #tpu.dot_dimension_numbers<[1], [0], [0], [1], [0, 0, 1, 1], [], []>, transpose_lhs_hint = false} : vector<1024x256xbf16>, vector<256x1024xbf16>, vector<1024x1024xf32> -> vector<1024x1024xf32>
    %get3A_83 = arith.constant 0 : index
    %get3A_84 = arith.constant 0 : index
    %get3A_85 = vector.load %arg9[%get3A_83, %get3A_84] : memref<1x1024xf32, #tpu.memory_space<vmem>>, vector<1x1024xf32>
    %add3A_86 = vector.broadcast %get3A_85 : vector<1x1024xf32> to vector<1024x1024xf32>
    %add3A_87 = arith.addf %dot_general3A_82, %add3A_86 : vector<1024x1024xf32>
    %max3A = arith.constant 0.000000e+00 : f32
    %max3A_88 = vector.broadcast %max3A : f32 to vector<1024x1024xf32>
    %max3A_89 = arith.maximumf %add3A_87, %max3A_88 : vector<1024x1024xf32>
    %convert_element_type3A_90 = arith.truncf %max3A_89 : vector<1024x1024xf32> to vector<1024x1024xbf16>
    %get3A_91 = arith.constant 0 : index
    %get3A_92 = arith.constant 0 : index
    %get3A_93 = vector.load %arg10[%get3A_91, %get3A_92] : memref<1024x256xbf16, #tpu.memory_space<vmem>>, vector<1024x256xbf16>
    %dot_general3A_94 = arith.constant dense<0.000000e+00> : vector<1024x256xf32>
    %dot_general3A_95 = tpu.matmul %convert_element_type3A_90, %get3A_93, %dot_general3A_94 {dimension_numbers = #tpu.dot_dimension_numbers<[1], [0], [0], [1], [0, 0, 1, 1], [], []>, transpose_lhs_hint = false} : vector<1024x1024xbf16>, vector<1024x256xbf16>, vector<1024x256xf32> -> vector<1024x256xf32>
    %get3A_96 = arith.constant 0 : index
    %get3A_97 = arith.constant 0 : index
    %get3A_98 = vector.load %arg11[%get3A_96, %get3A_97] : memref<1x256xf32, #tpu.memory_space<vmem>>, vector<1x256xf32>
    %add3A_99 = vector.broadcast %get3A_98 : vector<1x256xf32> to vector<1024x256xf32>
    %add3A_100 = arith.addf %dot_general3A_95, %add3A_99 : vector<1024x256xf32>
    %add3A_101 = arith.addf %add3A_77, %add3A_100 : vector<1024x256xf32>
    %get3A_102 = arith.constant 0 : index
    %get3A_103 = arith.constant 0 : index
    %get3A_104 = vector.load %arg12[%get3A_102, %get3A_103] : memref<1x256xf32, #tpu.memory_space<vmem>>, vector<1x256xf32>
    %get3A_105 = arith.constant 0 : index
    %get3A_106 = arith.constant 0 : index
    %get3A_107 = vector.load %arg13[%get3A_105, %get3A_106] : memref<1x256xf32, #tpu.memory_space<vmem>>, vector<1x256xf32>
    %reduce_sum3A_108 = arith.constant dense<0.000000e+00> : vector<1024xf32>
    %reduce_sum3A_109 = vector.multi_reduction <add>, %add3A_101, %reduce_sum3A_108 [1] : vector<1024x256xf32> to vector<1024xf32>
    %broadcast_in_dim3A_110 = vector.shape_cast %reduce_sum3A_109 : vector<1024xf32> to vector<1024x1xf32>
    %div3A_111 = arith.constant 2.560000e+02 : f32
    %div3A_112 = vector.broadcast %div3A_111 : f32 to vector<1024x1xf32>
    %div3A_113 = arith.divf %broadcast_in_dim3A_110, %div3A_112 : vector<1024x1xf32>
    %sub3A_114 = vector.broadcast %div3A_113 : vector<1024x1xf32> to vector<1024x256xf32>
    %sub3A_115 = arith.subf %add3A_101, %sub3A_114 : vector<1024x256xf32>
    %mul3A_116 = arith.mulf %sub3A_115, %sub3A_115 : vector<1024x256xf32>
    %reduce_sum3A_117 = arith.constant dense<0.000000e+00> : vector<1024xf32>
    %reduce_sum3A_118 = vector.multi_reduction <add>, %mul3A_116, %reduce_sum3A_117 [1] : vector<1024x256xf32> to vector<1024xf32>
    %broadcast_in_dim3A_119 = vector.shape_cast %reduce_sum3A_118 : vector<1024xf32> to vector<1024x1xf32>
    %div3A_120 = arith.constant 2.560000e+02 : f32
    %div3A_121 = vector.broadcast %div3A_120 : f32 to vector<1024x1xf32>
    %div3A_122 = arith.divf %broadcast_in_dim3A_119, %div3A_121 : vector<1024x1xf32>
    %add3A_123 = arith.constant 9.99999974E-6 : f32
    %add3A_124 = vector.broadcast %add3A_123 : f32 to vector<1024x1xf32>
    %add3A_125 = arith.addf %div3A_122, %add3A_124 : vector<1024x1xf32>
    %sqrt3A_126 = math.sqrt %add3A_125 : vector<1024x1xf32>
    %div3A_127 = vector.broadcast %sqrt3A_126 : vector<1024x1xf32> to vector<1024x256xf32>
    %div3A_128 = arith.divf %sub3A_115, %div3A_127 : vector<1024x256xf32>
    %mul3A_129 = vector.broadcast %get3A_104 : vector<1x256xf32> to vector<1024x256xf32>
    %mul3A_130 = arith.mulf %div3A_128, %mul3A_129 : vector<1024x256xf32>
    %add3A_131 = vector.broadcast %get3A_107 : vector<1x256xf32> to vector<1024x256xf32>
    %add3A_132 = arith.addf %mul3A_130, %add3A_131 : vector<1024x256xf32>
    %reduce_max3A = arith.constant dense<0xFF800000> : vector<256xf32>
    %reduce_max3A_133 = vector.multi_reduction <maximumf>, %add3A_132, %reduce_max3A [0] : vector<1024x256xf32> to vector<256xf32>
    %broadcast_in_dim3A_134 = vector.shape_cast %reduce_max3A_133 : vector<256xf32> to vector<1x256xf32>
    %eq3A = arith.constant 0 : i32
    %eq3A_135 = arith.cmpi eq, %arg1, %eq3A : i32
    %convert_element_type3A_136 = arith.extui %eq3A_135 : i1 to i32
    %cond3A = arith.constant 0 : i32
    %cond3A_137 = arith.cmpi ne, %convert_element_type3A_136, %cond3A : i32
    scf.if %cond3A_137 {
      %swap3A = arith.constant 0 : index
      %swap3A_147 = arith.constant 0 : index
      %swap3A_148 = vector.load %arg17[%swap3A, %swap3A_147] : memref<1x256xf32, #tpu.memory_space<vmem>>, vector<1x256xf32>
      tpu.vector_store %arg17[%swap3A, %swap3A_147], %broadcast_in_dim3A_134 {strides = array<i32>} : memref<1x256xf32, #tpu.memory_space<vmem>>, vector<1x256xf32>,
    } else {
    }
    %gt3A = arith.constant 0 : i32
    %gt3A_138 = arith.cmpi sgt, %arg1, %gt3A : i32
    %convert_element_type3A_139 = arith.extui %gt3A_138 : i1 to i32
    %cond3A_140 = arith.constant 0 : i32
    %cond3A_141 = arith.cmpi ne, %convert_element_type3A_139, %cond3A_140 : i32
    scf.if %cond3A_141 {
      %get3A_147 = arith.constant 0 : index
      %get3A_148 = arith.constant 0 : index
      %get3A_149 = vector.load %arg17[%get3A_147, %get3A_148] : memref<1x256xf32, #tpu.memory_space<vmem>>, vector<1x256xf32>
      %max3A_150 = arith.maximumf %get3A_149, %broadcast_in_dim3A_134 : vector<1x256xf32>
      %swap3A = arith.constant 0 : index
      %swap3A_151 = arith.constant 0 : index
      %swap3A_152 = vector.load %arg17[%swap3A, %swap3A_151] : memref<1x256xf32, #tpu.memory_space<vmem>>, vector<1x256xf32>
      tpu.vector_store %arg17[%swap3A, %swap3A_151], %max3A_150 {strides = array<i32>} : memref<1x256xf32, #tpu.memory_space<vmem>>, vector<1x256xf32>,
    } else {
    }
    %eq3A_142 = arith.constant 1 : i32
    %eq3A_143 = arith.cmpi eq, %arg1, %eq3A_142 : i32
    %convert_element_type3A_144 = arith.extui %eq3A_143 : i1 to i32
    %cond3A_145 = arith.constant 0 : i32
    %cond3A_146 = arith.cmpi ne, %convert_element_type3A_144, %cond3A_145 : i32
    scf.if %cond3A_146 {
      %get3A_147 = arith.constant 0 : index
      %get3A_148 = arith.constant 0 : index
      %get3A_149 = vector.load %arg17[%get3A_147, %get3A_148] : memref<1x256xf32, #tpu.memory_space<vmem>>, vector<1x256xf32>
      %get3A_150 = arith.constant 0 : index
      %get3A_151 = arith.constant 0 : index
      %get3A_152 = vector.load %arg14[%get3A_150, %get3A_151] : memref<256x16xf32, #tpu.memory_space<vmem>>, vector<256x16xf32>
      %dot_general3A_153 = arith.constant dense<0.000000e+00> : vector<1x16xf32>
      %dot_general3A_154 = tpu.matmul %get3A_149, %get3A_152, %dot_general3A_153 {dimension_numbers = #tpu.dot_dimension_numbers<[1], [0], [0], [1], [0, 0, 1, 1], [], []>, transpose_lhs_hint = false} : vector<1x256xf32>, vector<256x16xf32>, vector<1x16xf32> -> vector<1x16xf32>
      %get3A_155 = arith.constant 0 : index
      %get3A_156 = arith.constant 0 : index
      %get3A_157 = vector.load %arg15[%get3A_155, %get3A_156] : memref<1x16xf32, #tpu.memory_space<vmem>>, vector<1x16xf32>
      %add3A_158 = arith.addf %dot_general3A_154, %get3A_157 : vector<1x16xf32>
      %swap3A = arith.constant 0 : index
      %swap3A_159 = arith.constant 0 : index
      %swap3A_160 = arith.constant 0 : index
      %swap3A_161 = vector.load %arg16[%swap3A, %swap3A_159, %swap3A_160] : memref<1x1x16xf32, #tpu.memory_space<vmem>>, vector<1x1x16xf32>
      %swap3A_162 = vector.shape_cast %swap3A_161 : vector<1x1x16xf32> to vector<1x16xf32>
      %swap3A_163 = vector.shape_cast %add3A_158 : vector<1x16xf32> to vector<1x1x16xf32>
      tpu.vector_store %arg16[%swap3A, %swap3A_159, %swap3A_160], %swap3A_163 {strides = array<i32>} : memref<1x1x16xf32, #tpu.memory_space<vmem>>, vector<1x1x16xf32>,
    } else {
    }
    return
  }
  func.func @transform_0(%arg0: i32, %arg1: i32) -> (i32, i32, i32) {
    %c0_i32 = arith.constant 0 : i32
    %c0_i32_0 = arith.constant 0 : i32
    return %arg0, %arg1, %c0_i32 : i32, i32, i32
  }
  func.func @transform_1(%arg0: i32, %arg1: i32) -> (i32, i32, i32) {
    %c0_i32 = arith.constant 0 : i32
    %c0_i32_0 = arith.constant 0 : i32
    return %arg0, %arg1, %c0_i32 : i32, i32, i32
  }
  func.func @transform_2(%arg0: i32, %arg1: i32) -> (i32, i32) {
    %c0_i32 = arith.constant 0 : i32
    %c0_i32_0 = arith.constant 0 : i32
    %c0_i32_1 = arith.constant 0 : i32
    return %c0_i32, %c0_i32_0 : i32, i32
  }
  func.func @transform_3(%arg0: i32, %arg1: i32) -> (i32, i32) {
    %c0_i32 = arith.constant 0 : i32
    %c0_i32_0 = arith.constant 0 : i32
    %c0_i32_1 = arith.constant 0 : i32
    return %c0_i32, %c0_i32_0 : i32, i32
  }
  func.func @transform_4(%arg0: i32, %arg1: i32) -> (i32, i32) {
    %c0_i32 = arith.constant 0 : i32
    %c0_i32_0 = arith.constant 0 : i32
    %c0_i32_1 = arith.constant 0 : i32
    return %c0_i32, %c0_i32_0 : i32, i32
  }
  func.func @transform_5(%arg0: i32, %arg1: i32) -> (i32, i32) {
    %c0_i32 = arith.constant 0 : i32
    %c0_i32_0 = arith.constant 0 : i32
    %c0_i32_1 = arith.constant 0 : i32
    return %c0_i32, %c0_i32_0 : i32, i32
  }
  func.func @transform_6(%arg0: i32, %arg1: i32) -> (i32, i32) {
    %c0_i32 = arith.constant 0 : i32
    %c0_i32_0 = arith.constant 0 : i32
    %c0_i32_1 = arith.constant 0 : i32
    return %c0_i32, %c0_i32_0 : i32, i32
  }
  func.func @transform_7(%arg0: i32, %arg1: i32) -> (i32, i32) {
    %c0_i32 = arith.constant 0 : i32
    %c0_i32_0 = arith.constant 0 : i32
    %c0_i32_1 = arith.constant 0 : i32
    return %c0_i32, %c0_i32_0 : i32, i32
  }
  func.func @transform_8(%arg0: i32, %arg1: i32) -> (i32, i32) {
    %c0_i32 = arith.constant 0 : i32
    %c0_i32_0 = arith.constant 0 : i32
    %c0_i32_1 = arith.constant 0 : i32
    return %c0_i32, %c0_i32_0 : i32, i32
  }
  func.func @transform_9(%arg0: i32, %arg1: i32) -> (i32, i32) {
    %c0_i32 = arith.constant 0 : i32
    %c0_i32_0 = arith.constant 0 : i32
    %c0_i32_1 = arith.constant 0 : i32
    return %c0_i32, %c0_i32_0 : i32, i32
  }
  func.func @transform_10(%arg0: i32, %arg1: i32) -> (i32, i32) {
    %c0_i32 = arith.constant 0 : i32
    %c0_i32_0 = arith.constant 0 : i32
    %c0_i32_1 = arith.constant 0 : i32
    return %c0_i32, %c0_i32_0 : i32, i32
  }
  func.func @transform_11(%arg0: i32, %arg1: i32) -> (i32, i32) {
    %c0_i32 = arith.constant 0 : i32
    %c0_i32_0 = arith.constant 0 : i32
    %c0_i32_1 = arith.constant 0 : i32
    return %c0_i32, %c0_i32_0 : i32, i32
  }
  func.func @transform_12(%arg0: i32, %arg1: i32) -> (i32, i32) {
    %c0_i32 = arith.constant 0 : i32
    %c0_i32_0 = arith.constant 0 : i32
    %c0_i32_1 = arith.constant 0 : i32
    return %c0_i32, %c0_i32_0 : i32, i32
  }
  func.func @transform_13(%arg0: i32, %arg1: i32) -> (i32, i32) {
    %c0_i32 = arith.constant 0 : i32
    %c0_i32_0 = arith.constant 0 : i32
    %c0_i32_1 = arith.constant 0 : i32
    return %c0_i32, %c0_i32_0 : i32, i32
  }
  func.func @transform_14(%arg0: i32, %arg1: i32) -> (i32, i32, i32) {
    %c0_i32 = arith.constant 0 : i32
    %c0_i32_0 = arith.constant 0 : i32
    %c0_i32_1 = arith.constant 0 : i32
    return %arg0, %c0_i32, %c0_i32_0 : i32, i32, i32
  }
}

</mosaic_0001>

<sc_bundles>
// kernel: kernel.8.cloned.1.call-start
scs
__scs_entry_jumppad:
0x0: {  	(pc) =	sbr.rel $0x88, $3  }
0x1: {  	(tag) =	ssettag $0x0;
	lr =	simm.s32 $0x1  }
0x2: {  	[smem:$0x3F8C] =	sst lr;
	_ =	strace $0xD0000000  }
0x3: {  	_ = 	snop  }
0x4: {  	_ = 	snop  }
0x5: {  	_ = 	snop  }
0x6: {  	_ = 	snop  }
0x7: {  	_ = 	snop  }
__scs_overlays_trampoline_lowered:
0x8: {  	[smem:$0x3F9B] =	sst s0  }
0x9: {  	[smem:$0x3F9C] =	sst s1  }
0xa: {  	[smem:$0x3F9D] =	sst s2  }
0xb: {  	[smem:$0x3F9E] =	sst s3  }
0xc: {  	[smem:$0x3F9F] =	sst s4  }
0xd: {  	[smem:$0x3FA0] =	sst s5  }
0xe: {  	[smem:$0x3FA1] =	sst s6  }
0xf: {  	[smem:$0x3FA2] =	sst s7  }
0x10: {  	[smem:$0x3FA3] =	sst s8  }
0x11: {  	[smem:$0x3FA4] =	sst s9;
	s0 =	simm.s32 @!p0 $0x0  }
0x12: {  	s1 =	sld [smem:$0x3F8A];
	s0 =	simm.s32 @p0 $0x1  }
0x13: {  	[smem:$0x3FA5] =	sst s0;
	s0 =	simm.s32 @!p1 $0x0  }
0x14: {  	s2 =	sld [smem:$0x3F89];
	s0 =	simm.s32 @p1 $0x1  }
0x15: {  	[smem:$0x3FA6] =	sst s0;
	s0 =	simm.s32 @!p2 $0x0  }
0x16: {  	s3 =	sld [smem:$0x3FDB];
	s0 =	simm.s32 @p2 $0x1  }
0x17: {  	s4 =	simm.s32 $0x1BF5;
	[smem:$0x3FA8] =	sst s0  }
0x18: {  	s0 =	sld [smem:$0x3F8B];
	_ =	swait.ge [sflag:s4], $0x0  }
0x19: {  	s7 =	sld [smem:$0x3F8C]  }
0x1a: {  	s8 =	sadd.s32 $0xFFFFE003, lr  }
0x1b: {  	s9 =	sadd.s32 $0xFFFFFEF7, lr;
	s5 =	simm.s32 $0xFFFFFFFF;
	p2 =	slt.u32 s8, $0xFFFFF086  }
0x1c: {  	p1 =	slt.u32 s9, $0xF7A;
	s5 =	simm.s32 @!p2 $0x0  }
0x1d: {  	s5 =	simm.s32 @p1 $0x1;
	p0 =	seq.s32 s7, s2  }
0x1e: {  	s7 =	smul.u32 @!p0 $0xF7A, s2;
	p2 =	seq.s32 @!p0 s5, $0x0  }
0x1f: {  	s9 =	smul.u32 $0xF7A, s1;
	s8 =	simm.s32 @!p0 $0x1BF5;
	p2 =	por !p2, p0  }
0x20: {  	[sflag:s8] =	ssyncset.s32 @!p0 $0xFFFFF086;
	s6 =	sadd.s32 @!p0 s3, s7;
	s7 =	simm.s32 @!p0 $0x108  }
0x21: {  	s3 =	sadd.s32 s3, s9;
	s6 =	sadd.s32 @!p0 $0x88, s6;
	s7 =	simm.s32 @p2 $0x1082  }
0x22: {  	[simem:s7], [sflag:s8] =	dma.local @!p0 [hbm:s6], $0xF7A  }
0x23: {  	s9 =	sor.u32 $0xD0000000, s2;
	s6 =	simm.s32 $0x108;
	_ =	swait.ge @!p0 [sflag:s8], $0x0  }
0x24: {  	s3 =	sadd.s32 $0x88, s3;
	s6 =	simm.s32 @!p1 $0x1082;
	[sflag:s4] =	ssyncset.s32 $0xFFFFF086  }
0x25: {  	[simem:s6], [sflag:s4] =	dma.local [hbm:s3], $0xF7A  }
0x26: {  	[smem:$0x3F8C] =	sst s1;
	(tag) =	ssettag s2;
	_ =	strace s9  }
0x27: {  	s1 =	sld [smem:$0x3F9C]  }
0x28: {  	s2 =	sld [smem:$0x3F9D]  }
0x29: {  	s4 =	sld [smem:$0x3F9F]  }
0x2a: {  	p0 =	seq.s32 s5, $0x0;
	s5 =	sld [smem:$0x3FA0]  }
0x2b: {  	s6 =	sld [smem:$0x3FA1]  }
0x2c: {  	s7 =	sld [smem:$0x3FA2]  }
0x2d: {  	s3 =	simm.s32 $0x108;
	s8 =	sld [smem:$0x3FA3]  }
0x2e: {  	s3 =	simm.s32 @!p0 $0x1082;
	s9 =	sld [smem:$0x3FA4]  }
0x2f: {  	lr =	sadd.s32 s0, s3;
	s0 =	sld [smem:$0x3F9B]  }
0x30: {  	s3 =	sld [smem:$0x3F9E]  }
0x31: {  	[smem:$0x3FA7] =	sst s10  }
0x32: {  	s10 =	sld [smem:$0x3FA5];
	_ =	sdelay $0x3  }
0x33: {  	p0 =	seq.s32 s10, $0x1;
	s10 =	sld [smem:$0x3FA7];
	_ =	sdelay $0x3  }
0x34: {  	[smem:$0x3FA7] =	sst s10  }
0x35: {  	s10 =	sld [smem:$0x3FA6];
	_ =	sdelay $0x3  }
0x36: {  	p1 =	seq.s32 s10, $0x1;
	s10 =	sld [smem:$0x3FA7];
	_ =	sdelay $0x3  }
0x37: {  	[smem:$0x3FA7] =	sst s10  }
0x38: {  	s10 =	sld [smem:$0x3FA8]  }
0x39: {  	_ = 	snop;
	(pc) =	sbr.ind lr, $3  }
0x3a: {  	_ = 	snop  }
0x3b: {  	_ = 	snop  }
0x3c: {  	p2 =	seq.s32 s10, $0x1;
	s10 =	sld [smem:$0x3FA7]  }
0x3d: {  	_ =	shalt  }
0x3e: {  	_ =	shalt  }
0x3f: {  	_ =	shalt  }
0x40: {  	_ =	shalt  }
0x41: {  	_ =	shalt  }
0x42: {  	_ =	shalt  }
0x43: {  	_ =	shalt  }
0x44: {  	_ =	shalt  }
0x45: {  	_ =	shalt  }
0x46: {  	_ =	shalt  }
0x47: {  	_ =	shalt  }
0x48: {  	_ =	shalt  }
0x49: {  	_ =	shalt  }
0x4a: {  	_ =	shalt  }
0x4b: {  	_ =	shalt  }
0x4c: {  	_ =	shalt  }
0x4d: {  	_ =	shalt  }
0x4e: {  	_ =	shalt  }
0x4f: {  	_ =	shalt  }
0x50: {  	_ =	shalt  }
0x51: {  	_ =	shalt  }
0x52: {  	_ =	shalt  }
0x53: {  	_ =	shalt  }
0x54: {  	_ =	shalt  }
0x55: {  	_ =	shalt  }
0x56: {  	_ =	shalt  }
0x57: {  	_ =	shalt  }
0x58: {  	_ =	shalt  }
0x59: {  	_ =	shalt  }
0x5a: {  	_ =	shalt  }
0x5b: {  	_ =	shalt  }
0x5c: {  	_ =	shalt  }
0x5d: {  	_ =	shalt  }
0x5e: {  	_ =	shalt  }
0x5f: {  	_ =	shalt  }
0x60: {  	_ =	shalt  }
0x61: {  	_ =	shalt  }
0x62: {  	_ =	shalt  }
0x63: {  	_ =	shalt  }
0x64: {  	_ =	shalt  }
0x65: {  	_ =	shalt  }
0x66: {  	_ =	shalt  }
0x67: {  	_ =	shalt  }
0x68: {  	_ =	shalt  }
0x69: {  	_ =	shalt  }
0x6a: {  	_ =	shalt  }
0x6b: {  	_ =	shalt  }
0x6c: {  	_ =	shalt  }
0x6d: {  	_ =	shalt  }
0x6e: {  	_ =	shalt  }
0x6f: {  	_ =	shalt  }
0x70: {  	_ =	shalt  }
0x71: {  	_ =	shalt  }
0x72: {  	_ =	shalt  }
0x73: {  	_ =	shalt  }
0x74: {  	_ =	shalt  }
0x75: {  	_ =	shalt  }
0x76: {  	_ =	shalt  }
0x77: {  	_ =	shalt  }
0x78: {  	_ =	shalt  }
0x79: {  	_ =	shalt  }
0x7a: {  	_ =	shalt  }
0x7b: {  	_ =	shalt  }
0x7c: {  	_ =	shalt  }
0x7d: {  	_ =	shalt  }
0x7e: {  	_ =	shalt  }
0x7f: {  	_ =	shalt  }
0x80: {  	_ =	shalt  }
0x81: {  	_ =	shalt  }
0x82: {  	_ =	shalt  }
0x83: {  	_ =	shalt  }
0x84: {  	_ =	shalt  }
0x85: {  	_ =	shalt  }
0x86: {  	_ =	shalt  }
0x87: {  	_ =	shalt  }
.Lfunc_end0:
.L_simem_size_0:
called_computation_lowered:
.L_overlay_start_0:
0x88: {  	s2 =	sld [smem:$0x3FD9]  }
0x89: {  	s3 =	sld [smem:$0x3FFE];
	_ =	sdelay $0x1  }
0x8a: {  	s1 =	srdreg.scid  }
0x8b: {  	s0 =	sand.u32 $0x1, s1  }
0x8c: {  	s14 =	sshll.u32 s0, $0xA;
	s2 =	sadd.s32 s3, s2  }
0x8d: {  	s2 =	sadd.s32 s2, s14  }
0x8e: {  	[smem:$0x3FB3] =	sst s2  }
0x8f: {  	_ = 	snop  }
0x90: {  	s2 =	sld [smem:$0x3FD0];
	_ =	sdelay $0x2  }
0x91: {  	s15 =	simm.s32 $0xA;
	s4 =	simm.s32 $0x10  }
0x92: {  	[smem:s4], [sflag:s15] =	dma.local [hbm:s2], $0x1  }
0x93: {  	_ =	swait.eq [sflag:s15], $0x1  }
0x94: {  	[sflag:s15] =	ssyncset.done $0x0  }
0x95: {  	s16 =	sld [smem:$0x10];
	[sflag:s15] =	ssyncadd.s32 $0xFFFFFFFF  }
0x96: {  	s17 =	sld [smem:$0x12];
	(tm) =	ssettm $0x1  }
0x97: {  	s18 =	sld [smem:$0x3FFB];
	_ =	sdelay $0x3  }
0x98: {  	_ =	strace s18  }
0x99: {  	s4 =	sld [smem:$0x3FFC];
	_ =	sdelay $0x3  }
0x9a: {  	_ =	strace s4  }
0x9b: {  	s4 =	sld [smem:$0x3FFD];
	_ =	sdelay $0x3  }
0x9c: {  	_ =	strace s4  }
0x9d: {  	_ =	strace $0x8FFFFFFF  }
0x9e: {  	s19 =	sld [smem:$0x3FDB];
	_ =	sdelay $0x1  }
0x9f: {  	s5 =	simm.s32 $_scs_section_size  }
0xa0: {  	s6 =	simm.s32 $_size__tile_overlayer_lowered;
	s7 =	simm.s32 $_tile_overlayer_lowered  }
0xa1: {  	s22 =	simm.s32 $0x1BFF;
	s21 =	sshll.u32 s7, $0x1;
	s4 =	sadd.s32 s5, s19  }
0xa2: {  	s8 =	simm.s32 $0x0;
	s20 =	sshll.u32 s6, $0x1;
	s6 =	sadd.s32 s21, s4  }
0xa3: {  	[timem:s8], [sflag:s22] =	dma.local [hbm:s6], s20  }
0xa4: {  	_ =	swait.ge [sflag:s22], s20  }
0xa5: {  	s5 =	ssub.s32 $0x0, s20;
	[sflag:s22] =	ssyncset.done $0x0  }
0xa6: {  	[sflag:s22] =	ssyncadd.s32 s5;
	_ =	sdelay $0x1  }
0xa7: {  	s23 =	simm.s32 $0x1B8B  }
0xa8: {  	_ =	swait.ge [sflag:s23], $0x1  }
0xa9: {  	[sflag:s23] =	ssyncset.done $0x0  }
0xaa: {  	s25 =	simm.s32 $0x1B8E;
	s24 =	sld [smem:$0x3FFE];
	[sflag:s23] =	ssyncadd.s32 $0xFFFFFFFF  }
0xab: {  	s26 =	simm.s32 $execute0_lowered;
	[smem:$0x3FD2] =	sst s25  }
0xac: {  	s6 =	sshll.u32 s26, $0x1;
	_ =	strace $0x80000046;
	[dreg:$0x1] =	wrdreg $0xFFFFFFFF  }
0xad: {  	s28 =	simm.s32 $_size_execute0_lowered;
	s4 =	sadd.s32 s4, s6;
	[dreg:$0x0] =	wrdreg $0x0  }
0xae: {  	s6 =	sshll.u32 s28, $0x1;
	[dreg:$0x2] =	wrdreg s4  }
0xaf: {  	[dreg:$0x3] =	wrdreg s6  }
0xb0: {  	[dreg:$0x4] =	wrdreg $0xC0  }
0xb1: {  	_ =	task [dreg:s8], $0x5FFFF  }
0xb2: {  	[dreg:$0x1] =	wrdreg $0xFFFFFFFF  }
0xb3: {  	[dreg:$0x0] =	wrdreg $0x60  }
0xb4: {  	[dreg:$0x2] =	wrdreg s17  }
0xb5: {  	[dreg:$0x3] =	wrdreg s16  }
0xb6: {  	[dreg:$0x4] =	wrdreg s24  }
0xb7: {  	[dreg:$0x5] =	wrdreg $0x9  }
0xb8: {  	_ =	task.clear_ibuf [dreg:s8], $0x6FFFF;
	_ =	strace $0x90000046  }
0xb9: {  	s29 =	simm.s32 $0x9;
	_ =	strace $0x80000048  }
0xba: {  	_ =	swait.ge [sflag:s29], $0x1  }
0xbb: {  	[sflag:s29] =	ssyncadd.s32 $0xFFFFFFFF  }
0xbc: {  	_ =	strace $0x90000048  }
0xbd: {  	_ =	sfence  }
0xbe: {  	s30 =	sld [smem:$0x0];
	_ =	sdelay $0x2  }
0xbf: {  	s31 =	sshll.u32 s1, $0xD;
	s1 =	sshrl.u32 s1, $0x2  }
0xc0: {  	s3 =	sand.u32 $0x4000, s31;
	s1 =	sadd.s32 s1, s30  }
0xc1: {  	s0 =	sor.u32 s3, s0;
	s1 =	sshll.u32 s1, $0x11  }
0xc2: {  	s0 =	sor.u32 s1, s0  }
0xc3: {  	s0 =	sadd.s32 $0x8F2B, s0  }
0xc4: {  	[sflag:s0] =	ssyncadd.remote.s32 $0x1  }
0xc5: {  	_ =	sfence.sel $0xFFFF  }
0xc6: {  	[dreg:$0x0] =	wrdreg $0xFFFFFFFF;
	(pc) =	sbr.abs _section_cstart, $3  }
0xc7: {  	[dreg:$0x1] =	wrdreg $0xFFFFFFFF  }
0xc8: {  	_ =	task.clear_ibuf [dreg:s8], $0x2FFFF;
	_ =	strace $0x9FFFFFFF  }
0xc9: {  	(tm) =	ssettm $0x7FFFFFFF  }
tec
execute0_lowered:
.L_overlay_start_1:
0x0: {  	(tag) =	ssettag $0x1  }
0x1: {  	s1 =	stileid.u32  }
0x2: {  	p0 =	sgt.u32 s1, $0x1  }
.Ltmp0:
0x3: {  	s3 =	rddreg [dreg:$0x0];
	(pc) =	sbr.rel @p0 .LBB2_4-.Ltmp0, $4  }
0x4: {  	s5 =	rddreg [dreg:$0x1]  }
0x5: {  	s7 =	rddreg [dreg:$0x2];
	s2 =	simm.s32 $0x0  }
0x6: {  	[smem:$0x7FF] =	sst s2  }
0x7: {  	s0 =	rddreg [dreg:$0x3];
	_ =	strace $0x80000047  }
0x8: {  	s4 =	srdreg.scid  }
0x9: {  	s6 =	sand.u32 $0x1, s4  }
0xa: {  	s28 =	sshll.u32 s1, $0x5;
	s8 =	sshll.u32 s6, $0x4  }
0xb: {  	s8 =	sor.u32 s8, s28  }
0xc: {  	s4 =	sadd.s32 s3, s8;
	s3 =	simm.s32 $0x1  }
0xd: {  	[tilespmem:s2], [sflag:$0x1] =	stream.linear.gather [hbm4b:s4+s2], $0x80, $0x38;
	[tilespmem:$0x180] =	vst v63  }
0xe: {  	_ =	swait.ge [sflag:s3], $0x80  }
0xf: {  	[sflag:s3] =	ssyncset.done $0x0  }
0x10: {  	[sflag:s3] =	ssyncadd.s32 $0xFFFFFF80  }
0x11: {  	v2 =	vld [tilespmem:$0x0];
	_ =	sdelay $0x4  }
0x12: {  	(xrf0) =	vmax.scan.msk.f32 $0xffff, v2;
	_ =	sdelay $0x5  }
0x13: {  	v3, _, _ =	vpop (xrf0)  }
0x14: {  	v4 =	vbroadcast v3, $0xF  }
0x15: {  	v0 =	vlaneseq.u32  }
0x16: {  	v1 =	vor.u32 $0x80000000, v0;
	vm0 =	veq.f32 v2, v4  }
0x17: {  	v4 =	vnsel vm0, $0x80000010, v1  }
0x18: {  	(xrf0) =	vmin.scan.msk.u32 $0xffff, v4;
	_ =	sdelay $0x5  }
0x19: {  	v4, _, _ =	vpop (xrf0)  }
0x1a: {  	(v2sf) =	vpush v4, $0xF;
	_ =	sdelay $0xe  }
0x1b: {  	s9 =	spop (v2sf)  }
0x1c: {  	s9 =	sxor.u32 $0x80000000, s9  }
0x1d: {  	v61 =	vmov s9  }
0x1e: {  	vm2 =	veq.s32 v61, v0  }
0x1f: {  	v2 =	vsel vm2, $0xFF800000, v2  }
0x20: {  	(xrf0) =	vmax.scan.msk.f32 $0xffff, v2;
	_ =	sdelay $0x5  }
0x21: {  	(v2sf) =	vpush v3, $0xF;
	v3, _, _ =	vpop (xrf0)  }
0x22: {  	(v2sf) =	vpush v3, $0xF;
	_ =	sdelay $0xd  }
0x23: {  	s10 =	spop (v2sf)  }
0x24: {  	s11 =	spop (v2sf)  }
0x25: {  	s10 =	ssub.f32 s11, s10  }
0x26: {  	v3 =	vbroadcast v3, $0xF  }
0x27: {  	v62 =	vmov s10  }
0x28: {  	vm0 =	veq.f32 v2, v3;
	v2 =	vmul.f32 $1.442695020e+00, v62  }
0x29: {  	v3 =	vnsel vm0, $0x80000010, v1  }
0x2a: {  	(xrf0) =	vmin.scan.msk.u32 $0xffff, v3;
	v2 =	vbroadcast v2, $0x0;
	_ =	sdelay $0x1  }
0x2b: {  	(erf) = vpow2.f32 v2;
	_ =	sdelay $0x3  }
0x2c: {  	v2, _, _ =	vpop (xrf0)  }
0x2d: {  	(v2sf) =	vpush v2, $0xF;
	_ =	sdelay $0x3  }
0x2e: {  	v2 =	vpop (erf)  }
0x2f: {  	v3 =	vadd.f32 $1.000000000e+00, v2;
	_ =	sdelay $0x1  }
0x30: {  	(erf) = vrcp.f32 v3;
	_ =	sdelay $0x7  }
0x31: {  	s29 =	spop (v2sf)  }
0x32: {  	s10 =	sxor.u32 $0x80000000, s29;
	v3 =	vpop (erf)  }
0x33: {  	vm0 =	vcmask $0x704;
	v63 =	vmov s10;
	v2 =	vmul.f32 v3, v2  }
0x34: {  	vm1 =	veq.s32 v0, $0x0;
	s30 =	ssub.s32 $0x2, s6;
	vm3 =	veq.s32 v63, v0;
	v4 =	vnsel vm0, $0x0, v63  }
0x35: {  	s31 =	sshrl.u32 s30, $0x1;
	v4 =	vsel vm1, s9, v4;
	v2 =	vnsel vm3, $0x0, v2  }
0x36: {  	s5 =	sadd.s32 s5, s8;
	s7 =	sadd.s32 s8, s7;
	s8 =	ssub.s32 s30, s31;
	[tilespmem:$0x100] =	vst v4;
	v2 =	vsel vm2, v3, v2  }
0x37: {  	s6 =	simm.s32 $0x80;
	s9 =	smax.u32 s8, $0x1;
	[tilespmem:$0x80] =	vst v2  }
0x38: {  	[hbm4b:s5+s2] =	stream.linear.scatter [tilespmem:s6], [sflag:$0x1], $0x80, $0x38;
	[tilespmem:$0x180] =	vst v63  }
0x39: {  	p0 =	sne.s32 s9, $0x1;
	_ =	swait.ge [sflag:s3], $0x80  }
.Ltmp1:
0x3a: {  	[sflag:s3] =	ssyncset.done $0x0;
	(pc) =	sbr.rel @!p0 .LBB2_3-.Ltmp1, $4  }
0x3b: {  	s7 =	sadd.s32 $0x4400, s7;
	s8 =	simm.s32 $0x100;
	[sflag:s3] =	ssyncadd.s32 $0xFFFFFF80  }
0x3c: {  	[hbm4b:s7+s2] =	stream.linear.scatter [tilespmem:s8], [sflag:$0x1], $0x80, $0x38;
	[tilespmem:$0x180] =	vst v63  }
0x3d: {  	_ =	swait.ge [sflag:s3], $0x80  }
0x3e: {  	s9 =	sadd.s32 $0xFFFFFFFF, s9;
	[sflag:s3] =	ssyncset.done $0x0  }
.LBB2_2:
0x3f: {  	p0 =	sne.s32 s9, $0x1;
	s9 =	sadd.s32 $0xFFFFFFFF, s9;
	[sflag:s3] =	ssyncadd.s32 $0xFFFFFF80  }
0x40: {  	[tilespmem:s2], [sflag:$0x1] =	stream.linear.gather [hbm4b:s4+s2], $0x80, $0x38;
	[tilespmem:$0x180] =	vst v63  }
0x41: {  	_ =	swait.ge [sflag:s3], $0x80  }
0x42: {  	[sflag:s3] =	ssyncset.done $0x0  }
0x43: {  	[sflag:s3] =	ssyncadd.s32 $0xFFFFFF80  }
0x44: {  	v2 =	vld [tilespmem:$0x0];
	_ =	sdelay $0x4  }
0x45: {  	(xrf0) =	vmax.scan.msk.f32 $0xffff, v2;
	_ =	sdelay $0x5  }
0x46: {  	v3, _, _ =	vpop (xrf0)  }
0x47: {  	v4 =	vbroadcast v3, $0xF;
	_ =	sdelay $0x1  }
0x48: {  	vm2 =	veq.f32 v2, v4  }
0x49: {  	v4 =	vnsel vm2, $0x80000010, v1  }
0x4a: {  	(xrf0) =	vmin.scan.msk.u32 $0xffff, v4;
	_ =	sdelay $0x5  }
0x4b: {  	v4, _, _ =	vpop (xrf0)  }
0x4c: {  	(v2sf) =	vpush v4, $0xF;
	_ =	sdelay $0xe  }
0x4d: {  	s10 =	spop (v2sf)  }
0x4e: {  	s10 =	sxor.u32 $0x80000000, s10  }
0x4f: {  	v4 =	vmov s10  }
0x50: {  	vm2 =	veq.s32 v4, v0  }
0x51: {  	v2 =	vsel vm2, $0xFF800000, v2  }
0x52: {  	(xrf0) =	vmax.scan.msk.f32 $0xffff, v2;
	_ =	sdelay $0x5  }
0x53: {  	(v2sf) =	vpush v3, $0xF;
	v3, _, _ =	vpop (xrf0)  }
0x54: {  	v4 =	vbroadcast v3, $0xF;
	(v2sf) =	vpush v3, $0xF;
	_ =	sdelay $0x1  }
0x55: {  	vm3 =	veq.f32 v2, v4  }
0x56: {  	v2 =	vnsel vm3, $0x80000010, v1  }
0x57: {  	(xrf0) =	vmin.scan.msk.u32 $0xffff, v2;
	_ =	sdelay $0x5  }
0x58: {  	v2, _, _ =	vpop (xrf0)  }
0x59: {  	(v2sf) =	vpush v2, $0xF;
	_ =	sdelay $0x2  }
0x5a: {  	s11 =	spop (v2sf)  }
0x5b: {  	s12 =	spop (v2sf)  }
0x5c: {  	s11 =	ssub.f32 s12, s11;
	_ =	sdelay $0x1  }
0x5d: {  	v2 =	vmov s11  }
0x5e: {  	v2 =	vmul.f32 $1.442695020e+00, v2;
	_ =	sdelay $0x1  }
0x5f: {  	v2 =	vbroadcast v2, $0x0;
	_ =	sdelay $0x1  }
0x60: {  	(erf) = vpow2.f32 v2;
	_ =	sdelay $0x2  }
0x61: {  	s11 =	spop (v2sf)  }
0x62: {  	s11 =	sxor.u32 $0x80000000, s11  }
0x63: {  	v2 =	vmov s11  }
0x64: {  	v3 =	vnsel vm0, $0x0, v2  }
0x65: {  	v4 =	vsel vm1, s10, v3  }
0x66: {  	[tilespmem:$0x100] =	vst v4  }
0x67: {  	v3 =	vpop (erf)  }
0x68: {  	v4 =	vadd.f32 $1.000000000e+00, v3;
	_ =	sdelay $0x1  }
0x69: {  	(erf) = vrcp.f32 v4;
	_ =	sdelay $0x8  }
0x6a: {  	v4 =	vpop (erf)  }
0x6b: {  	v3 =	vmul.f32 v4, v3  }
0x6c: {  	vm3 =	veq.s32 v2, v0  }
0x6d: {  	v2 =	vnsel vm3, $0x0, v3  }
0x6e: {  	v2 =	vsel vm2, v4, v2  }
0x6f: {  	[tilespmem:$0x80] =	vst v2  }
0x70: {  	[hbm4b:s5+s2] =	stream.linear.scatter [tilespmem:s6], [sflag:$0x1], $0x80, $0x38;
	[tilespmem:$0x180] =	vst v63  }
0x71: {  	_ =	swait.ge [sflag:s3], $0x80  }
.Ltmp2:
0x72: {  	[sflag:s3] =	ssyncset.done $0x0;
	(pc) =	sbr.rel @p0 .LBB2_2-.Ltmp2, $4  }
0x73: {  	[sflag:s3] =	ssyncadd.s32 $0xFFFFFF80  }
0x74: {  	[hbm4b:s7+s2] =	stream.linear.scatter [tilespmem:s8], [sflag:$0x1], $0x80, $0x38;
	[tilespmem:$0x180] =	vst v63  }
0x75: {  	_ =	swait.ge [sflag:s3], $0x80  }
0x76: {  	[sflag:s3] =	ssyncset.done $0x0  }
.LBB2_3:
0x77: {  	[sflag:s3] =	ssyncadd.s32 $0xFFFFFF80  }
.LBB2_4:
0x78: {  	_ =	sfence.sel $0x180000  }
0x79: {  	[bflag:$0x0] =	sbarrier.arrive $0xFFFF  }
0x7a: {  	p0 =	sne.s32 s1, $0x0;
	_ =	strace $0x90000047  }
0x7b: {  	s0 =	sadd.s32 @!p0 $0x100000, s0;
	[bflag:$0x2] =	sbarrier.arrive $0xFFFF  }
0x7c: {  	[sflag:s0] =	ssyncadd.tile.s32 @!p0 $0x1;
	_ =	shalt  }
.Lfunc_end2:
_tile_overlayer_lowered:
.L_overlay_start_2:
0x7d: {  	(tag) =	ssettag $0x2  }
0x7e: {  	s0 =	rddreg [dreg:$0x0];
	s2 =	stileid.u32  }
0x7f: {  	s1 =	rddreg [dreg:$0x1];
	p0 =	sne.s32 s2, $0x0  }
0x80: {  	s3 =	rddreg [dreg:$0x2];
	[bflag:$0x3] =	sbarrier.arrive $0xFFFF;
	s2 =	simm.s32 @!p0 $0x1C01  }
0x81: {  	[timem:s3], [sflag:s2] =	dma.local @!p0 [hbm:s0], s1  }
0x82: {  	s0 =	simm.s32 @!p0 $0x1  }
0x83: {  	_ =	swait.ge @!p0 [sflag:s0], s1  }
0x84: {  	s1 =	ssub.s32 @!p0 $0x0, s1;
	[sflag:s0] =	ssyncset.done @!p0 $0x0  }
0x85: {  	[sflag:s0] =	ssyncadd.s32 @!p0 s1  }
0x86: {  	[bflag:$0x3] =	sbarrier.arrive $0xFFFF  }
0x87: {  	_ =	shalt  }

</sc_bundles>
